<compile_context>
chip_gen: v7x
topology: tpu7x:2x2x1
jax: 0.10.2.dev20260603
libtpu: 0.0.44.dev20260713+nightly
codegen_flags: <defaults>
</compile_context>

<pallas_src>
import functools

import jax
import jax.numpy as jnp
from jax import lax
from jax.experimental import pallas as pl
from jax.experimental.pallas import tpu as pltpu
from jax.experimental.pallas import tpu_sc as plsc

_B = 4
_C = 8
_S = 8192
_N = 13
_NP = 16
_G = 48
_K = 6
_D = 8
_NROWS = _B * _S
_PK = 16
_PR = _NROWS // _PK
_NIDX = _B * _S * _NP
_NC, _NS = 2, 16
_NW = _NC * _NS
_IPW = _NIDX // _NW
_NCH = 4
_IPC = _IPW // _NCH


def _make_sc_gather():
    mesh = plsc.VectorSubcoreMesh(core_axis_name="c", subcore_axis_name="s")

    @functools.partial(
        pl.kernel,
        out_type=jax.ShapeDtypeStruct((_NIDX, _D), jnp.float32),
        mesh=mesh,
        scratch_types=[
            pltpu.VMEM((_IPC,), jnp.int32),
            pltpu.VMEM((_IPC, _D), jnp.float32),
            pltpu.VMEM((_IPC, _D), jnp.float32),
            pltpu.SemaphoreType.DMA,
            pltpu.SemaphoreType.DMA,
        ],
        compiler_params=pltpu.CompilerParams(use_tc_tiling_on_sc=False),
    )
    def gather_k(table_hbm, idx_hbm, out_hbm, idx_v, rows0, rows1, semg, semw):
        wid = lax.axis_index("s") * _NC + lax.axis_index("c")
        rows = (rows0, rows1)
        for t in range(_NCH):
            base = wid * _IPW + t * _IPC
            pltpu.sync_copy(idx_hbm.at[pl.ds(base, _IPC)], idx_v)
            if t >= 2:
                pltpu.make_async_copy(
                    rows[t % 2],
                    out_hbm.at[pl.ds(base - 2 * _IPC, _IPC)], semw).wait()
            pltpu.async_copy(table_hbm.at[idx_v], rows[t % 2], semg).wait()
            pltpu.async_copy(rows[t % 2],
                             out_hbm.at[pl.ds(base, _IPC)], semw)
        for t in range(_NCH - 2, _NCH):
            base = wid * _IPW + t * _IPC
            pltpu.make_async_copy(
                rows[t % 2], out_hbm.at[pl.ds(base, _IPC)], semw).wait()

    return gather_k


def _bdot(a, b):
    return lax.dot_general(a, b, (((1,), (0,)), ((), ())),
                           preferred_element_type=jnp.float32)


def _layer_body(nout, r_ref, w_ref, b_ref, o_ref):
    j = pl.program_id(0)
    r = r_ref[...]
    rhi = r.astype(jnp.bfloat16)
    rlo = (r - rhi.astype(jnp.float32)).astype(jnp.bfloat16)
    w = w_ref[...]
    whi = w.astype(jnp.bfloat16)
    wlo = (w - whi.astype(jnp.float32)).astype(jnp.bfloat16)
    x = _bdot(rhi, whi) + (_bdot(rhi, wlo) + _bdot(rlo, whi))
    x = x + b_ref[...]
    sp = jnp.maximum(x, 0.0) + jnp.log(1.0 + jnp.exp(-jnp.abs(x)))
    go = w_ref.shape[1]
    rowo = lax.broadcasted_iota(jnp.int32, (go, 1), 0) % nout
    colio = lax.broadcasted_iota(jnp.int32, (1, _PK * _D), 1)
    m01 = jnp.where(colio == j * _D + rowo, 1.0, 0.0).astype(jnp.bfloat16)
    part = _bdot(sp.astype(jnp.bfloat16), m01) * (1.0 / _G)

    @pl.when(j == 0)
    def _():
        o_ref[...] = jnp.zeros_like(o_ref)

    o_ref[...] += part


def _layer_tc(rows, w, bias, nout):
    go = w.shape[1]
    return pl.pallas_call(
        functools.partial(_layer_body, nout),
        grid=(_PK,),
        in_specs=[
            pl.BlockSpec((_PR, _NP * _D), lambda j: (j, 0)),
            pl.BlockSpec((_NP * _D, go), lambda j: (0, 0)),
            pl.BlockSpec((1, go), lambda j: (0, 0)),
        ],
        out_specs=pl.BlockSpec((_PR, _PK * _D), lambda j: (0, 0)),
        out_shape=jax.ShapeDtypeStruct((_PR, _PK * _D), jnp.float32),
    )(rows, w, bias)


def _final_body(r_ref, sh_ref, k1_ref, d1_ref, o_ref):
    j = pl.program_id(0)
    sh = sh_ref[...]
    kio = lax.broadcasted_iota(jnp.int32, (1, _K * _G), 1) // _G
    mask2 = (sh == kio).astype(jnp.float32)
    r = r_ref[...]
    rhi = r.astype(jnp.bfloat16)
    rlo = (r - rhi.astype(jnp.float32)).astype(jnp.bfloat16)
    k1 = k1_ref[...]
    khi = k1.astype(jnp.bfloat16)
    klo = (k1 - khi.astype(jnp.float32)).astype(jnp.bfloat16)
    c1 = _bdot(rhi, khi) + (_bdot(rhi, klo) + _bdot(rlo, khi))
    s1 = jnp.sum(mask2 * c1, axis=0, keepdims=True)
    part = jnp.dot(s1, d1_ref[...], preferred_element_type=jnp.float32,
                   precision=lax.Precision.HIGHEST)

    @pl.when(j == 0)
    def _():
        o_ref[...] = jnp.zeros_like(o_ref)

    o_ref[pl.ds(j // (_PK // _B), 1), :] += part


def _final_tc(rows, shells2d, k1, d1):
    kg = k1.shape[1]
    return pl.pallas_call(
        _final_body,
        grid=(_PK,),
        in_specs=[
            pl.BlockSpec((_PR, _NP * _D), lambda j: (j, 0)),
            pl.BlockSpec((_PR, 1), lambda j: (j, 0)),
            pl.BlockSpec((_NP * _D, kg), lambda j: (0, 0)),
            pl.BlockSpec((kg, 3), lambda j: (0, 0)),
        ],
        out_specs=pl.BlockSpec((_B, 3), lambda j: (0, 0)),
        out_shape=jax.ShapeDtypeStruct((_B, 3), jnp.float32),
    )(rows, shells2d, k1, d1)


def kernel(InState, NNsites, GnnPerms, SitesToShells, gdiags,
           Psi0, b0, Psi1, b1, Psi2, b2, Psi3, b3, Psi4, b4, PsiR, VR):
    f32 = jnp.float32
    x = jnp.transpose(InState, (0, 2, 1))
    x = jnp.pad(x, ((0, 0), (0, 0), (0, _D - x.shape[2])))
    table = (x.reshape(_PK, _PR, _D).transpose(1, 0, 2)
             .reshape(_PR, _PK * _D))

    self_idx = jnp.broadcast_to(
        jnp.arange(_S, dtype=NNsites.dtype)[:, None], (_S, _NP - _N))
    nn = jnp.concatenate([NNsites.T, self_idx], axis=1)
    zn = (jnp.arange(_B, dtype=jnp.int32)[:, None, None] * _S
          + nn[None, :, :]).reshape(_NIDX)
    idx = _PK * (zn % _PR) + zn // _PR

    ws, bs, nos = [], [], []
    for psi, bias in ((Psi0, b0), (Psi1, b1), (Psi2, b2), (Psi3, b3), (Psi4, b4)):
        o, cin, _ = psi.shape
        psip = jnp.pad(psi, ((0, 0), (0, _C - cin), (0, 0)))
        psig = psip[:, :, GnnPerms]
        w = jnp.transpose(psig, (3, 1, 2, 0)).reshape(_N * _C, _G * o)
        w = jnp.pad(w, ((0, (_NP - _N) * _C), (0, 0)))
        ws.append(w.astype(f32))
        bs.append(jnp.tile(bias, _G)[None, :].astype(f32))
        nos.append(o)

    sc_gather = _make_sc_gather()
    for l in range(5):
        rows = sc_gather(table.reshape(_NROWS, _D), idx).reshape(_NROWS, _NP * _D)
        table = _layer_tc(rows, ws[l], bs[l], nos[l])

    rows = sc_gather(table.reshape(_NROWS, _D), idx).reshape(_NROWS, _NP * _D)
    psirg = PsiR[:, GnnPerms]
    k1 = jnp.zeros((_N, _C, _K * _G), f32)
    k1 = k1.at[:, 0, :].set(jnp.transpose(psirg, (2, 0, 1)).reshape(_N, _K * _G))
    k1 = k1.reshape(_N * _C, _K * _G)
    k1 = jnp.pad(k1, ((0, (_NP - _N) * _C), (0, 0)))
    d1 = (jnp.einsum('kd,gde->kge', VR, gdiags) / _G).reshape(_K * _G, 3)
    shells2d = jnp.tile(SitesToShells.astype(jnp.int32), _B)[:, None]
    return _final_tc(rows, shells2d, k1, d1.astype(f32))

# --- scband reference (transcript-rebuilt; emitter-appended) ---
"""Pipeline reference for scband-gcnet-16655883174132 (READ-ONLY COPY).

The authoritative reference and input builder live on the scoring server;
editing this copy changes nothing except your own understanding.
"""

import jax, jax.numpy as jnp
import numpy as np

B = 4
NSPEC = 5
NSITES = 8192
NNGB = 13
NG = 48
NSHELLS = 6
DIM = 3
MEAN = 0.02
STD = 0.2
CHANNELS = [(NSPEC, 8), (8, 8), (8, 8), (8, 8), (8, 1)]


def setup_inputs(seed: int = 0):
    rng = np.random.RandomState(0)
    key = jax.random.key(seed)
    InState = jax.random.uniform(key, (B, NSPEC, NSITES), dtype=jnp.float32)
    NNsites = jnp.asarray(rng.randint(0, NSITES, size=(NNGB, NSITES)), dtype=jnp.int32)
    GnnPerms = jnp.asarray(np.stack([rng.permutation(NNGB) for _ in range(NG)]), dtype=jnp.int32)
    SitesToShells = jnp.asarray(rng.randint(0, NSHELLS, size=(NSITES,)), dtype=jnp.int32)
    gdiags = jnp.asarray(np.stack([np.linalg.qr(rng.randn(DIM, DIM))[0] for _ in range(NG)]), dtype=jnp.float32)
    inp = {"InState": InState, "NNsites": NNsites, "GnnPerms": GnnPerms,
           "SitesToShells": SitesToShells, "gdiags": gdiags}
    for i, (cin, cout) in enumerate(CHANNELS):
        inp["Psi%d" % i] = jnp.asarray(rng.normal(MEAN, STD, size=(cout, cin, NNGB)), dtype=jnp.float32)
        inp["b%d" % i] = jnp.asarray(rng.normal(MEAN, STD, size=(cout,)), dtype=jnp.float32)
    inp["PsiR"] = jnp.asarray(rng.normal(MEAN, STD, size=(NSHELLS, NNGB)), dtype=jnp.float32)
    inp["VR"] = jnp.asarray(rng.normal(MEAN, STD, size=(NSHELLS, DIM)), dtype=jnp.float32)
    return inp


def _gconv(In, Psi, bias, NNsites, GnnPerms):
    # In: [B, C, S]; gather each site's N_ngb neighbors, apply group-permuted filters.
    Ingb = In[:, :, NNsites]              # [B, C, NNGB, S]
    PsiG = Psi[:, :, GnnPerms]            # [O, C, NG, NNGB]
    out = jnp.einsum('ocgn,bcns->bogs', PsiG, Ingb)   # [B, O, NG, S]
    return out + bias[None, :, None, None]


def _forward(InState, Psis, biases, PsiR, VR, gdiags, NNsites, GnnPerms, SitesToShells):
    x = InState
    for Psi, bias in zip(Psis, biases):
        x = _gconv(x, Psi, bias, NNsites, GnnPerms)
        x = jax.nn.softplus(x)            # Softplus(beta=1.0)
        x = jnp.mean(x, axis=2)           # Gavg: mean over group dim
    # R3ConvSites: scalar field [B, 1, S] -> equivariant R^3 vector per batch
    xs = x[:, 0, :]                       # [B, S]
    Ingb = xs[:, NNsites]                 # [B, NNGB, S]
    Wg = PsiR[SitesToShells][:, GnnPerms] # [S, NG, NNGB] shell weights, group-permuted
    a = jnp.einsum('sgn,bns->bgs', Wg, Ingb)   # [B, NG, S]
    v = VR[SitesToShells]                 # [S, DIM] learned shell vectors
    y = jnp.einsum('bgs,sd,gde->be', a, v, gdiags) / NG   # group-averaged R^3 output
    return y


def reference(InState, NNsites, GnnPerms, SitesToShells, gdiags,
              Psi0, b0, Psi1, b1, Psi2, b2, Psi3, b3, Psi4, b4, PsiR, VR):
    Psis = (Psi0, Psi1, Psi2, Psi3, Psi4)
    biases = (b0, b1, b2, b3, b4)
    return _forward(InState, Psis, biases, PsiR, VR, gdiags, NNsites, GnnPerms, SitesToShells)

if __name__ == "__main__":
    import jax
    _d = setup_inputs()
    print(jax.jit(kernel)(*tuple(_d.values())))

</pallas_src>

<mosaic_0001>
#map = affine_map<(d0, d1) -> (0, 0)>
#map1 = affine_map<(d0, d1) -> (0)>
module attributes {stable_mosaic.version = 14 : i64} {
  func.func @gather_k(%arg0: i32, %arg1: i32, %arg2: memref<32768x8xf32, #tpu.memory_space<hbm>>, %arg3: memref<524288xi32, #tpu.memory_space<hbm>>, %arg4: memref<524288x8xf32, #tpu.memory_space<hbm>>, %arg5: memref<4096xi32, #tpu.memory_space<vmem>>, %arg6: memref<4096x8xf32, #tpu.memory_space<vmem>>, %arg7: memref<4096x8xf32, #tpu.memory_space<vmem>>, %arg8: memref<!tpu.dma_semaphore, #tpu.memory_space<semaphore_mem>>, %arg9: memref<!tpu.dma_semaphore, #tpu.memory_space<semaphore_mem>>) attributes {dimension_semantics = [#tpu.dimension_semantics<core_parallel>, #tpu.dimension_semantics<subcore_parallel>], iteration_bounds = array<i64: 2, 16>, scalar_prefetch = 0 : i64, scratch_operands = 5 : i64, tpu.core_type = #tpu.core_type<sc_vector_subcore>, window_params = [{transform_indices = #map}, {transform_indices = #map1}, {transform_indices = #map}]} {
    %mul3A = arith.constant 2 : i32
    %mul3A_0 = arith.muli %arg1, %mul3A : i32
    %add3A = arith.addi %mul3A_0, %arg0 : i32
    %mul3A_1 = arith.constant 16384 : i32
    %mul3A_2 = arith.muli %add3A, %mul3A_1 : i32
    %add3A_3 = arith.constant 0 : i32
    %add3A_4 = arith.addi %mul3A_2, %add3A_3 : i32
    "tpu.region"() ({
      %run_scoped3A = tpu.sem_alloc : memref<!tpu.dma_semaphore, #tpu.memory_space<semaphore_mem>>
      %dma_start3A_82 = tpu.memref_slice %arg3[%add3A_4] : memref<524288xi32, #tpu.memory_space<hbm>> -> memref<4096xi32, #tpu.memory_space<hbm>>
      %dma_start3A_83 = tpu.memref_slice %arg3[%add3A_4] : memref<524288xi32, #tpu.memory_space<hbm>> -> memref<4096xi32, #tpu.memory_space<hbm>>
      tpu.enqueue_dma source(%dma_start3A_83 : memref<4096xi32, #tpu.memory_space<hbm>>) target(%arg5 : memref<4096xi32, #tpu.memory_space<vmem>>) target_semaphore(%run_scoped3A : memref<!tpu.dma_semaphore, #tpu.memory_space<semaphore_mem>>)
      %dma_wait3A_84 = tpu.memref_slice %arg3[%add3A_4] : memref<524288xi32, #tpu.memory_space<hbm>> -> memref<4096xi32, #tpu.memory_space<hbm>>
      %dma_wait3A_85 = tpu.memref_slice %arg3[%add3A_4] : memref<524288xi32, #tpu.memory_space<hbm>> -> memref<4096xi32, #tpu.memory_space<hbm>>
      tpu.wait_dma2 semaphore(%run_scoped3A : memref<!tpu.dma_semaphore, #tpu.memory_space<semaphore_mem>>) src(%dma_wait3A_85 : memref<4096xi32, #tpu.memory_space<hbm>>) dst(%arg5 : memref<4096xi32, #tpu.memory_space<vmem>>)
      tpu.yield
    }) : () -> ()
    %dma_start3A = arith.constant 0 : i32
    %dma_start3A_5 = arith.constant 0 : i32
    %dma_start3A_6 = tpu.memref_slice %arg2[%dma_start3A, %dma_start3A_5] : memref<32768x8xf32, #tpu.memory_space<hbm>> -> memref<32768x8xf32, #tpu.memory_space<hbm>>
    tpu.enqueue_indirect_dma source(%dma_start3A_6 : memref<32768x8xf32, #tpu.memory_space<hbm>>) target(%arg6 : memref<4096x8xf32, #tpu.memory_space<vmem>>) offsets(%arg5 : memref<4096xi32, #tpu.memory_space<vmem>>) semaphore(%arg8 : memref<!tpu.dma_semaphore, #tpu.memory_space<semaphore_mem>>)
    %dma_wait3A = arith.constant 0 : i32
    %dma_wait3A_7 = arith.constant 0 : i32
    %dma_wait3A_8 = tpu.memref_slice %arg2[%dma_wait3A, %dma_wait3A_7] : memref<32768x8xf32, #tpu.memory_space<hbm>> -> memref<32768x8xf32, #tpu.memory_space<hbm>>
    tpu.wait_indirect_dma semaphore(%arg8 : memref<!tpu.dma_semaphore, #tpu.memory_space<semaphore_mem>>) src(%dma_wait3A_8 : memref<32768x8xf32, #tpu.memory_space<hbm>>) dst(%arg6 : memref<4096x8xf32, #tpu.memory_space<vmem>>)
    %dma_start3A_9 = arith.constant 0 : i32
    %dma_start3A_10 = tpu.memref_slice %arg4[%add3A_4, %dma_start3A_9] : memref<524288x8xf32, #tpu.memory_space<hbm>> -> memref<4096x8xf32, #tpu.memory_space<hbm>>
    %dma_start3A_11 = arith.constant 0 : i32
    %dma_start3A_12 = tpu.memref_slice %arg4[%add3A_4, %dma_start3A_11] : memref<524288x8xf32, #tpu.memory_space<hbm>> -> memref<4096x8xf32, #tpu.memory_space<hbm>>
    tpu.enqueue_dma source(%arg6 : memref<4096x8xf32, #tpu.memory_space<vmem>>) target(%dma_start3A_12 : memref<4096x8xf32, #tpu.memory_space<hbm>>) target_semaphore(%arg9 : memref<!tpu.dma_semaphore, #tpu.memory_space<semaphore_mem>>)
    %mul3A_13 = arith.constant 16384 : i32
    %mul3A_14 = arith.muli %add3A, %mul3A_13 : i32
    %add3A_15 = arith.constant 4096 : i32
    %add3A_16 = arith.addi %mul3A_14, %add3A_15 : i32
    "tpu.region"() ({
      %run_scoped3A = tpu.sem_alloc : memref<!tpu.dma_semaphore, #tpu.memory_space<semaphore_mem>>
      %dma_start3A_82 = tpu.memref_slice %arg3[%add3A_16] : memref<524288xi32, #tpu.memory_space<hbm>> -> memref<4096xi32, #tpu.memory_space<hbm>>
      %dma_start3A_83 = tpu.memref_slice %arg3[%add3A_16] : memref<524288xi32, #tpu.memory_space<hbm>> -> memref<4096xi32, #tpu.memory_space<hbm>>
      tpu.enqueue_dma source(%dma_start3A_83 : memref<4096xi32, #tpu.memory_space<hbm>>) target(%arg5 : memref<4096xi32, #tpu.memory_space<vmem>>) target_semaphore(%run_scoped3A : memref<!tpu.dma_semaphore, #tpu.memory_space<semaphore_mem>>)
      %dma_wait3A_84 = tpu.memref_slice %arg3[%add3A_16] : memref<524288xi32, #tpu.memory_space<hbm>> -> memref<4096xi32, #tpu.memory_space<hbm>>
      %dma_wait3A_85 = tpu.memref_slice %arg3[%add3A_16] : memref<524288xi32, #tpu.memory_space<hbm>> -> memref<4096xi32, #tpu.memory_space<hbm>>
      tpu.wait_dma2 semaphore(%run_scoped3A : memref<!tpu.dma_semaphore, #tpu.memory_space<semaphore_mem>>) src(%dma_wait3A_85 : memref<4096xi32, #tpu.memory_space<hbm>>) dst(%arg5 : memref<4096xi32, #tpu.memory_space<vmem>>)
      tpu.yield
    }) : () -> ()
    %dma_start3A_17 = arith.constant 0 : i32
    %dma_start3A_18 = arith.constant 0 : i32
    %dma_start3A_19 = tpu.memref_slice %arg2[%dma_start3A_17, %dma_start3A_18] : memref<32768x8xf32, #tpu.memory_space<hbm>> -> memref<32768x8xf32, #tpu.memory_space<hbm>>
    tpu.enqueue_indirect_dma source(%dma_start3A_19 : memref<32768x8xf32, #tpu.memory_space<hbm>>) target(%arg7 : memref<4096x8xf32, #tpu.memory_space<vmem>>) offsets(%arg5 : memref<4096xi32, #tpu.memory_space<vmem>>) semaphore(%arg8 : memref<!tpu.dma_semaphore, #tpu.memory_space<semaphore_mem>>)
    %dma_wait3A_20 = arith.constant 0 : i32
    %dma_wait3A_21 = arith.constant 0 : i32
    %dma_wait3A_22 = tpu.memref_slice %arg2[%dma_wait3A_20, %dma_wait3A_21] : memref<32768x8xf32, #tpu.memory_space<hbm>> -> memref<32768x8xf32, #tpu.memory_space<hbm>>
    tpu.wait_indirect_dma semaphore(%arg8 : memref<!tpu.dma_semaphore, #tpu.memory_space<semaphore_mem>>) src(%dma_wait3A_22 : memref<32768x8xf32, #tpu.memory_space<hbm>>) dst(%arg7 : memref<4096x8xf32, #tpu.memory_space<vmem>>)
    %dma_start3A_23 = arith.constant 0 : i32
    %dma_start3A_24 = tpu.memref_slice %arg4[%add3A_16, %dma_start3A_23] : memref<524288x8xf32, #tpu.memory_space<hbm>> -> memref<4096x8xf32, #tpu.memory_space<hbm>>
    %dma_start3A_25 = arith.constant 0 : i32
    %dma_start3A_26 = tpu.memref_slice %arg4[%add3A_16, %dma_start3A_25] : memref<524288x8xf32, #tpu.memory_space<hbm>> -> memref<4096x8xf32, #tpu.memory_space<hbm>>
    tpu.enqueue_dma source(%arg7 : memref<4096x8xf32, #tpu.memory_space<vmem>>) target(%dma_start3A_26 : memref<4096x8xf32, #tpu.memory_space<hbm>>) target_semaphore(%arg9 : memref<!tpu.dma_semaphore, #tpu.memory_space<semaphore_mem>>)
    %mul3A_27 = arith.constant 16384 : i32
    %mul3A_28 = arith.muli %add3A, %mul3A_27 : i32
    %add3A_29 = arith.constant 8192 : i32
    %add3A_30 = arith.addi %mul3A_28, %add3A_29 : i32
    "tpu.region"() ({
      %run_scoped3A = tpu.sem_alloc : memref<!tpu.dma_semaphore, #tpu.memory_space<semaphore_mem>>
      %dma_start3A_82 = tpu.memref_slice %arg3[%add3A_30] : memref<524288xi32, #tpu.memory_space<hbm>> -> memref<4096xi32, #tpu.memory_space<hbm>>
      %dma_start3A_83 = tpu.memref_slice %arg3[%add3A_30] : memref<524288xi32, #tpu.memory_space<hbm>> -> memref<4096xi32, #tpu.memory_space<hbm>>
      tpu.enqueue_dma source(%dma_start3A_83 : memref<4096xi32, #tpu.memory_space<hbm>>) target(%arg5 : memref<4096xi32, #tpu.memory_space<vmem>>) target_semaphore(%run_scoped3A : memref<!tpu.dma_semaphore, #tpu.memory_space<semaphore_mem>>)
      %dma_wait3A_84 = tpu.memref_slice %arg3[%add3A_30] : memref<524288xi32, #tpu.memory_space<hbm>> -> memref<4096xi32, #tpu.memory_space<hbm>>
      %dma_wait3A_85 = tpu.memref_slice %arg3[%add3A_30] : memref<524288xi32, #tpu.memory_space<hbm>> -> memref<4096xi32, #tpu.memory_space<hbm>>
      tpu.wait_dma2 semaphore(%run_scoped3A : memref<!tpu.dma_semaphore, #tpu.memory_space<semaphore_mem>>) src(%dma_wait3A_85 : memref<4096xi32, #tpu.memory_space<hbm>>) dst(%arg5 : memref<4096xi32, #tpu.memory_space<vmem>>)
      tpu.yield
    }) : () -> ()
    %sub3A = arith.constant 8192 : i32
    %sub3A_31 = arith.subi %add3A_30, %sub3A : i32
    %dma_wait3A_32 = arith.constant 0 : i32
    %dma_wait3A_33 = tpu.memref_slice %arg4[%sub3A_31, %dma_wait3A_32] : memref<524288x8xf32, #tpu.memory_space<hbm>> -> memref<4096x8xf32, #tpu.memory_space<hbm>>
    %dma_wait3A_34 = arith.constant 0 : i32
    %dma_wait3A_35 = tpu.memref_slice %arg4[%sub3A_31, %dma_wait3A_34] : memref<524288x8xf32, #tpu.memory_space<hbm>> -> memref<4096x8xf32, #tpu.memory_space<hbm>>
    tpu.wait_dma2 semaphore(%arg9 : memref<!tpu.dma_semaphore, #tpu.memory_space<semaphore_mem>>) src(%arg6 : memref<4096x8xf32, #tpu.memory_space<vmem>>) dst(%dma_wait3A_35 : memref<4096x8xf32, #tpu.memory_space<hbm>>)
    %dma_start3A_36 = arith.constant 0 : i32
    %dma_start3A_37 = arith.constant 0 : i32
    %dma_start3A_38 = tpu.memref_slice %arg2[%dma_start3A_36, %dma_start3A_37] : memref<32768x8xf32, #tpu.memory_space<hbm>> -> memref<32768x8xf32, #tpu.memory_space<hbm>>
    tpu.enqueue_indirect_dma source(%dma_start3A_38 : memref<32768x8xf32, #tpu.memory_space<hbm>>) target(%arg6 : memref<4096x8xf32, #tpu.memory_space<vmem>>) offsets(%arg5 : memref<4096xi32, #tpu.memory_space<vmem>>) semaphore(%arg8 : memref<!tpu.dma_semaphore, #tpu.memory_space<semaphore_mem>>)
    %dma_wait3A_39 = arith.constant 0 : i32
    %dma_wait3A_40 = arith.constant 0 : i32
    %dma_wait3A_41 = tpu.memref_slice %arg2[%dma_wait3A_39, %dma_wait3A_40] : memref<32768x8xf32, #tpu.memory_space<hbm>> -> memref<32768x8xf32, #tpu.memory_space<hbm>>
    tpu.wait_indirect_dma semaphore(%arg8 : memref<!tpu.dma_semaphore, #tpu.memory_space<semaphore_mem>>) src(%dma_wait3A_41 : memref<32768x8xf32, #tpu.memory_space<hbm>>) dst(%arg6 : memref<4096x8xf32, #tpu.memory_space<vmem>>)
    %dma_start3A_42 = arith.constant 0 : i32
    %dma_start3A_43 = tpu.memref_slice %arg4[%add3A_30, %dma_start3A_42] : memref<524288x8xf32, #tpu.memory_space<hbm>> -> memref<4096x8xf32, #tpu.memory_space<hbm>>
    %dma_start3A_44 = arith.constant 0 : i32
    %dma_start3A_45 = tpu.memref_slice %arg4[%add3A_30, %dma_start3A_44] : memref<524288x8xf32, #tpu.memory_space<hbm>> -> memref<4096x8xf32, #tpu.memory_space<hbm>>
    tpu.enqueue_dma source(%arg6 : memref<4096x8xf32, #tpu.memory_space<vmem>>) target(%dma_start3A_45 : memref<4096x8xf32, #tpu.memory_space<hbm>>) target_semaphore(%arg9 : memref<!tpu.dma_semaphore, #tpu.memory_space<semaphore_mem>>)
    %mul3A_46 = arith.constant 16384 : i32
    %mul3A_47 = arith.muli %add3A, %mul3A_46 : i32
    %add3A_48 = arith.constant 12288 : i32
    %add3A_49 = arith.addi %mul3A_47, %add3A_48 : i32
    "tpu.region"() ({
      %run_scoped3A = tpu.sem_alloc : memref<!tpu.dma_semaphore, #tpu.memory_space<semaphore_mem>>
      %dma_start3A_82 = tpu.memref_slice %arg3[%add3A_49] : memref<524288xi32, #tpu.memory_space<hbm>> -> memref<4096xi32, #tpu.memory_space<hbm>>
      %dma_start3A_83 = tpu.memref_slice %arg3[%add3A_49] : memref<524288xi32, #tpu.memory_space<hbm>> -> memref<4096xi32, #tpu.memory_space<hbm>>
      tpu.enqueue_dma source(%dma_start3A_83 : memref<4096xi32, #tpu.memory_space<hbm>>) target(%arg5 : memref<4096xi32, #tpu.memory_space<vmem>>) target_semaphore(%run_scoped3A : memref<!tpu.dma_semaphore, #tpu.memory_space<semaphore_mem>>)
      %dma_wait3A_84 = tpu.memref_slice %arg3[%add3A_49] : memref<524288xi32, #tpu.memory_space<hbm>> -> memref<4096xi32, #tpu.memory_space<hbm>>
      %dma_wait3A_85 = tpu.memref_slice %arg3[%add3A_49] : memref<524288xi32, #tpu.memory_space<hbm>> -> memref<4096xi32, #tpu.memory_space<hbm>>
      tpu.wait_dma2 semaphore(%run_scoped3A : memref<!tpu.dma_semaphore, #tpu.memory_space<semaphore_mem>>) src(%dma_wait3A_85 : memref<4096xi32, #tpu.memory_space<hbm>>) dst(%arg5 : memref<4096xi32, #tpu.memory_space<vmem>>)
      tpu.yield
    }) : () -> ()
    %sub3A_50 = arith.constant 8192 : i32
    %sub3A_51 = arith.subi %add3A_49, %sub3A_50 : i32
    %dma_wait3A_52 = arith.constant 0 : i32
    %dma_wait3A_53 = tpu.memref_slice %arg4[%sub3A_51, %dma_wait3A_52] : memref<524288x8xf32, #tpu.memory_space<hbm>> -> memref<4096x8xf32, #tpu.memory_space<hbm>>
    %dma_wait3A_54 = arith.constant 0 : i32
    %dma_wait3A_55 = tpu.memref_slice %arg4[%sub3A_51, %dma_wait3A_54] : memref<524288x8xf32, #tpu.memory_space<hbm>> -> memref<4096x8xf32, #tpu.memory_space<hbm>>
    tpu.wait_dma2 semaphore(%arg9 : memref<!tpu.dma_semaphore, #tpu.memory_space<semaphore_mem>>) src(%arg7 : memref<4096x8xf32, #tpu.memory_space<vmem>>) dst(%dma_wait3A_55 : memref<4096x8xf32, #tpu.memory_space<hbm>>)
    %dma_start3A_56 = arith.constant 0 : i32
    %dma_start3A_57 = arith.constant 0 : i32
    %dma_start3A_58 = tpu.memref_slice %arg2[%dma_start3A_56, %dma_start3A_57] : memref<32768x8xf32, #tpu.memory_space<hbm>> -> memref<32768x8xf32, #tpu.memory_space<hbm>>
    tpu.enqueue_indirect_dma source(%dma_start3A_58 : memref<32768x8xf32, #tpu.memory_space<hbm>>) target(%arg7 : memref<4096x8xf32, #tpu.memory_space<vmem>>) offsets(%arg5 : memref<4096xi32, #tpu.memory_space<vmem>>) semaphore(%arg8 : memref<!tpu.dma_semaphore, #tpu.memory_space<semaphore_mem>>)
    %dma_wait3A_59 = arith.constant 0 : i32
    %dma_wait3A_60 = arith.constant 0 : i32
    %dma_wait3A_61 = tpu.memref_slice %arg2[%dma_wait3A_59, %dma_wait3A_60] : memref<32768x8xf32, #tpu.memory_space<hbm>> -> memref<32768x8xf32, #tpu.memory_space<hbm>>
    tpu.wait_indirect_dma semaphore(%arg8 : memref<!tpu.dma_semaphore, #tpu.memory_space<semaphore_mem>>) src(%dma_wait3A_61 : memref<32768x8xf32, #tpu.memory_space<hbm>>) dst(%arg7 : memref<4096x8xf32, #tpu.memory_space<vmem>>)
    %dma_start3A_62 = arith.constant 0 : i32
    %dma_start3A_63 = tpu.memref_slice %arg4[%add3A_49, %dma_start3A_62] : memref<524288x8xf32, #tpu.memory_space<hbm>> -> memref<4096x8xf32, #tpu.memory_space<hbm>>
    %dma_start3A_64 = arith.constant 0 : i32
    %dma_start3A_65 = tpu.memref_slice %arg4[%add3A_49, %dma_start3A_64] : memref<524288x8xf32, #tpu.memory_space<hbm>> -> memref<4096x8xf32, #tpu.memory_space<hbm>>
    tpu.enqueue_dma source(%arg7 : memref<4096x8xf32, #tpu.memory_space<vmem>>) target(%dma_start3A_65 : memref<4096x8xf32, #tpu.memory_space<hbm>>) target_semaphore(%arg9 : memref<!tpu.dma_semaphore, #tpu.memory_space<semaphore_mem>>)
    %mul3A_66 = arith.constant 16384 : i32
    %mul3A_67 = arith.muli %add3A, %mul3A_66 : i32
    %add3A_68 = arith.constant 8192 : i32
    %add3A_69 = arith.addi %mul3A_67, %add3A_68 : i32
    %dma_wait3A_70 = arith.constant 0 : i32
    %dma_wait3A_71 = tpu.memref_slice %arg4[%add3A_69, %dma_wait3A_70] : memref<524288x8xf32, #tpu.memory_space<hbm>> -> memref<4096x8xf32, #tpu.memory_space<hbm>>
    %dma_wait3A_72 = arith.constant 0 : i32
    %dma_wait3A_73 = tpu.memref_slice %arg4[%add3A_69, %dma_wait3A_72] : memref<524288x8xf32, #tpu.memory_space<hbm>> -> memref<4096x8xf32, #tpu.memory_space<hbm>>
    tpu.wait_dma2 semaphore(%arg9 : memref<!tpu.dma_semaphore, #tpu.memory_space<semaphore_mem>>) src(%arg6 : memref<4096x8xf32, #tpu.memory_space<vmem>>) dst(%dma_wait3A_73 : memref<4096x8xf32, #tpu.memory_space<hbm>>)
    %mul3A_74 = arith.constant 16384 : i32
    %mul3A_75 = arith.muli %add3A, %mul3A_74 : i32
    %add3A_76 = arith.constant 12288 : i32
    %add3A_77 = arith.addi %mul3A_75, %add3A_76 : i32
    %dma_wait3A_78 = arith.constant 0 : i32
    %dma_wait3A_79 = tpu.memref_slice %arg4[%add3A_77, %dma_wait3A_78] : memref<524288x8xf32, #tpu.memory_space<hbm>> -> memref<4096x8xf32, #tpu.memory_space<hbm>>
    %dma_wait3A_80 = arith.constant 0 : i32
    %dma_wait3A_81 = tpu.memref_slice %arg4[%add3A_77, %dma_wait3A_80] : memref<524288x8xf32, #tpu.memory_space<hbm>> -> memref<4096x8xf32, #tpu.memory_space<hbm>>
    tpu.wait_dma2 semaphore(%arg9 : memref<!tpu.dma_semaphore, #tpu.memory_space<semaphore_mem>>) src(%arg7 : memref<4096x8xf32, #tpu.memory_space<vmem>>) dst(%dma_wait3A_81 : memref<4096x8xf32, #tpu.memory_space<hbm>>)
    return
  }
}

#map = affine_map<(d0, d1) -> (0, 0)>
#map1 = affine_map<(d0, d1) -> (0)>
module attributes {stable_mosaic.version = 14 : i64} {
  func.func @gather_k(%arg0: i32, %arg1: i32, %arg2: memref<32768x8xf32, #tpu.memory_space<hbm>>, %arg3: memref<524288xi32, #tpu.memory_space<hbm>>, %arg4: memref<524288x8xf32, #tpu.memory_space<hbm>>, %arg5: memref<4096xi32, #tpu.memory_space<vmem>>, %arg6: memref<4096x8xf32, #tpu.memory_space<vmem>>, %arg7: memref<4096x8xf32, #tpu.memory_space<vmem>>, %arg8: memref<!tpu.dma_semaphore, #tpu.memory_space<semaphore_mem>>, %arg9: memref<!tpu.dma_semaphore, #tpu.memory_space<semaphore_mem>>) attributes {dimension_semantics = [#tpu.dimension_semantics<core_parallel>, #tpu.dimension_semantics<subcore_parallel>], iteration_bounds = array<i64: 2, 16>, scalar_prefetch = 0 : i64, scratch_operands = 5 : i64, tpu.core_type = #tpu.core_type<sc_vector_subcore>, window_params = [{transform_indices = #map}, {transform_indices = #map1}, {transform_indices = #map}]} {
    %mul3A = arith.constant 2 : i32
    %mul3A_0 = arith.muli %arg1, %mul3A : i32
    %add3A = arith.addi %mul3A_0, %arg0 : i32
    %mul3A_1 = arith.constant 16384 : i32
    %mul3A_2 = arith.muli %add3A, %mul3A_1 : i32
    %add3A_3 = arith.constant 0 : i32
    %add3A_4 = arith.addi %mul3A_2, %add3A_3 : i32
    "tpu.region"() ({
      %run_scoped3A = tpu.sem_alloc : memref<!tpu.dma_semaphore, #tpu.memory_space<semaphore_mem>>
      %dma_start3A_82 = tpu.memref_slice %arg3[%add3A_4] : memref<524288xi32, #tpu.memory_space<hbm>> -> memref<4096xi32, #tpu.memory_space<hbm>>
      %dma_start3A_83 = tpu.memref_slice %arg3[%add3A_4] : memref<524288xi32, #tpu.memory_space<hbm>> -> memref<4096xi32, #tpu.memory_space<hbm>>
      tpu.enqueue_dma source(%dma_start3A_83 : memref<4096xi32, #tpu.memory_space<hbm>>) target(%arg5 : memref<4096xi32, #tpu.memory_space<vmem>>) target_semaphore(%run_scoped3A : memref<!tpu.dma_semaphore, #tpu.memory_space<semaphore_mem>>)
      %dma_wait3A_84 = tpu.memref_slice %arg3[%add3A_4] : memref<524288xi32, #tpu.memory_space<hbm>> -> memref<4096xi32, #tpu.memory_space<hbm>>
      %dma_wait3A_85 = tpu.memref_slice %arg3[%add3A_4] : memref<524288xi32, #tpu.memory_space<hbm>> -> memref<4096xi32, #tpu.memory_space<hbm>>
      tpu.wait_dma2 semaphore(%run_scoped3A : memref<!tpu.dma_semaphore, #tpu.memory_space<semaphore_mem>>) src(%dma_wait3A_85 : memref<4096xi32, #tpu.memory_space<hbm>>) dst(%arg5 : memref<4096xi32, #tpu.memory_space<vmem>>)
      tpu.yield
    }) : () -> ()
    %dma_start3A = arith.constant 0 : i32
    %dma_start3A_5 = arith.constant 0 : i32
    %dma_start3A_6 = tpu.memref_slice %arg2[%dma_start3A, %dma_start3A_5] : memref<32768x8xf32, #tpu.memory_space<hbm>> -> memref<32768x8xf32, #tpu.memory_space<hbm>>
    tpu.enqueue_indirect_dma source(%dma_start3A_6 : memref<32768x8xf32, #tpu.memory_space<hbm>>) target(%arg6 : memref<4096x8xf32, #tpu.memory_space<vmem>>) offsets(%arg5 : memref<4096xi32, #tpu.memory_space<vmem>>) semaphore(%arg8 : memref<!tpu.dma_semaphore, #tpu.memory_space<semaphore_mem>>)
    %dma_wait3A = arith.constant 0 : i32
    %dma_wait3A_7 = arith.constant 0 : i32
    %dma_wait3A_8 = tpu.memref_slice %arg2[%dma_wait3A, %dma_wait3A_7] : memref<32768x8xf32, #tpu.memory_space<hbm>> -> memref<32768x8xf32, #tpu.memory_space<hbm>>
    tpu.wait_indirect_dma semaphore(%arg8 : memref<!tpu.dma_semaphore, #tpu.memory_space<semaphore_mem>>) src(%dma_wait3A_8 : memref<32768x8xf32, #tpu.memory_space<hbm>>) dst(%arg6 : memref<4096x8xf32, #tpu.memory_space<vmem>>)
    %dma_start3A_9 = arith.constant 0 : i32
    %dma_start3A_10 = tpu.memref_slice %arg4[%add3A_4, %dma_start3A_9] : memref<524288x8xf32, #tpu.memory_space<hbm>> -> memref<4096x8xf32, #tpu.memory_space<hbm>>
    %dma_start3A_11 = arith.constant 0 : i32
    %dma_start3A_12 = tpu.memref_slice %arg4[%add3A_4, %dma_start3A_11] : memref<524288x8xf32, #tpu.memory_space<hbm>> -> memref<4096x8xf32, #tpu.memory_space<hbm>>
    tpu.enqueue_dma source(%arg6 : memref<4096x8xf32, #tpu.memory_space<vmem>>) target(%dma_start3A_12 : memref<4096x8xf32, #tpu.memory_space<hbm>>) target_semaphore(%arg9 : memref<!tpu.dma_semaphore, #tpu.memory_space<semaphore_mem>>)
    %mul3A_13 = arith.constant 16384 : i32
    %mul3A_14 = arith.muli %add3A, %mul3A_13 : i32
    %add3A_15 = arith.constant 4096 : i32
    %add3A_16 = arith.addi %mul3A_14, %add3A_15 : i32
    "tpu.region"() ({
      %run_scoped3A = tpu.sem_alloc : memref<!tpu.dma_semaphore, #tpu.memory_space<semaphore_mem>>
      %dma_start3A_82 = tpu.memref_slice %arg3[%add3A_16] : memref<524288xi32, #tpu.memory_space<hbm>> -> memref<4096xi32, #tpu.memory_space<hbm>>
      %dma_start3A_83 = tpu.memref_slice %arg3[%add3A_16] : memref<524288xi32, #tpu.memory_space<hbm>> -> memref<4096xi32, #tpu.memory_space<hbm>>
      tpu.enqueue_dma source(%dma_start3A_83 : memref<4096xi32, #tpu.memory_space<hbm>>) target(%arg5 : memref<4096xi32, #tpu.memory_space<vmem>>) target_semaphore(%run_scoped3A : memref<!tpu.dma_semaphore, #tpu.memory_space<semaphore_mem>>)
      %dma_wait3A_84 = tpu.memref_slice %arg3[%add3A_16] : memref<524288xi32, #tpu.memory_space<hbm>> -> memref<4096xi32, #tpu.memory_space<hbm>>
      %dma_wait3A_85 = tpu.memref_slice %arg3[%add3A_16] : memref<524288xi32, #tpu.memory_space<hbm>> -> memref<4096xi32, #tpu.memory_space<hbm>>
      tpu.wait_dma2 semaphore(%run_scoped3A : memref<!tpu.dma_semaphore, #tpu.memory_space<semaphore_mem>>) src(%dma_wait3A_85 : memref<4096xi32, #tpu.memory_space<hbm>>) dst(%arg5 : memref<4096xi32, #tpu.memory_space<vmem>>)
      tpu.yield
    }) : () -> ()
    %dma_start3A_17 = arith.constant 0 : i32
    %dma_start3A_18 = arith.constant 0 : i32
    %dma_start3A_19 = tpu.memref_slice %arg2[%dma_start3A_17, %dma_start3A_18] : memref<32768x8xf32, #tpu.memory_space<hbm>> -> memref<32768x8xf32, #tpu.memory_space<hbm>>
    tpu.enqueue_indirect_dma source(%dma_start3A_19 : memref<32768x8xf32, #tpu.memory_space<hbm>>) target(%arg7 : memref<4096x8xf32, #tpu.memory_space<vmem>>) offsets(%arg5 : memref<4096xi32, #tpu.memory_space<vmem>>) semaphore(%arg8 : memref<!tpu.dma_semaphore, #tpu.memory_space<semaphore_mem>>)
    %dma_wait3A_20 = arith.constant 0 : i32
    %dma_wait3A_21 = arith.constant 0 : i32
    %dma_wait3A_22 = tpu.memref_slice %arg2[%dma_wait3A_20, %dma_wait3A_21] : memref<32768x8xf32, #tpu.memory_space<hbm>> -> memref<32768x8xf32, #tpu.memory_space<hbm>>
    tpu.wait_indirect_dma semaphore(%arg8 : memref<!tpu.dma_semaphore, #tpu.memory_space<semaphore_mem>>) src(%dma_wait3A_22 : memref<32768x8xf32, #tpu.memory_space<hbm>>) dst(%arg7 : memref<4096x8xf32, #tpu.memory_space<vmem>>)
    %dma_start3A_23 = arith.constant 0 : i32
    %dma_start3A_24 = tpu.memref_slice %arg4[%add3A_16, %dma_start3A_23] : memref<524288x8xf32, #tpu.memory_space<hbm>> -> memref<4096x8xf32, #tpu.memory_space<hbm>>
    %dma_start3A_25 = arith.constant 0 : i32
    %dma_start3A_26 = tpu.memref_slice %arg4[%add3A_16, %dma_start3A_25] : memref<524288x8xf32, #tpu.memory_space<hbm>> -> memref<4096x8xf32, #tpu.memory_space<hbm>>
    tpu.enqueue_dma source(%arg7 : memref<4096x8xf32, #tpu.memory_space<vmem>>) target(%dma_start3A_26 : memref<4096x8xf32, #tpu.memory_space<hbm>>) target_semaphore(%arg9 : memref<!tpu.dma_semaphore, #tpu.memory_space<semaphore_mem>>)
    %mul3A_27 = arith.constant 16384 : i32
    %mul3A_28 = arith.muli %add3A, %mul3A_27 : i32
    %add3A_29 = arith.constant 8192 : i32
    %add3A_30 = arith.addi %mul3A_28, %add3A_29 : i32
    "tpu.region"() ({
      %run_scoped3A = tpu.sem_alloc : memref<!tpu.dma_semaphore, #tpu.memory_space<semaphore_mem>>
      %dma_start3A_82 = tpu.memref_slice %arg3[%add3A_30] : memref<524288xi32, #tpu.memory_space<hbm>> -> memref<4096xi32, #tpu.memory_space<hbm>>
      %dma_start3A_83 = tpu.memref_slice %arg3[%add3A_30] : memref<524288xi32, #tpu.memory_space<hbm>> -> memref<4096xi32, #tpu.memory_space<hbm>>
      tpu.enqueue_dma source(%dma_start3A_83 : memref<4096xi32, #tpu.memory_space<hbm>>) target(%arg5 : memref<4096xi32, #tpu.memory_space<vmem>>) target_semaphore(%run_scoped3A : memref<!tpu.dma_semaphore, #tpu.memory_space<semaphore_mem>>)
      %dma_wait3A_84 = tpu.memref_slice %arg3[%add3A_30] : memref<524288xi32, #tpu.memory_space<hbm>> -> memref<4096xi32, #tpu.memory_space<hbm>>
      %dma_wait3A_85 = tpu.memref_slice %arg3[%add3A_30] : memref<524288xi32, #tpu.memory_space<hbm>> -> memref<4096xi32, #tpu.memory_space<hbm>>
      tpu.wait_dma2 semaphore(%run_scoped3A : memref<!tpu.dma_semaphore, #tpu.memory_space<semaphore_mem>>) src(%dma_wait3A_85 : memref<4096xi32, #tpu.memory_space<hbm>>) dst(%arg5 : memref<4096xi32, #tpu.memory_space<vmem>>)
      tpu.yield
    }) : () -> ()
    %sub3A = arith.constant 8192 : i32
    %sub3A_31 = arith.subi %add3A_30, %sub3A : i32
    %dma_wait3A_32 = arith.constant 0 : i32
    %dma_wait3A_33 = tpu.memref_slice %arg4[%sub3A_31, %dma_wait3A_32] : memref<524288x8xf32, #tpu.memory_space<hbm>> -> memref<4096x8xf32, #tpu.memory_space<hbm>>
    %dma_wait3A_34 = arith.constant 0 : i32
    %dma_wait3A_35 = tpu.memref_slice %arg4[%sub3A_31, %dma_wait3A_34] : memref<524288x8xf32, #tpu.memory_space<hbm>> -> memref<4096x8xf32, #tpu.memory_space<hbm>>
    tpu.wait_dma2 semaphore(%arg9 : memref<!tpu.dma_semaphore, #tpu.memory_space<semaphore_mem>>) src(%arg6 : memref<4096x8xf32, #tpu.memory_space<vmem>>) dst(%dma_wait3A_35 : memref<4096x8xf32, #tpu.memory_space<hbm>>)
    %dma_start3A_36 = arith.constant 0 : i32
    %dma_start3A_37 = arith.constant 0 : i32
    %dma_start3A_38 = tpu.memref_slice %arg2[%dma_start3A_36, %dma_start3A_37] : memref<32768x8xf32, #tpu.memory_space<hbm>> -> memref<32768x8xf32, #tpu.memory_space<hbm>>
    tpu.enqueue_indirect_dma source(%dma_start3A_38 : memref<32768x8xf32, #tpu.memory_space<hbm>>) target(%arg6 : memref<4096x8xf32, #tpu.memory_space<vmem>>) offsets(%arg5 : memref<4096xi32, #tpu.memory_space<vmem>>) semaphore(%arg8 : memref<!tpu.dma_semaphore, #tpu.memory_space<semaphore_mem>>)
    %dma_wait3A_39 = arith.constant 0 : i32
    %dma_wait3A_40 = arith.constant 0 : i32
    %dma_wait3A_41 = tpu.memref_slice %arg2[%dma_wait3A_39, %dma_wait3A_40] : memref<32768x8xf32, #tpu.memory_space<hbm>> -> memref<32768x8xf32, #tpu.memory_space<hbm>>
    tpu.wait_indirect_dma semaphore(%arg8 : memref<!tpu.dma_semaphore, #tpu.memory_space<semaphore_mem>>) src(%dma_wait3A_41 : memref<32768x8xf32, #tpu.memory_space<hbm>>) dst(%arg6 : memref<4096x8xf32, #tpu.memory_space<vmem>>)
    %dma_start3A_42 = arith.constant 0 : i32
    %dma_start3A_43 = tpu.memref_slice %arg4[%add3A_30, %dma_start3A_42] : memref<524288x8xf32, #tpu.memory_space<hbm>> -> memref<4096x8xf32, #tpu.memory_space<hbm>>
    %dma_start3A_44 = arith.constant 0 : i32
    %dma_start3A_45 = tpu.memref_slice %arg4[%add3A_30, %dma_start3A_44] : memref<524288x8xf32, #tpu.memory_space<hbm>> -> memref<4096x8xf32, #tpu.memory_space<hbm>>
    tpu.enqueue_dma source(%arg6 : memref<4096x8xf32, #tpu.memory_space<vmem>>) target(%dma_start3A_45 : memref<4096x8xf32, #tpu.memory_space<hbm>>) target_semaphore(%arg9 : memref<!tpu.dma_semaphore, #tpu.memory_space<semaphore_mem>>)
    %mul3A_46 = arith.constant 16384 : i32
    %mul3A_47 = arith.muli %add3A, %mul3A_46 : i32
    %add3A_48 = arith.constant 12288 : i32
    %add3A_49 = arith.addi %mul3A_47, %add3A_48 : i32
    "tpu.region"() ({
      %run_scoped3A = tpu.sem_alloc : memref<!tpu.dma_semaphore, #tpu.memory_space<semaphore_mem>>
      %dma_start3A_82 = tpu.memref_slice %arg3[%add3A_49] : memref<524288xi32, #tpu.memory_space<hbm>> -> memref<4096xi32, #tpu.memory_space<hbm>>
      %dma_start3A_83 = tpu.memref_slice %arg3[%add3A_49] : memref<524288xi32, #tpu.memory_space<hbm>> -> memref<4096xi32, #tpu.memory_space<hbm>>
      tpu.enqueue_dma source(%dma_start3A_83 : memref<4096xi32, #tpu.memory_space<hbm>>) target(%arg5 : memref<4096xi32, #tpu.memory_space<vmem>>) target_semaphore(%run_scoped3A : memref<!tpu.dma_semaphore, #tpu.memory_space<semaphore_mem>>)
      %dma_wait3A_84 = tpu.memref_slice %arg3[%add3A_49] : memref<524288xi32, #tpu.memory_space<hbm>> -> memref<4096xi32, #tpu.memory_space<hbm>>
      %dma_wait3A_85 = tpu.memref_slice %arg3[%add3A_49] : memref<524288xi32, #tpu.memory_space<hbm>> -> memref<4096xi32, #tpu.memory_space<hbm>>
      tpu.wait_dma2 semaphore(%run_scoped3A : memref<!tpu.dma_semaphore, #tpu.memory_space<semaphore_mem>>) src(%dma_wait3A_85 : memref<4096xi32, #tpu.memory_space<hbm>>) dst(%arg5 : memref<4096xi32, #tpu.memory_space<vmem>>)
      tpu.yield
    }) : () -> ()
    %sub3A_50 = arith.constant 8192 : i32
    %sub3A_51 = arith.subi %add3A_49, %sub3A_50 : i32
    %dma_wait3A_52 = arith.constant 0 : i32
    %dma_wait3A_53 = tpu.memref_slice %arg4[%sub3A_51, %dma_wait3A_52] : memref<524288x8xf32, #tpu.memory_space<hbm>> -> memref<4096x8xf32, #tpu.memory_space<hbm>>
    %dma_wait3A_54 = arith.constant 0 : i32
    %dma_wait3A_55 = tpu.memref_slice %arg4[%sub3A_51, %dma_wait3A_54] : memref<524288x8xf32, #tpu.memory_space<hbm>> -> memref<4096x8xf32, #tpu.memory_space<hbm>>
    tpu.wait_dma2 semaphore(%arg9 : memref<!tpu.dma_semaphore, #tpu.memory_space<semaphore_mem>>) src(%arg7 : memref<4096x8xf32, #tpu.memory_space<vmem>>) dst(%dma_wait3A_55 : memref<4096x8xf32, #tpu.memory_space<hbm>>)
    %dma_start3A_56 = arith.constant 0 : i32
    %dma_start3A_57 = arith.constant 0 : i32
    %dma_start3A_58 = tpu.memref_slice %arg2[%dma_start3A_56, %dma_start3A_57] : memref<32768x8xf32, #tpu.memory_space<hbm>> -> memref<32768x8xf32, #tpu.memory_space<hbm>>
    tpu.enqueue_indirect_dma source(%dma_start3A_58 : memref<32768x8xf32, #tpu.memory_space<hbm>>) target(%arg7 : memref<4096x8xf32, #tpu.memory_space<vmem>>) offsets(%arg5 : memref<4096xi32, #tpu.memory_space<vmem>>) semaphore(%arg8 : memref<!tpu.dma_semaphore, #tpu.memory_space<semaphore_mem>>)
    %dma_wait3A_59 = arith.constant 0 : i32
    %dma_wait3A_60 = arith.constant 0 : i32
    %dma_wait3A_61 = tpu.memref_slice %arg2[%dma_wait3A_59, %dma_wait3A_60] : memref<32768x8xf32, #tpu.memory_space<hbm>> -> memref<32768x8xf32, #tpu.memory_space<hbm>>
    tpu.wait_indirect_dma semaphore(%arg8 : memref<!tpu.dma_semaphore, #tpu.memory_space<semaphore_mem>>) src(%dma_wait3A_61 : memref<32768x8xf32, #tpu.memory_space<hbm>>) dst(%arg7 : memref<4096x8xf32, #tpu.memory_space<vmem>>)
    %dma_start3A_62 = arith.constant 0 : i32
    %dma_start3A_63 = tpu.memref_slice %arg4[%add3A_49, %dma_start3A_62] : memref<524288x8xf32, #tpu.memory_space<hbm>> -> memref<4096x8xf32, #tpu.memory_space<hbm>>
    %dma_start3A_64 = arith.constant 0 : i32
    %dma_start3A_65 = tpu.memref_slice %arg4[%add3A_49, %dma_start3A_64] : memref<524288x8xf32, #tpu.memory_space<hbm>> -> memref<4096x8xf32, #tpu.memory_space<hbm>>
    tpu.enqueue_dma source(%arg7 : memref<4096x8xf32, #tpu.memory_space<vmem>>) target(%dma_start3A_65 : memref<4096x8xf32, #tpu.memory_space<hbm>>) target_semaphore(%arg9 : memref<!tpu.dma_semaphore, #tpu.memory_space<semaphore_mem>>)
    %mul3A_66 = arith.constant 16384 : i32
    %mul3A_67 = arith.muli %add3A, %mul3A_66 : i32
    %add3A_68 = arith.constant 8192 : i32
    %add3A_69 = arith.addi %mul3A_67, %add3A_68 : i32
    %dma_wait3A_70 = arith.constant 0 : i32
    %dma_wait3A_71 = tpu.memref_slice %arg4[%add3A_69, %dma_wait3A_70] : memref<524288x8xf32, #tpu.memory_space<hbm>> -> memref<4096x8xf32, #tpu.memory_space<hbm>>
    %dma_wait3A_72 = arith.constant 0 : i32
    %dma_wait3A_73 = tpu.memref_slice %arg4[%add3A_69, %dma_wait3A_72] : memref<524288x8xf32, #tpu.memory_space<hbm>> -> memref<4096x8xf32, #tpu.memory_space<hbm>>
    tpu.wait_dma2 semaphore(%arg9 : memref<!tpu.dma_semaphore, #tpu.memory_space<semaphore_mem>>) src(%arg6 : memref<4096x8xf32, #tpu.memory_space<vmem>>) dst(%dma_wait3A_73 : memref<4096x8xf32, #tpu.memory_space<hbm>>)
    %mul3A_74 = arith.constant 16384 : i32
    %mul3A_75 = arith.muli %add3A, %mul3A_74 : i32
    %add3A_76 = arith.constant 12288 : i32
    %add3A_77 = arith.addi %mul3A_75, %add3A_76 : i32
    %dma_wait3A_78 = arith.constant 0 : i32
    %dma_wait3A_79 = tpu.memref_slice %arg4[%add3A_77, %dma_wait3A_78] : memref<524288x8xf32, #tpu.memory_space<hbm>> -> memref<4096x8xf32, #tpu.memory_space<hbm>>
    %dma_wait3A_80 = arith.constant 0 : i32
    %dma_wait3A_81 = tpu.memref_slice %arg4[%add3A_77, %dma_wait3A_80] : memref<524288x8xf32, #tpu.memory_space<hbm>> -> memref<4096x8xf32, #tpu.memory_space<hbm>>
    tpu.wait_dma2 semaphore(%arg9 : memref<!tpu.dma_semaphore, #tpu.memory_space<semaphore_mem>>) src(%arg7 : memref<4096x8xf32, #tpu.memory_space<vmem>>) dst(%dma_wait3A_81 : memref<4096x8xf32, #tpu.memory_space<hbm>>)
    return
  }
}

#map = affine_map<(d0, d1) -> (0, 0)>
#map1 = affine_map<(d0, d1) -> (0)>
module attributes {stable_mosaic.version = 14 : i64} {
  func.func @gather_k(%arg0: i32, %arg1: i32, %arg2: memref<32768x8xf32, #tpu.memory_space<hbm>>, %arg3: memref<524288xi32, #tpu.memory_space<hbm>>, %arg4: memref<524288x8xf32, #tpu.memory_space<hbm>>, %arg5: memref<4096xi32, #tpu.memory_space<vmem>>, %arg6: memref<4096x8xf32, #tpu.memory_space<vmem>>, %arg7: memref<4096x8xf32, #tpu.memory_space<vmem>>, %arg8: memref<!tpu.dma_semaphore, #tpu.memory_space<semaphore_mem>>, %arg9: memref<!tpu.dma_semaphore, #tpu.memory_space<semaphore_mem>>) attributes {dimension_semantics = [#tpu.dimension_semantics<core_parallel>, #tpu.dimension_semantics<subcore_parallel>], iteration_bounds = array<i64: 2, 16>, scalar_prefetch = 0 : i64, scratch_operands = 5 : i64, tpu.core_type = #tpu.core_type<sc_vector_subcore>, window_params = [{transform_indices = #map}, {transform_indices = #map1}, {transform_indices = #map}]} {
    %mul3A = arith.constant 2 : i32
    %mul3A_0 = arith.muli %arg1, %mul3A : i32
    %add3A = arith.addi %mul3A_0, %arg0 : i32
    %mul3A_1 = arith.constant 16384 : i32
    %mul3A_2 = arith.muli %add3A, %mul3A_1 : i32
    %add3A_3 = arith.constant 0 : i32
    %add3A_4 = arith.addi %mul3A_2, %add3A_3 : i32
    "tpu.region"() ({
      %run_scoped3A = tpu.sem_alloc : memref<!tpu.dma_semaphore, #tpu.memory_space<semaphore_mem>>
      %dma_start3A_82 = tpu.memref_slice %arg3[%add3A_4] : memref<524288xi32, #tpu.memory_space<hbm>> -> memref<4096xi32, #tpu.memory_space<hbm>>
      %dma_start3A_83 = tpu.memref_slice %arg3[%add3A_4] : memref<524288xi32, #tpu.memory_space<hbm>> -> memref<4096xi32, #tpu.memory_space<hbm>>
      tpu.enqueue_dma source(%dma_start3A_83 : memref<4096xi32, #tpu.memory_space<hbm>>) target(%arg5 : memref<4096xi32, #tpu.memory_space<vmem>>) target_semaphore(%run_scoped3A : memref<!tpu.dma_semaphore, #tpu.memory_space<semaphore_mem>>)
      %dma_wait3A_84 = tpu.memref_slice %arg3[%add3A_4] : memref<524288xi32, #tpu.memory_space<hbm>> -> memref<4096xi32, #tpu.memory_space<hbm>>
      %dma_wait3A_85 = tpu.memref_slice %arg3[%add3A_4] : memref<524288xi32, #tpu.memory_space<hbm>> -> memref<4096xi32, #tpu.memory_space<hbm>>
      tpu.wait_dma2 semaphore(%run_scoped3A : memref<!tpu.dma_semaphore, #tpu.memory_space<semaphore_mem>>) src(%dma_wait3A_85 : memref<4096xi32, #tpu.memory_space<hbm>>) dst(%arg5 : memref<4096xi32, #tpu.memory_space<vmem>>)
      tpu.yield
    }) : () -> ()
    %dma_start3A = arith.constant 0 : i32
    %dma_start3A_5 = arith.constant 0 : i32
    %dma_start3A_6 = tpu.memref_slice %arg2[%dma_start3A, %dma_start3A_5] : memref<32768x8xf32, #tpu.memory_space<hbm>> -> memref<32768x8xf32, #tpu.memory_space<hbm>>
    tpu.enqueue_indirect_dma source(%dma_start3A_6 : memref<32768x8xf32, #tpu.memory_space<hbm>>) target(%arg6 : memref<4096x8xf32, #tpu.memory_space<vmem>>) offsets(%arg5 : memref<4096xi32, #tpu.memory_space<vmem>>) semaphore(%arg8 : memref<!tpu.dma_semaphore, #tpu.memory_space<semaphore_mem>>)
    %dma_wait3A = arith.constant 0 : i32
    %dma_wait3A_7 = arith.constant 0 : i32
    %dma_wait3A_8 = tpu.memref_slice %arg2[%dma_wait3A, %dma_wait3A_7] : memref<32768x8xf32, #tpu.memory_space<hbm>> -> memref<32768x8xf32, #tpu.memory_space<hbm>>
    tpu.wait_indirect_dma semaphore(%arg8 : memref<!tpu.dma_semaphore, #tpu.memory_space<semaphore_mem>>) src(%dma_wait3A_8 : memref<32768x8xf32, #tpu.memory_space<hbm>>) dst(%arg6 : memref<4096x8xf32, #tpu.memory_space<vmem>>)
    %dma_start3A_9 = arith.constant 0 : i32
    %dma_start3A_10 = tpu.memref_slice %arg4[%add3A_4, %dma_start3A_9] : memref<524288x8xf32, #tpu.memory_space<hbm>> -> memref<4096x8xf32, #tpu.memory_space<hbm>>
    %dma_start3A_11 = arith.constant 0 : i32
    %dma_start3A_12 = tpu.memref_slice %arg4[%add3A_4, %dma_start3A_11] : memref<524288x8xf32, #tpu.memory_space<hbm>> -> memref<4096x8xf32, #tpu.memory_space<hbm>>
    tpu.enqueue_dma source(%arg6 : memref<4096x8xf32, #tpu.memory_space<vmem>>) target(%dma_start3A_12 : memref<4096x8xf32, #tpu.memory_space<hbm>>) target_semaphore(%arg9 : memref<!tpu.dma_semaphore, #tpu.memory_space<semaphore_mem>>)
    %mul3A_13 = arith.constant 16384 : i32
    %mul3A_14 = arith.muli %add3A, %mul3A_13 : i32
    %add3A_15 = arith.constant 4096 : i32
    %add3A_16 = arith.addi %mul3A_14, %add3A_15 : i32
    "tpu.region"() ({
      %run_scoped3A = tpu.sem_alloc : memref<!tpu.dma_semaphore, #tpu.memory_space<semaphore_mem>>
      %dma_start3A_82 = tpu.memref_slice %arg3[%add3A_16] : memref<524288xi32, #tpu.memory_space<hbm>> -> memref<4096xi32, #tpu.memory_space<hbm>>
      %dma_start3A_83 = tpu.memref_slice %arg3[%add3A_16] : memref<524288xi32, #tpu.memory_space<hbm>> -> memref<4096xi32, #tpu.memory_space<hbm>>
      tpu.enqueue_dma source(%dma_start3A_83 : memref<4096xi32, #tpu.memory_space<hbm>>) target(%arg5 : memref<4096xi32, #tpu.memory_space<vmem>>) target_semaphore(%run_scoped3A : memref<!tpu.dma_semaphore, #tpu.memory_space<semaphore_mem>>)
      %dma_wait3A_84 = tpu.memref_slice %arg3[%add3A_16] : memref<524288xi32, #tpu.memory_space<hbm>> -> memref<4096xi32, #tpu.memory_space<hbm>>
      %dma_wait3A_85 = tpu.memref_slice %arg3[%add3A_16] : memref<524288xi32, #tpu.memory_space<hbm>> -> memref<4096xi32, #tpu.memory_space<hbm>>
      tpu.wait_dma2 semaphore(%run_scoped3A : memref<!tpu.dma_semaphore, #tpu.memory_space<semaphore_mem>>) src(%dma_wait3A_85 : memref<4096xi32, #tpu.memory_space<hbm>>) dst(%arg5 : memref<4096xi32, #tpu.memory_space<vmem>>)
      tpu.yield
    }) : () -> ()
    %dma_start3A_17 = arith.constant 0 : i32
    %dma_start3A_18 = arith.constant 0 : i32
    %dma_start3A_19 = tpu.memref_slice %arg2[%dma_start3A_17, %dma_start3A_18] : memref<32768x8xf32, #tpu.memory_space<hbm>> -> memref<32768x8xf32, #tpu.memory_space<hbm>>
    tpu.enqueue_indirect_dma source(%dma_start3A_19 : memref<32768x8xf32, #tpu.memory_space<hbm>>) target(%arg7 : memref<4096x8xf32, #tpu.memory_space<vmem>>) offsets(%arg5 : memref<4096xi32, #tpu.memory_space<vmem>>) semaphore(%arg8 : memref<!tpu.dma_semaphore, #tpu.memory_space<semaphore_mem>>)
    %dma_wait3A_20 = arith.constant 0 : i32
    %dma_wait3A_21 = arith.constant 0 : i32
    %dma_wait3A_22 = tpu.memref_slice %arg2[%dma_wait3A_20, %dma_wait3A_21] : memref<32768x8xf32, #tpu.memory_space<hbm>> -> memref<32768x8xf32, #tpu.memory_space<hbm>>
    tpu.wait_indirect_dma semaphore(%arg8 : memref<!tpu.dma_semaphore, #tpu.memory_space<semaphore_mem>>) src(%dma_wait3A_22 : memref<32768x8xf32, #tpu.memory_space<hbm>>) dst(%arg7 : memref<4096x8xf32, #tpu.memory_space<vmem>>)
    %dma_start3A_23 = arith.constant 0 : i32
    %dma_start3A_24 = tpu.memref_slice %arg4[%add3A_16, %dma_start3A_23] : memref<524288x8xf32, #tpu.memory_space<hbm>> -> memref<4096x8xf32, #tpu.memory_space<hbm>>
    %dma_start3A_25 = arith.constant 0 : i32
    %dma_start3A_26 = tpu.memref_slice %arg4[%add3A_16, %dma_start3A_25] : memref<524288x8xf32, #tpu.memory_space<hbm>> -> memref<4096x8xf32, #tpu.memory_space<hbm>>
    tpu.enqueue_dma source(%arg7 : memref<4096x8xf32, #tpu.memory_space<vmem>>) target(%dma_start3A_26 : memref<4096x8xf32, #tpu.memory_space<hbm>>) target_semaphore(%arg9 : memref<!tpu.dma_semaphore, #tpu.memory_space<semaphore_mem>>)
    %mul3A_27 = arith.constant 16384 : i32
    %mul3A_28 = arith.muli %add3A, %mul3A_27 : i32
    %add3A_29 = arith.constant 8192 : i32
    %add3A_30 = arith.addi %mul3A_28, %add3A_29 : i32
    "tpu.region"() ({
      %run_scoped3A = tpu.sem_alloc : memref<!tpu.dma_semaphore, #tpu.memory_space<semaphore_mem>>
      %dma_start3A_82 = tpu.memref_slice %arg3[%add3A_30] : memref<524288xi32, #tpu.memory_space<hbm>> -> memref<4096xi32, #tpu.memory_space<hbm>>
      %dma_start3A_83 = tpu.memref_slice %arg3[%add3A_30] : memref<524288xi32, #tpu.memory_space<hbm>> -> memref<4096xi32, #tpu.memory_space<hbm>>
      tpu.enqueue_dma source(%dma_start3A_83 : memref<4096xi32, #tpu.memory_space<hbm>>) target(%arg5 : memref<4096xi32, #tpu.memory_space<vmem>>) target_semaphore(%run_scoped3A : memref<!tpu.dma_semaphore, #tpu.memory_space<semaphore_mem>>)
      %dma_wait3A_84 = tpu.memref_slice %arg3[%add3A_30] : memref<524288xi32, #tpu.memory_space<hbm>> -> memref<4096xi32, #tpu.memory_space<hbm>>
      %dma_wait3A_85 = tpu.memref_slice %arg3[%add3A_30] : memref<524288xi32, #tpu.memory_space<hbm>> -> memref<4096xi32, #tpu.memory_space<hbm>>
      tpu.wait_dma2 semaphore(%run_scoped3A : memref<!tpu.dma_semaphore, #tpu.memory_space<semaphore_mem>>) src(%dma_wait3A_85 : memref<4096xi32, #tpu.memory_space<hbm>>) dst(%arg5 : memref<4096xi32, #tpu.memory_space<vmem>>)
      tpu.yield
    }) : () -> ()
    %sub3A = arith.constant 8192 : i32
    %sub3A_31 = arith.subi %add3A_30, %sub3A : i32
    %dma_wait3A_32 = arith.constant 0 : i32
    %dma_wait3A_33 = tpu.memref_slice %arg4[%sub3A_31, %dma_wait3A_32] : memref<524288x8xf32, #tpu.memory_space<hbm>> -> memref<4096x8xf32, #tpu.memory_space<hbm>>
    %dma_wait3A_34 = arith.constant 0 : i32
    %dma_wait3A_35 = tpu.memref_slice %arg4[%sub3A_31, %dma_wait3A_34] : memref<524288x8xf32, #tpu.memory_space<hbm>> -> memref<4096x8xf32, #tpu.memory_space<hbm>>
    tpu.wait_dma2 semaphore(%arg9 : memref<!tpu.dma_semaphore, #tpu.memory_space<semaphore_mem>>) src(%arg6 : memref<4096x8xf32, #tpu.memory_space<vmem>>) dst(%dma_wait3A_35 : memref<4096x8xf32, #tpu.memory_space<hbm>>)
    %dma_start3A_36 = arith.constant 0 : i32
    %dma_start3A_37 = arith.constant 0 : i32
    %dma_start3A_38 = tpu.memref_slice %arg2[%dma_start3A_36, %dma_start3A_37] : memref<32768x8xf32, #tpu.memory_space<hbm>> -> memref<32768x8xf32, #tpu.memory_space<hbm>>
    tpu.enqueue_indirect_dma source(%dma_start3A_38 : memref<32768x8xf32, #tpu.memory_space<hbm>>) target(%arg6 : memref<4096x8xf32, #tpu.memory_space<vmem>>) offsets(%arg5 : memref<4096xi32, #tpu.memory_space<vmem>>) semaphore(%arg8 : memref<!tpu.dma_semaphore, #tpu.memory_space<semaphore_mem>>)
    %dma_wait3A_39 = arith.constant 0 : i32
    %dma_wait3A_40 = arith.constant 0 : i32
    %dma_wait3A_41 = tpu.memref_slice %arg2[%dma_wait3A_39, %dma_wait3A_40] : memref<32768x8xf32, #tpu.memory_space<hbm>> -> memref<32768x8xf32, #tpu.memory_space<hbm>>
    tpu.wait_indirect_dma semaphore(%arg8 : memref<!tpu.dma_semaphore, #tpu.memory_space<semaphore_mem>>) src(%dma_wait3A_41 : memref<32768x8xf32, #tpu.memory_space<hbm>>) dst(%arg6 : memref<4096x8xf32, #tpu.memory_space<vmem>>)
    %dma_start3A_42 = arith.constant 0 : i32
    %dma_start3A_43 = tpu.memref_slice %arg4[%add3A_30, %dma_start3A_42] : memref<524288x8xf32, #tpu.memory_space<hbm>> -> memref<4096x8xf32, #tpu.memory_space<hbm>>
    %dma_start3A_44 = arith.constant 0 : i32
    %dma_start3A_45 = tpu.memref_slice %arg4[%add3A_30, %dma_start3A_44] : memref<524288x8xf32, #tpu.memory_space<hbm>> -> memref<4096x8xf32, #tpu.memory_space<hbm>>
    tpu.enqueue_dma source(%arg6 : memref<4096x8xf32, #tpu.memory_space<vmem>>) target(%dma_start3A_45 : memref<4096x8xf32, #tpu.memory_space<hbm>>) target_semaphore(%arg9 : memref<!tpu.dma_semaphore, #tpu.memory_space<semaphore_mem>>)
    %mul3A_46 = arith.constant 16384 : i32
    %mul3A_47 = arith.muli %add3A, %mul3A_46 : i32
    %add3A_48 = arith.constant 12288 : i32
    %add3A_49 = arith.addi %mul3A_47, %add3A_48 : i32
    "tpu.region"() ({
      %run_scoped3A = tpu.sem_alloc : memref<!tpu.dma_semaphore, #tpu.memory_space<semaphore_mem>>
      %dma_start3A_82 = tpu.memref_slice %arg3[%add3A_49] : memref<524288xi32, #tpu.memory_space<hbm>> -> memref<4096xi32, #tpu.memory_space<hbm>>
      %dma_start3A_83 = tpu.memref_slice %arg3[%add3A_49] : memref<524288xi32, #tpu.memory_space<hbm>> -> memref<4096xi32, #tpu.memory_space<hbm>>
      tpu.enqueue_dma source(%dma_start3A_83 : memref<4096xi32, #tpu.memory_space<hbm>>) target(%arg5 : memref<4096xi32, #tpu.memory_space<vmem>>) target_semaphore(%run_scoped3A : memref<!tpu.dma_semaphore, #tpu.memory_space<semaphore_mem>>)
      %dma_wait3A_84 = tpu.memref_slice %arg3[%add3A_49] : memref<524288xi32, #tpu.memory_space<hbm>> -> memref<4096xi32, #tpu.memory_space<hbm>>
      %dma_wait3A_85 = tpu.memref_slice %arg3[%add3A_49] : memref<524288xi32, #tpu.memory_space<hbm>> -> memref<4096xi32, #tpu.memory_space<hbm>>
      tpu.wait_dma2 semaphore(%run_scoped3A : memref<!tpu.dma_semaphore, #tpu.memory_space<semaphore_mem>>) src(%dma_wait3A_85 : memref<4096xi32, #tpu.memory_space<hbm>>) dst(%arg5 : memref<4096xi32, #tpu.memory_space<vmem>>)
      tpu.yield
    }) : () -> ()
    %sub3A_50 = arith.constant 8192 : i32
    %sub3A_51 = arith.subi %add3A_49, %sub3A_50 : i32
    %dma_wait3A_52 = arith.constant 0 : i32
    %dma_wait3A_53 = tpu.memref_slice %arg4[%sub3A_51, %dma_wait3A_52] : memref<524288x8xf32, #tpu.memory_space<hbm>> -> memref<4096x8xf32, #tpu.memory_space<hbm>>
    %dma_wait3A_54 = arith.constant 0 : i32
    %dma_wait3A_55 = tpu.memref_slice %arg4[%sub3A_51, %dma_wait3A_54] : memref<524288x8xf32, #tpu.memory_space<hbm>> -> memref<4096x8xf32, #tpu.memory_space<hbm>>
    tpu.wait_dma2 semaphore(%arg9 : memref<!tpu.dma_semaphore, #tpu.memory_space<semaphore_mem>>) src(%arg7 : memref<4096x8xf32, #tpu.memory_space<vmem>>) dst(%dma_wait3A_55 : memref<4096x8xf32, #tpu.memory_space<hbm>>)
    %dma_start3A_56 = arith.constant 0 : i32
    %dma_start3A_57 = arith.constant 0 : i32
    %dma_start3A_58 = tpu.memref_slice %arg2[%dma_start3A_56, %dma_start3A_57] : memref<32768x8xf32, #tpu.memory_space<hbm>> -> memref<32768x8xf32, #tpu.memory_space<hbm>>
    tpu.enqueue_indirect_dma source(%dma_start3A_58 : memref<32768x8xf32, #tpu.memory_space<hbm>>) target(%arg7 : memref<4096x8xf32, #tpu.memory_space<vmem>>) offsets(%arg5 : memref<4096xi32, #tpu.memory_space<vmem>>) semaphore(%arg8 : memref<!tpu.dma_semaphore, #tpu.memory_space<semaphore_mem>>)
    %dma_wait3A_59 = arith.constant 0 : i32
    %dma_wait3A_60 = arith.constant 0 : i32
    %dma_wait3A_61 = tpu.memref_slice %arg2[%dma_wait3A_59, %dma_wait3A_60] : memref<32768x8xf32, #tpu.memory_space<hbm>> -> memref<32768x8xf32, #tpu.memory_space<hbm>>
    tpu.wait_indirect_dma semaphore(%arg8 : memref<!tpu.dma_semaphore, #tpu.memory_space<semaphore_mem>>) src(%dma_wait3A_61 : memref<32768x8xf32, #tpu.memory_space<hbm>>) dst(%arg7 : memref<4096x8xf32, #tpu.memory_space<vmem>>)
    %dma_start3A_62 = arith.constant 0 : i32
    %dma_start3A_63 = tpu.memref_slice %arg4[%add3A_49, %dma_start3A_62] : memref<524288x8xf32, #tpu.memory_space<hbm>> -> memref<4096x8xf32, #tpu.memory_space<hbm>>
    %dma_start3A_64 = arith.constant 0 : i32
    %dma_start3A_65 = tpu.memref_slice %arg4[%add3A_49, %dma_start3A_64] : memref<524288x8xf32, #tpu.memory_space<hbm>> -> memref<4096x8xf32, #tpu.memory_space<hbm>>
    tpu.enqueue_dma source(%arg7 : memref<4096x8xf32, #tpu.memory_space<vmem>>) target(%dma_start3A_65 : memref<4096x8xf32, #tpu.memory_space<hbm>>) target_semaphore(%arg9 : memref<!tpu.dma_semaphore, #tpu.memory_space<semaphore_mem>>)
    %mul3A_66 = arith.constant 16384 : i32
    %mul3A_67 = arith.muli %add3A, %mul3A_66 : i32
    %add3A_68 = arith.constant 8192 : i32
    %add3A_69 = arith.addi %mul3A_67, %add3A_68 : i32
    %dma_wait3A_70 = arith.constant 0 : i32
    %dma_wait3A_71 = tpu.memref_slice %arg4[%add3A_69, %dma_wait3A_70] : memref<524288x8xf32, #tpu.memory_space<hbm>> -> memref<4096x8xf32, #tpu.memory_space<hbm>>
    %dma_wait3A_72 = arith.constant 0 : i32
    %dma_wait3A_73 = tpu.memref_slice %arg4[%add3A_69, %dma_wait3A_72] : memref<524288x8xf32, #tpu.memory_space<hbm>> -> memref<4096x8xf32, #tpu.memory_space<hbm>>
    tpu.wait_dma2 semaphore(%arg9 : memref<!tpu.dma_semaphore, #tpu.memory_space<semaphore_mem>>) src(%arg6 : memref<4096x8xf32, #tpu.memory_space<vmem>>) dst(%dma_wait3A_73 : memref<4096x8xf32, #tpu.memory_space<hbm>>)
    %mul3A_74 = arith.constant 16384 : i32
    %mul3A_75 = arith.muli %add3A, %mul3A_74 : i32
    %add3A_76 = arith.constant 12288 : i32
    %add3A_77 = arith.addi %mul3A_75, %add3A_76 : i32
    %dma_wait3A_78 = arith.constant 0 : i32
    %dma_wait3A_79 = tpu.memref_slice %arg4[%add3A_77, %dma_wait3A_78] : memref<524288x8xf32, #tpu.memory_space<hbm>> -> memref<4096x8xf32, #tpu.memory_space<hbm>>
    %dma_wait3A_80 = arith.constant 0 : i32
    %dma_wait3A_81 = tpu.memref_slice %arg4[%add3A_77, %dma_wait3A_80] : memref<524288x8xf32, #tpu.memory_space<hbm>> -> memref<4096x8xf32, #tpu.memory_space<hbm>>
    tpu.wait_dma2 semaphore(%arg9 : memref<!tpu.dma_semaphore, #tpu.memory_space<semaphore_mem>>) src(%arg7 : memref<4096x8xf32, #tpu.memory_space<vmem>>) dst(%dma_wait3A_81 : memref<4096x8xf32, #tpu.memory_space<hbm>>)
    return
  }
}

#map = affine_map<(d0, d1) -> (0, 0)>
#map1 = affine_map<(d0, d1) -> (0)>
module attributes {stable_mosaic.version = 14 : i64} {
  func.func @gather_k(%arg0: i32, %arg1: i32, %arg2: memref<32768x8xf32, #tpu.memory_space<hbm>>, %arg3: memref<524288xi32, #tpu.memory_space<hbm>>, %arg4: memref<524288x8xf32, #tpu.memory_space<hbm>>, %arg5: memref<4096xi32, #tpu.memory_space<vmem>>, %arg6: memref<4096x8xf32, #tpu.memory_space<vmem>>, %arg7: memref<4096x8xf32, #tpu.memory_space<vmem>>, %arg8: memref<!tpu.dma_semaphore, #tpu.memory_space<semaphore_mem>>, %arg9: memref<!tpu.dma_semaphore, #tpu.memory_space<semaphore_mem>>) attributes {dimension_semantics = [#tpu.dimension_semantics<core_parallel>, #tpu.dimension_semantics<subcore_parallel>], iteration_bounds = array<i64: 2, 16>, scalar_prefetch = 0 : i64, scratch_operands = 5 : i64, tpu.core_type = #tpu.core_type<sc_vector_subcore>, window_params = [{transform_indices = #map}, {transform_indices = #map1}, {transform_indices = #map}]} {
    %mul3A = arith.constant 2 : i32
    %mul3A_0 = arith.muli %arg1, %mul3A : i32
    %add3A = arith.addi %mul3A_0, %arg0 : i32
    %mul3A_1 = arith.constant 16384 : i32
    %mul3A_2 = arith.muli %add3A, %mul3A_1 : i32
    %add3A_3 = arith.constant 0 : i32
    %add3A_4 = arith.addi %mul3A_2, %add3A_3 : i32
    "tpu.region"() ({
      %run_scoped3A = tpu.sem_alloc : memref<!tpu.dma_semaphore, #tpu.memory_space<semaphore_mem>>
      %dma_start3A_82 = tpu.memref_slice %arg3[%add3A_4] : memref<524288xi32, #tpu.memory_space<hbm>> -> memref<4096xi32, #tpu.memory_space<hbm>>
      %dma_start3A_83 = tpu.memref_slice %arg3[%add3A_4] : memref<524288xi32, #tpu.memory_space<hbm>> -> memref<4096xi32, #tpu.memory_space<hbm>>
      tpu.enqueue_dma source(%dma_start3A_83 : memref<4096xi32, #tpu.memory_space<hbm>>) target(%arg5 : memref<4096xi32, #tpu.memory_space<vmem>>) target_semaphore(%run_scoped3A : memref<!tpu.dma_semaphore, #tpu.memory_space<semaphore_mem>>)
      %dma_wait3A_84 = tpu.memref_slice %arg3[%add3A_4] : memref<524288xi32, #tpu.memory_space<hbm>> -> memref<4096xi32, #tpu.memory_space<hbm>>
      %dma_wait3A_85 = tpu.memref_slice %arg3[%add3A_4] : memref<524288xi32, #tpu.memory_space<hbm>> -> memref<4096xi32, #tpu.memory_space<hbm>>
      tpu.wait_dma2 semaphore(%run_scoped3A : memref<!tpu.dma_semaphore, #tpu.memory_space<semaphore_mem>>) src(%dma_wait3A_85 : memref<4096xi32, #tpu.memory_space<hbm>>) dst(%arg5 : memref<4096xi32, #tpu.memory_space<vmem>>)
      tpu.yield
    }) : () -> ()
    %dma_start3A = arith.constant 0 : i32
    %dma_start3A_5 = arith.constant 0 : i32
    %dma_start3A_6 = tpu.memref_slice %arg2[%dma_start3A, %dma_start3A_5] : memref<32768x8xf32, #tpu.memory_space<hbm>> -> memref<32768x8xf32, #tpu.memory_space<hbm>>
    tpu.enqueue_indirect_dma source(%dma_start3A_6 : memref<32768x8xf32, #tpu.memory_space<hbm>>) target(%arg6 : memref<4096x8xf32, #tpu.memory_space<vmem>>) offsets(%arg5 : memref<4096xi32, #tpu.memory_space<vmem>>) semaphore(%arg8 : memref<!tpu.dma_semaphore, #tpu.memory_space<semaphore_mem>>)
    %dma_wait3A = arith.constant 0 : i32
    %dma_wait3A_7 = arith.constant 0 : i32
    %dma_wait3A_8 = tpu.memref_slice %arg2[%dma_wait3A, %dma_wait3A_7] : memref<32768x8xf32, #tpu.memory_space<hbm>> -> memref<32768x8xf32, #tpu.memory_space<hbm>>
    tpu.wait_indirect_dma semaphore(%arg8 : memref<!tpu.dma_semaphore, #tpu.memory_space<semaphore_mem>>) src(%dma_wait3A_8 : memref<32768x8xf32, #tpu.memory_space<hbm>>) dst(%arg6 : memref<4096x8xf32, #tpu.memory_space<vmem>>)
    %dma_start3A_9 = arith.constant 0 : i32
    %dma_start3A_10 = tpu.memref_slice %arg4[%add3A_4, %dma_start3A_9] : memref<524288x8xf32, #tpu.memory_space<hbm>> -> memref<4096x8xf32, #tpu.memory_space<hbm>>
    %dma_start3A_11 = arith.constant 0 : i32
    %dma_start3A_12 = tpu.memref_slice %arg4[%add3A_4, %dma_start3A_11] : memref<524288x8xf32, #tpu.memory_space<hbm>> -> memref<4096x8xf32, #tpu.memory_space<hbm>>
    tpu.enqueue_dma source(%arg6 : memref<4096x8xf32, #tpu.memory_space<vmem>>) target(%dma_start3A_12 : memref<4096x8xf32, #tpu.memory_space<hbm>>) target_semaphore(%arg9 : memref<!tpu.dma_semaphore, #tpu.memory_space<semaphore_mem>>)
    %mul3A_13 = arith.constant 16384 : i32
    %mul3A_14 = arith.muli %add3A, %mul3A_13 : i32
    %add3A_15 = arith.constant 4096 : i32
    %add3A_16 = arith.addi %mul3A_14, %add3A_15 : i32
    "tpu.region"() ({
      %run_scoped3A = tpu.sem_alloc : memref<!tpu.dma_semaphore, #tpu.memory_space<semaphore_mem>>
      %dma_start3A_82 = tpu.memref_slice %arg3[%add3A_16] : memref<524288xi32, #tpu.memory_space<hbm>> -> memref<4096xi32, #tpu.memory_space<hbm>>
      %dma_start3A_83 = tpu.memref_slice %arg3[%add3A_16] : memref<524288xi32, #tpu.memory_space<hbm>> -> memref<4096xi32, #tpu.memory_space<hbm>>
      tpu.enqueue_dma source(%dma_start3A_83 : memref<4096xi32, #tpu.memory_space<hbm>>) target(%arg5 : memref<4096xi32, #tpu.memory_space<vmem>>) target_semaphore(%run_scoped3A : memref<!tpu.dma_semaphore, #tpu.memory_space<semaphore_mem>>)
      %dma_wait3A_84 = tpu.memref_slice %arg3[%add3A_16] : memref<524288xi32, #tpu.memory_space<hbm>> -> memref<4096xi32, #tpu.memory_space<hbm>>
      %dma_wait3A_85 = tpu.memref_slice %arg3[%add3A_16] : memref<524288xi32, #tpu.memory_space<hbm>> -> memref<4096xi32, #tpu.memory_space<hbm>>
      tpu.wait_dma2 semaphore(%run_scoped3A : memref<!tpu.dma_semaphore, #tpu.memory_space<semaphore_mem>>) src(%dma_wait3A_85 : memref<4096xi32, #tpu.memory_space<hbm>>) dst(%arg5 : memref<4096xi32, #tpu.memory_space<vmem>>)
      tpu.yield
    }) : () -> ()
    %dma_start3A_17 = arith.constant 0 : i32
    %dma_start3A_18 = arith.constant 0 : i32
    %dma_start3A_19 = tpu.memref_slice %arg2[%dma_start3A_17, %dma_start3A_18] : memref<32768x8xf32, #tpu.memory_space<hbm>> -> memref<32768x8xf32, #tpu.memory_space<hbm>>
    tpu.enqueue_indirect_dma source(%dma_start3A_19 : memref<32768x8xf32, #tpu.memory_space<hbm>>) target(%arg7 : memref<4096x8xf32, #tpu.memory_space<vmem>>) offsets(%arg5 : memref<4096xi32, #tpu.memory_space<vmem>>) semaphore(%arg8 : memref<!tpu.dma_semaphore, #tpu.memory_space<semaphore_mem>>)
    %dma_wait3A_20 = arith.constant 0 : i32
    %dma_wait3A_21 = arith.constant 0 : i32
    %dma_wait3A_22 = tpu.memref_slice %arg2[%dma_wait3A_20, %dma_wait3A_21] : memref<32768x8xf32, #tpu.memory_space<hbm>> -> memref<32768x8xf32, #tpu.memory_space<hbm>>
    tpu.wait_indirect_dma semaphore(%arg8 : memref<!tpu.dma_semaphore, #tpu.memory_space<semaphore_mem>>) src(%dma_wait3A_22 : memref<32768x8xf32, #tpu.memory_space<hbm>>) dst(%arg7 : memref<4096x8xf32, #tpu.memory_space<vmem>>)
    %dma_start3A_23 = arith.constant 0 : i32
    %dma_start3A_24 = tpu.memref_slice %arg4[%add3A_16, %dma_start3A_23] : memref<524288x8xf32, #tpu.memory_space<hbm>> -> memref<4096x8xf32, #tpu.memory_space<hbm>>
    %dma_start3A_25 = arith.constant 0 : i32
    %dma_start3A_26 = tpu.memref_slice %arg4[%add3A_16, %dma_start3A_25] : memref<524288x8xf32, #tpu.memory_space<hbm>> -> memref<4096x8xf32, #tpu.memory_space<hbm>>
    tpu.enqueue_dma source(%arg7 : memref<4096x8xf32, #tpu.memory_space<vmem>>) target(%dma_start3A_26 : memref<4096x8xf32, #tpu.memory_space<hbm>>) target_semaphore(%arg9 : memref<!tpu.dma_semaphore, #tpu.memory_space<semaphore_mem>>)
    %mul3A_27 = arith.constant 16384 : i32
    %mul3A_28 = arith.muli %add3A, %mul3A_27 : i32
    %add3A_29 = arith.constant 8192 : i32
    %add3A_30 = arith.addi %mul3A_28, %add3A_29 : i32
    "tpu.region"() ({
      %run_scoped3A = tpu.sem_alloc : memref<!tpu.dma_semaphore, #tpu.memory_space<semaphore_mem>>
      %dma_start3A_82 = tpu.memref_slice %arg3[%add3A_30] : memref<524288xi32, #tpu.memory_space<hbm>> -> memref<4096xi32, #tpu.memory_space<hbm>>
      %dma_start3A_83 = tpu.memref_slice %arg3[%add3A_30] : memref<524288xi32, #tpu.memory_space<hbm>> -> memref<4096xi32, #tpu.memory_space<hbm>>
      tpu.enqueue_dma source(%dma_start3A_83 : memref<4096xi32, #tpu.memory_space<hbm>>) target(%arg5 : memref<4096xi32, #tpu.memory_space<vmem>>) target_semaphore(%run_scoped3A : memref<!tpu.dma_semaphore, #tpu.memory_space<semaphore_mem>>)
      %dma_wait3A_84 = tpu.memref_slice %arg3[%add3A_30] : memref<524288xi32, #tpu.memory_space<hbm>> -> memref<4096xi32, #tpu.memory_space<hbm>>
      %dma_wait3A_85 = tpu.memref_slice %arg3[%add3A_30] : memref<524288xi32, #tpu.memory_space<hbm>> -> memref<4096xi32, #tpu.memory_space<hbm>>
      tpu.wait_dma2 semaphore(%run_scoped3A : memref<!tpu.dma_semaphore, #tpu.memory_space<semaphore_mem>>) src(%dma_wait3A_85 : memref<4096xi32, #tpu.memory_space<hbm>>) dst(%arg5 : memref<4096xi32, #tpu.memory_space<vmem>>)
      tpu.yield
    }) : () -> ()
    %sub3A = arith.constant 8192 : i32
    %sub3A_31 = arith.subi %add3A_30, %sub3A : i32
    %dma_wait3A_32 = arith.constant 0 : i32
    %dma_wait3A_33 = tpu.memref_slice %arg4[%sub3A_31, %dma_wait3A_32] : memref<524288x8xf32, #tpu.memory_space<hbm>> -> memref<4096x8xf32, #tpu.memory_space<hbm>>
    %dma_wait3A_34 = arith.constant 0 : i32
    %dma_wait3A_35 = tpu.memref_slice %arg4[%sub3A_31, %dma_wait3A_34] : memref<524288x8xf32, #tpu.memory_space<hbm>> -> memref<4096x8xf32, #tpu.memory_space<hbm>>
    tpu.wait_dma2 semaphore(%arg9 : memref<!tpu.dma_semaphore, #tpu.memory_space<semaphore_mem>>) src(%arg6 : memref<4096x8xf32, #tpu.memory_space<vmem>>) dst(%dma_wait3A_35 : memref<4096x8xf32, #tpu.memory_space<hbm>>)
    %dma_start3A_36 = arith.constant 0 : i32
    %dma_start3A_37 = arith.constant 0 : i32
    %dma_start3A_38 = tpu.memref_slice %arg2[%dma_start3A_36, %dma_start3A_37] : memref<32768x8xf32, #tpu.memory_space<hbm>> -> memref<32768x8xf32, #tpu.memory_space<hbm>>
    tpu.enqueue_indirect_dma source(%dma_start3A_38 : memref<32768x8xf32, #tpu.memory_space<hbm>>) target(%arg6 : memref<4096x8xf32, #tpu.memory_space<vmem>>) offsets(%arg5 : memref<4096xi32, #tpu.memory_space<vmem>>) semaphore(%arg8 : memref<!tpu.dma_semaphore, #tpu.memory_space<semaphore_mem>>)
    %dma_wait3A_39 = arith.constant 0 : i32
    %dma_wait3A_40 = arith.constant 0 : i32
    %dma_wait3A_41 = tpu.memref_slice %arg2[%dma_wait3A_39, %dma_wait3A_40] : memref<32768x8xf32, #tpu.memory_space<hbm>> -> memref<32768x8xf32, #tpu.memory_space<hbm>>
    tpu.wait_indirect_dma semaphore(%arg8 : memref<!tpu.dma_semaphore, #tpu.memory_space<semaphore_mem>>) src(%dma_wait3A_41 : memref<32768x8xf32, #tpu.memory_space<hbm>>) dst(%arg6 : memref<4096x8xf32, #tpu.memory_space<vmem>>)
    %dma_start3A_42 = arith.constant 0 : i32
    %dma_start3A_43 = tpu.memref_slice %arg4[%add3A_30, %dma_start3A_42] : memref<524288x8xf32, #tpu.memory_space<hbm>> -> memref<4096x8xf32, #tpu.memory_space<hbm>>
    %dma_start3A_44 = arith.constant 0 : i32
    %dma_start3A_45 = tpu.memref_slice %arg4[%add3A_30, %dma_start3A_44] : memref<524288x8xf32, #tpu.memory_space<hbm>> -> memref<4096x8xf32, #tpu.memory_space<hbm>>
    tpu.enqueue_dma source(%arg6 : memref<4096x8xf32, #tpu.memory_space<vmem>>) target(%dma_start3A_45 : memref<4096x8xf32, #tpu.memory_space<hbm>>) target_semaphore(%arg9 : memref<!tpu.dma_semaphore, #tpu.memory_space<semaphore_mem>>)
    %mul3A_46 = arith.constant 16384 : i32
    %mul3A_47 = arith.muli %add3A, %mul3A_46 : i32
    %add3A_48 = arith.constant 12288 : i32
    %add3A_49 = arith.addi %mul3A_47, %add3A_48 : i32
    "tpu.region"() ({
      %run_scoped3A = tpu.sem_alloc : memref<!tpu.dma_semaphore, #tpu.memory_space<semaphore_mem>>
      %dma_start3A_82 = tpu.memref_slice %arg3[%add3A_49] : memref<524288xi32, #tpu.memory_space<hbm>> -> memref<4096xi32, #tpu.memory_space<hbm>>
      %dma_start3A_83 = tpu.memref_slice %arg3[%add3A_49] : memref<524288xi32, #tpu.memory_space<hbm>> -> memref<4096xi32, #tpu.memory_space<hbm>>
      tpu.enqueue_dma source(%dma_start3A_83 : memref<4096xi32, #tpu.memory_space<hbm>>) target(%arg5 : memref<4096xi32, #tpu.memory_space<vmem>>) target_semaphore(%run_scoped3A : memref<!tpu.dma_semaphore, #tpu.memory_space<semaphore_mem>>)
      %dma_wait3A_84 = tpu.memref_slice %arg3[%add3A_49] : memref<524288xi32, #tpu.memory_space<hbm>> -> memref<4096xi32, #tpu.memory_space<hbm>>
      %dma_wait3A_85 = tpu.memref_slice %arg3[%add3A_49] : memref<524288xi32, #tpu.memory_space<hbm>> -> memref<4096xi32, #tpu.memory_space<hbm>>
      tpu.wait_dma2 semaphore(%run_scoped3A : memref<!tpu.dma_semaphore, #tpu.memory_space<semaphore_mem>>) src(%dma_wait3A_85 : memref<4096xi32, #tpu.memory_space<hbm>>) dst(%arg5 : memref<4096xi32, #tpu.memory_space<vmem>>)
      tpu.yield
    }) : () -> ()
    %sub3A_50 = arith.constant 8192 : i32
    %sub3A_51 = arith.subi %add3A_49, %sub3A_50 : i32
    %dma_wait3A_52 = arith.constant 0 : i32
    %dma_wait3A_53 = tpu.memref_slice %arg4[%sub3A_51, %dma_wait3A_52] : memref<524288x8xf32, #tpu.memory_space<hbm>> -> memref<4096x8xf32, #tpu.memory_space<hbm>>
    %dma_wait3A_54 = arith.constant 0 : i32
    %dma_wait3A_55 = tpu.memref_slice %arg4[%sub3A_51, %dma_wait3A_54] : memref<524288x8xf32, #tpu.memory_space<hbm>> -> memref<4096x8xf32, #tpu.memory_space<hbm>>
    tpu.wait_dma2 semaphore(%arg9 : memref<!tpu.dma_semaphore, #tpu.memory_space<semaphore_mem>>) src(%arg7 : memref<4096x8xf32, #tpu.memory_space<vmem>>) dst(%dma_wait3A_55 : memref<4096x8xf32, #tpu.memory_space<hbm>>)
    %dma_start3A_56 = arith.constant 0 : i32
    %dma_start3A_57 = arith.constant 0 : i32
    %dma_start3A_58 = tpu.memref_slice %arg2[%dma_start3A_56, %dma_start3A_57] : memref<32768x8xf32, #tpu.memory_space<hbm>> -> memref<32768x8xf32, #tpu.memory_space<hbm>>
    tpu.enqueue_indirect_dma source(%dma_start3A_58 : memref<32768x8xf32, #tpu.memory_space<hbm>>) target(%arg7 : memref<4096x8xf32, #tpu.memory_space<vmem>>) offsets(%arg5 : memref<4096xi32, #tpu.memory_space<vmem>>) semaphore(%arg8 : memref<!tpu.dma_semaphore, #tpu.memory_space<semaphore_mem>>)
    %dma_wait3A_59 = arith.constant 0 : i32
    %dma_wait3A_60 = arith.constant 0 : i32
    %dma_wait3A_61 = tpu.memref_slice %arg2[%dma_wait3A_59, %dma_wait3A_60] : memref<32768x8xf32, #tpu.memory_space<hbm>> -> memref<32768x8xf32, #tpu.memory_space<hbm>>
    tpu.wait_indirect_dma semaphore(%arg8 : memref<!tpu.dma_semaphore, #tpu.memory_space<semaphore_mem>>) src(%dma_wait3A_61 : memref<32768x8xf32, #tpu.memory_space<hbm>>) dst(%arg7 : memref<4096x8xf32, #tpu.memory_space<vmem>>)
    %dma_start3A_62 = arith.constant 0 : i32
    %dma_start3A_63 = tpu.memref_slice %arg4[%add3A_49, %dma_start3A_62] : memref<524288x8xf32, #tpu.memory_space<hbm>> -> memref<4096x8xf32, #tpu.memory_space<hbm>>
    %dma_start3A_64 = arith.constant 0 : i32
    %dma_start3A_65 = tpu.memref_slice %arg4[%add3A_49, %dma_start3A_64] : memref<524288x8xf32, #tpu.memory_space<hbm>> -> memref<4096x8xf32, #tpu.memory_space<hbm>>
    tpu.enqueue_dma source(%arg7 : memref<4096x8xf32, #tpu.memory_space<vmem>>) target(%dma_start3A_65 : memref<4096x8xf32, #tpu.memory_space<hbm>>) target_semaphore(%arg9 : memref<!tpu.dma_semaphore, #tpu.memory_space<semaphore_mem>>)
    %mul3A_66 = arith.constant 16384 : i32
    %mul3A_67 = arith.muli %add3A, %mul3A_66 : i32
    %add3A_68 = arith.constant 8192 : i32
    %add3A_69 = arith.addi %mul3A_67, %add3A_68 : i32
    %dma_wait3A_70 = arith.constant 0 : i32
    %dma_wait3A_71 = tpu.memref_slice %arg4[%add3A_69, %dma_wait3A_70] : memref<524288x8xf32, #tpu.memory_space<hbm>> -> memref<4096x8xf32, #tpu.memory_space<hbm>>
    %dma_wait3A_72 = arith.constant 0 : i32
    %dma_wait3A_73 = tpu.memref_slice %arg4[%add3A_69, %dma_wait3A_72] : memref<524288x8xf32, #tpu.memory_space<hbm>> -> memref<4096x8xf32, #tpu.memory_space<hbm>>
    tpu.wait_dma2 semaphore(%arg9 : memref<!tpu.dma_semaphore, #tpu.memory_space<semaphore_mem>>) src(%arg6 : memref<4096x8xf32, #tpu.memory_space<vmem>>) dst(%dma_wait3A_73 : memref<4096x8xf32, #tpu.memory_space<hbm>>)
    %mul3A_74 = arith.constant 16384 : i32
    %mul3A_75 = arith.muli %add3A, %mul3A_74 : i32
    %add3A_76 = arith.constant 12288 : i32
    %add3A_77 = arith.addi %mul3A_75, %add3A_76 : i32
    %dma_wait3A_78 = arith.constant 0 : i32
    %dma_wait3A_79 = tpu.memref_slice %arg4[%add3A_77, %dma_wait3A_78] : memref<524288x8xf32, #tpu.memory_space<hbm>> -> memref<4096x8xf32, #tpu.memory_space<hbm>>
    %dma_wait3A_80 = arith.constant 0 : i32
    %dma_wait3A_81 = tpu.memref_slice %arg4[%add3A_77, %dma_wait3A_80] : memref<524288x8xf32, #tpu.memory_space<hbm>> -> memref<4096x8xf32, #tpu.memory_space<hbm>>
    tpu.wait_dma2 semaphore(%arg9 : memref<!tpu.dma_semaphore, #tpu.memory_space<semaphore_mem>>) src(%arg7 : memref<4096x8xf32, #tpu.memory_space<vmem>>) dst(%dma_wait3A_81 : memref<4096x8xf32, #tpu.memory_space<hbm>>)
    return
  }
}

#map = affine_map<(d0, d1) -> (0, 0)>
#map1 = affine_map<(d0, d1) -> (0)>
module attributes {stable_mosaic.version = 14 : i64} {
  func.func @gather_k(%arg0: i32, %arg1: i32, %arg2: memref<32768x8xf32, #tpu.memory_space<hbm>>, %arg3: memref<524288xi32, #tpu.memory_space<hbm>>, %arg4: memref<524288x8xf32, #tpu.memory_space<hbm>>, %arg5: memref<4096xi32, #tpu.memory_space<vmem>>, %arg6: memref<4096x8xf32, #tpu.memory_space<vmem>>, %arg7: memref<4096x8xf32, #tpu.memory_space<vmem>>, %arg8: memref<!tpu.dma_semaphore, #tpu.memory_space<semaphore_mem>>, %arg9: memref<!tpu.dma_semaphore, #tpu.memory_space<semaphore_mem>>) attributes {dimension_semantics = [#tpu.dimension_semantics<core_parallel>, #tpu.dimension_semantics<subcore_parallel>], iteration_bounds = array<i64: 2, 16>, scalar_prefetch = 0 : i64, scratch_operands = 5 : i64, tpu.core_type = #tpu.core_type<sc_vector_subcore>, window_params = [{transform_indices = #map}, {transform_indices = #map1}, {transform_indices = #map}]} {
    %mul3A = arith.constant 2 : i32
    %mul3A_0 = arith.muli %arg1, %mul3A : i32
    %add3A = arith.addi %mul3A_0, %arg0 : i32
    %mul3A_1 = arith.constant 16384 : i32
    %mul3A_2 = arith.muli %add3A, %mul3A_1 : i32
    %add3A_3 = arith.constant 0 : i32
    %add3A_4 = arith.addi %mul3A_2, %add3A_3 : i32
    "tpu.region"() ({
      %run_scoped3A = tpu.sem_alloc : memref<!tpu.dma_semaphore, #tpu.memory_space<semaphore_mem>>
      %dma_start3A_82 = tpu.memref_slice %arg3[%add3A_4] : memref<524288xi32, #tpu.memory_space<hbm>> -> memref<4096xi32, #tpu.memory_space<hbm>>
      %dma_start3A_83 = tpu.memref_slice %arg3[%add3A_4] : memref<524288xi32, #tpu.memory_space<hbm>> -> memref<4096xi32, #tpu.memory_space<hbm>>
      tpu.enqueue_dma source(%dma_start3A_83 : memref<4096xi32, #tpu.memory_space<hbm>>) target(%arg5 : memref<4096xi32, #tpu.memory_space<vmem>>) target_semaphore(%run_scoped3A : memref<!tpu.dma_semaphore, #tpu.memory_space<semaphore_mem>>)
      %dma_wait3A_84 = tpu.memref_slice %arg3[%add3A_4] : memref<524288xi32, #tpu.memory_space<hbm>> -> memref<4096xi32, #tpu.memory_space<hbm>>
      %dma_wait3A_85 = tpu.memref_slice %arg3[%add3A_4] : memref<524288xi32, #tpu.memory_space<hbm>> -> memref<4096xi32, #tpu.memory_space<hbm>>
      tpu.wait_dma2 semaphore(%run_scoped3A : memref<!tpu.dma_semaphore, #tpu.memory_space<semaphore_mem>>) src(%dma_wait3A_85 : memref<4096xi32, #tpu.memory_space<hbm>>) dst(%arg5 : memref<4096xi32, #tpu.memory_space<vmem>>)
      tpu.yield
    }) : () -> ()
    %dma_start3A = arith.constant 0 : i32
    %dma_start3A_5 = arith.constant 0 : i32
    %dma_start3A_6 = tpu.memref_slice %arg2[%dma_start3A, %dma_start3A_5] : memref<32768x8xf32, #tpu.memory_space<hbm>> -> memref<32768x8xf32, #tpu.memory_space<hbm>>
    tpu.enqueue_indirect_dma source(%dma_start3A_6 : memref<32768x8xf32, #tpu.memory_space<hbm>>) target(%arg6 : memref<4096x8xf32, #tpu.memory_space<vmem>>) offsets(%arg5 : memref<4096xi32, #tpu.memory_space<vmem>>) semaphore(%arg8 : memref<!tpu.dma_semaphore, #tpu.memory_space<semaphore_mem>>)
    %dma_wait3A = arith.constant 0 : i32
    %dma_wait3A_7 = arith.constant 0 : i32
    %dma_wait3A_8 = tpu.memref_slice %arg2[%dma_wait3A, %dma_wait3A_7] : memref<32768x8xf32, #tpu.memory_space<hbm>> -> memref<32768x8xf32, #tpu.memory_space<hbm>>
    tpu.wait_indirect_dma semaphore(%arg8 : memref<!tpu.dma_semaphore, #tpu.memory_space<semaphore_mem>>) src(%dma_wait3A_8 : memref<32768x8xf32, #tpu.memory_space<hbm>>) dst(%arg6 : memref<4096x8xf32, #tpu.memory_space<vmem>>)
    %dma_start3A_9 = arith.constant 0 : i32
    %dma_start3A_10 = tpu.memref_slice %arg4[%add3A_4, %dma_start3A_9] : memref<524288x8xf32, #tpu.memory_space<hbm>> -> memref<4096x8xf32, #tpu.memory_space<hbm>>
    %dma_start3A_11 = arith.constant 0 : i32
    %dma_start3A_12 = tpu.memref_slice %arg4[%add3A_4, %dma_start3A_11] : memref<524288x8xf32, #tpu.memory_space<hbm>> -> memref<4096x8xf32, #tpu.memory_space<hbm>>
    tpu.enqueue_dma source(%arg6 : memref<4096x8xf32, #tpu.memory_space<vmem>>) target(%dma_start3A_12 : memref<4096x8xf32, #tpu.memory_space<hbm>>) target_semaphore(%arg9 : memref<!tpu.dma_semaphore, #tpu.memory_space<semaphore_mem>>)
    %mul3A_13 = arith.constant 16384 : i32
    %mul3A_14 = arith.muli %add3A, %mul3A_13 : i32
    %add3A_15 = arith.constant 4096 : i32
    %add3A_16 = arith.addi %mul3A_14, %add3A_15 : i32
    "tpu.region"() ({
      %run_scoped3A = tpu.sem_alloc : memref<!tpu.dma_semaphore, #tpu.memory_space<semaphore_mem>>
      %dma_start3A_82 = tpu.memref_slice %arg3[%add3A_16] : memref<524288xi32, #tpu.memory_space<hbm>> -> memref<4096xi32, #tpu.memory_space<hbm>>
      %dma_start3A_83 = tpu.memref_slice %arg3[%add3A_16] : memref<524288xi32, #tpu.memory_space<hbm>> -> memref<4096xi32, #tpu.memory_space<hbm>>
      tpu.enqueue_dma source(%dma_start3A_83 : memref<4096xi32, #tpu.memory_space<hbm>>) target(%arg5 : memref<4096xi32, #tpu.memory_space<vmem>>) target_semaphore(%run_scoped3A : memref<!tpu.dma_semaphore, #tpu.memory_space<semaphore_mem>>)
      %dma_wait3A_84 = tpu.memref_slice %arg3[%add3A_16] : memref<524288xi32, #tpu.memory_space<hbm>> -> memref<4096xi32, #tpu.memory_space<hbm>>
      %dma_wait3A_85 = tpu.memref_slice %arg3[%add3A_16] : memref<524288xi32, #tpu.memory_space<hbm>> -> memref<4096xi32, #tpu.memory_space<hbm>>
      tpu.wait_dma2 semaphore(%run_scoped3A : memref<!tpu.dma_semaphore, #tpu.memory_space<semaphore_mem>>) src(%dma_wait3A_85 : memref<4096xi32, #tpu.memory_space<hbm>>) dst(%arg5 : memref<4096xi32, #tpu.memory_space<vmem>>)
      tpu.yield
    }) : () -> ()
    %dma_start3A_17 = arith.constant 0 : i32
    %dma_start3A_18 = arith.constant 0 : i32
    %dma_start3A_19 = tpu.memref_slice %arg2[%dma_start3A_17, %dma_start3A_18] : memref<32768x8xf32, #tpu.memory_space<hbm>> -> memref<32768x8xf32, #tpu.memory_space<hbm>>
    tpu.enqueue_indirect_dma source(%dma_start3A_19 : memref<32768x8xf32, #tpu.memory_space<hbm>>) target(%arg7 : memref<4096x8xf32, #tpu.memory_space<vmem>>) offsets(%arg5 : memref<4096xi32, #tpu.memory_space<vmem>>) semaphore(%arg8 : memref<!tpu.dma_semaphore, #tpu.memory_space<semaphore_mem>>)
    %dma_wait3A_20 = arith.constant 0 : i32
    %dma_wait3A_21 = arith.constant 0 : i32
    %dma_wait3A_22 = tpu.memref_slice %arg2[%dma_wait3A_20, %dma_wait3A_21] : memref<32768x8xf32, #tpu.memory_space<hbm>> -> memref<32768x8xf32, #tpu.memory_space<hbm>>
    tpu.wait_indirect_dma semaphore(%arg8 : memref<!tpu.dma_semaphore, #tpu.memory_space<semaphore_mem>>) src(%dma_wait3A_22 : memref<32768x8xf32, #tpu.memory_space<hbm>>) dst(%arg7 : memref<4096x8xf32, #tpu.memory_space<vmem>>)
    %dma_start3A_23 = arith.constant 0 : i32
    %dma_start3A_24 = tpu.memref_slice %arg4[%add3A_16, %dma_start3A_23] : memref<524288x8xf32, #tpu.memory_space<hbm>> -> memref<4096x8xf32, #tpu.memory_space<hbm>>
    %dma_start3A_25 = arith.constant 0 : i32
    %dma_start3A_26 = tpu.memref_slice %arg4[%add3A_16, %dma_start3A_25] : memref<524288x8xf32, #tpu.memory_space<hbm>> -> memref<4096x8xf32, #tpu.memory_space<hbm>>
    tpu.enqueue_dma source(%arg7 : memref<4096x8xf32, #tpu.memory_space<vmem>>) target(%dma_start3A_26 : memref<4096x8xf32, #tpu.memory_space<hbm>>) target_semaphore(%arg9 : memref<!tpu.dma_semaphore, #tpu.memory_space<semaphore_mem>>)
    %mul3A_27 = arith.constant 16384 : i32
    %mul3A_28 = arith.muli %add3A, %mul3A_27 : i32
    %add3A_29 = arith.constant 8192 : i32
    %add3A_30 = arith.addi %mul3A_28, %add3A_29 : i32
    "tpu.region"() ({
      %run_scoped3A = tpu.sem_alloc : memref<!tpu.dma_semaphore, #tpu.memory_space<semaphore_mem>>
      %dma_start3A_82 = tpu.memref_slice %arg3[%add3A_30] : memref<524288xi32, #tpu.memory_space<hbm>> -> memref<4096xi32, #tpu.memory_space<hbm>>
      %dma_start3A_83 = tpu.memref_slice %arg3[%add3A_30] : memref<524288xi32, #tpu.memory_space<hbm>> -> memref<4096xi32, #tpu.memory_space<hbm>>
      tpu.enqueue_dma source(%dma_start3A_83 : memref<4096xi32, #tpu.memory_space<hbm>>) target(%arg5 : memref<4096xi32, #tpu.memory_space<vmem>>) target_semaphore(%run_scoped3A : memref<!tpu.dma_semaphore, #tpu.memory_space<semaphore_mem>>)
      %dma_wait3A_84 = tpu.memref_slice %arg3[%add3A_30] : memref<524288xi32, #tpu.memory_space<hbm>> -> memref<4096xi32, #tpu.memory_space<hbm>>
      %dma_wait3A_85 = tpu.memref_slice %arg3[%add3A_30] : memref<524288xi32, #tpu.memory_space<hbm>> -> memref<4096xi32, #tpu.memory_space<hbm>>
      tpu.wait_dma2 semaphore(%run_scoped3A : memref<!tpu.dma_semaphore, #tpu.memory_space<semaphore_mem>>) src(%dma_wait3A_85 : memref<4096xi32, #tpu.memory_space<hbm>>) dst(%arg5 : memref<4096xi32, #tpu.memory_space<vmem>>)
      tpu.yield
    }) : () -> ()
    %sub3A = arith.constant 8192 : i32
    %sub3A_31 = arith.subi %add3A_30, %sub3A : i32
    %dma_wait3A_32 = arith.constant 0 : i32
    %dma_wait3A_33 = tpu.memref_slice %arg4[%sub3A_31, %dma_wait3A_32] : memref<524288x8xf32, #tpu.memory_space<hbm>> -> memref<4096x8xf32, #tpu.memory_space<hbm>>
    %dma_wait3A_34 = arith.constant 0 : i32
    %dma_wait3A_35 = tpu.memref_slice %arg4[%sub3A_31, %dma_wait3A_34] : memref<524288x8xf32, #tpu.memory_space<hbm>> -> memref<4096x8xf32, #tpu.memory_space<hbm>>
    tpu.wait_dma2 semaphore(%arg9 : memref<!tpu.dma_semaphore, #tpu.memory_space<semaphore_mem>>) src(%arg6 : memref<4096x8xf32, #tpu.memory_space<vmem>>) dst(%dma_wait3A_35 : memref<4096x8xf32, #tpu.memory_space<hbm>>)
    %dma_start3A_36 = arith.constant 0 : i32
    %dma_start3A_37 = arith.constant 0 : i32
    %dma_start3A_38 = tpu.memref_slice %arg2[%dma_start3A_36, %dma_start3A_37] : memref<32768x8xf32, #tpu.memory_space<hbm>> -> memref<32768x8xf32, #tpu.memory_space<hbm>>
    tpu.enqueue_indirect_dma source(%dma_start3A_38 : memref<32768x8xf32, #tpu.memory_space<hbm>>) target(%arg6 : memref<4096x8xf32, #tpu.memory_space<vmem>>) offsets(%arg5 : memref<4096xi32, #tpu.memory_space<vmem>>) semaphore(%arg8 : memref<!tpu.dma_semaphore, #tpu.memory_space<semaphore_mem>>)
    %dma_wait3A_39 = arith.constant 0 : i32
    %dma_wait3A_40 = arith.constant 0 : i32
    %dma_wait3A_41 = tpu.memref_slice %arg2[%dma_wait3A_39, %dma_wait3A_40] : memref<32768x8xf32, #tpu.memory_space<hbm>> -> memref<32768x8xf32, #tpu.memory_space<hbm>>
    tpu.wait_indirect_dma semaphore(%arg8 : memref<!tpu.dma_semaphore, #tpu.memory_space<semaphore_mem>>) src(%dma_wait3A_41 : memref<32768x8xf32, #tpu.memory_space<hbm>>) dst(%arg6 : memref<4096x8xf32, #tpu.memory_space<vmem>>)
    %dma_start3A_42 = arith.constant 0 : i32
    %dma_start3A_43 = tpu.memref_slice %arg4[%add3A_30, %dma_start3A_42] : memref<524288x8xf32, #tpu.memory_space<hbm>> -> memref<4096x8xf32, #tpu.memory_space<hbm>>
    %dma_start3A_44 = arith.constant 0 : i32
    %dma_start3A_45 = tpu.memref_slice %arg4[%add3A_30, %dma_start3A_44] : memref<524288x8xf32, #tpu.memory_space<hbm>> -> memref<4096x8xf32, #tpu.memory_space<hbm>>
    tpu.enqueue_dma source(%arg6 : memref<4096x8xf32, #tpu.memory_space<vmem>>) target(%dma_start3A_45 : memref<4096x8xf32, #tpu.memory_space<hbm>>) target_semaphore(%arg9 : memref<!tpu.dma_semaphore, #tpu.memory_space<semaphore_mem>>)
    %mul3A_46 = arith.constant 16384 : i32
    %mul3A_47 = arith.muli %add3A, %mul3A_46 : i32
    %add3A_48 = arith.constant 12288 : i32
    %add3A_49 = arith.addi %mul3A_47, %add3A_48 : i32
    "tpu.region"() ({
      %run_scoped3A = tpu.sem_alloc : memref<!tpu.dma_semaphore, #tpu.memory_space<semaphore_mem>>
      %dma_start3A_82 = tpu.memref_slice %arg3[%add3A_49] : memref<524288xi32, #tpu.memory_space<hbm>> -> memref<4096xi32, #tpu.memory_space<hbm>>
      %dma_start3A_83 = tpu.memref_slice %arg3[%add3A_49] : memref<524288xi32, #tpu.memory_space<hbm>> -> memref<4096xi32, #tpu.memory_space<hbm>>
      tpu.enqueue_dma source(%dma_start3A_83 : memref<4096xi32, #tpu.memory_space<hbm>>) target(%arg5 : memref<4096xi32, #tpu.memory_space<vmem>>) target_semaphore(%run_scoped3A : memref<!tpu.dma_semaphore, #tpu.memory_space<semaphore_mem>>)
      %dma_wait3A_84 = tpu.memref_slice %arg3[%add3A_49] : memref<524288xi32, #tpu.memory_space<hbm>> -> memref<4096xi32, #tpu.memory_space<hbm>>
      %dma_wait3A_85 = tpu.memref_slice %arg3[%add3A_49] : memref<524288xi32, #tpu.memory_space<hbm>> -> memref<4096xi32, #tpu.memory_space<hbm>>
      tpu.wait_dma2 semaphore(%run_scoped3A : memref<!tpu.dma_semaphore, #tpu.memory_space<semaphore_mem>>) src(%dma_wait3A_85 : memref<4096xi32, #tpu.memory_space<hbm>>) dst(%arg5 : memref<4096xi32, #tpu.memory_space<vmem>>)
      tpu.yield
    }) : () -> ()
    %sub3A_50 = arith.constant 8192 : i32
    %sub3A_51 = arith.subi %add3A_49, %sub3A_50 : i32
    %dma_wait3A_52 = arith.constant 0 : i32
    %dma_wait3A_53 = tpu.memref_slice %arg4[%sub3A_51, %dma_wait3A_52] : memref<524288x8xf32, #tpu.memory_space<hbm>> -> memref<4096x8xf32, #tpu.memory_space<hbm>>
    %dma_wait3A_54 = arith.constant 0 : i32
    %dma_wait3A_55 = tpu.memref_slice %arg4[%sub3A_51, %dma_wait3A_54] : memref<524288x8xf32, #tpu.memory_space<hbm>> -> memref<4096x8xf32, #tpu.memory_space<hbm>>
    tpu.wait_dma2 semaphore(%arg9 : memref<!tpu.dma_semaphore, #tpu.memory_space<semaphore_mem>>) src(%arg7 : memref<4096x8xf32, #tpu.memory_space<vmem>>) dst(%dma_wait3A_55 : memref<4096x8xf32, #tpu.memory_space<hbm>>)
    %dma_start3A_56 = arith.constant 0 : i32
    %dma_start3A_57 = arith.constant 0 : i32
    %dma_start3A_58 = tpu.memref_slice %arg2[%dma_start3A_56, %dma_start3A_57] : memref<32768x8xf32, #tpu.memory_space<hbm>> -> memref<32768x8xf32, #tpu.memory_space<hbm>>
    tpu.enqueue_indirect_dma source(%dma_start3A_58 : memref<32768x8xf32, #tpu.memory_space<hbm>>) target(%arg7 : memref<4096x8xf32, #tpu.memory_space<vmem>>) offsets(%arg5 : memref<4096xi32, #tpu.memory_space<vmem>>) semaphore(%arg8 : memref<!tpu.dma_semaphore, #tpu.memory_space<semaphore_mem>>)
    %dma_wait3A_59 = arith.constant 0 : i32
    %dma_wait3A_60 = arith.constant 0 : i32
    %dma_wait3A_61 = tpu.memref_slice %arg2[%dma_wait3A_59, %dma_wait3A_60] : memref<32768x8xf32, #tpu.memory_space<hbm>> -> memref<32768x8xf32, #tpu.memory_space<hbm>>
    tpu.wait_indirect_dma semaphore(%arg8 : memref<!tpu.dma_semaphore, #tpu.memory_space<semaphore_mem>>) src(%dma_wait3A_61 : memref<32768x8xf32, #tpu.memory_space<hbm>>) dst(%arg7 : memref<4096x8xf32, #tpu.memory_space<vmem>>)
    %dma_start3A_62 = arith.constant 0 : i32
    %dma_start3A_63 = tpu.memref_slice %arg4[%add3A_49, %dma_start3A_62] : memref<524288x8xf32, #tpu.memory_space<hbm>> -> memref<4096x8xf32, #tpu.memory_space<hbm>>
    %dma_start3A_64 = arith.constant 0 : i32
    %dma_start3A_65 = tpu.memref_slice %arg4[%add3A_49, %dma_start3A_64] : memref<524288x8xf32, #tpu.memory_space<hbm>> -> memref<4096x8xf32, #tpu.memory_space<hbm>>
    tpu.enqueue_dma source(%arg7 : memref<4096x8xf32, #tpu.memory_space<vmem>>) target(%dma_start3A_65 : memref<4096x8xf32, #tpu.memory_space<hbm>>) target_semaphore(%arg9 : memref<!tpu.dma_semaphore, #tpu.memory_space<semaphore_mem>>)
    %mul3A_66 = arith.constant 16384 : i32
    %mul3A_67 = arith.muli %add3A, %mul3A_66 : i32
    %add3A_68 = arith.constant 8192 : i32
    %add3A_69 = arith.addi %mul3A_67, %add3A_68 : i32
    %dma_wait3A_70 = arith.constant 0 : i32
    %dma_wait3A_71 = tpu.memref_slice %arg4[%add3A_69, %dma_wait3A_70] : memref<524288x8xf32, #tpu.memory_space<hbm>> -> memref<4096x8xf32, #tpu.memory_space<hbm>>
    %dma_wait3A_72 = arith.constant 0 : i32
    %dma_wait3A_73 = tpu.memref_slice %arg4[%add3A_69, %dma_wait3A_72] : memref<524288x8xf32, #tpu.memory_space<hbm>> -> memref<4096x8xf32, #tpu.memory_space<hbm>>
    tpu.wait_dma2 semaphore(%arg9 : memref<!tpu.dma_semaphore, #tpu.memory_space<semaphore_mem>>) src(%arg6 : memref<4096x8xf32, #tpu.memory_space<vmem>>) dst(%dma_wait3A_73 : memref<4096x8xf32, #tpu.memory_space<hbm>>)
    %mul3A_74 = arith.constant 16384 : i32
    %mul3A_75 = arith.muli %add3A, %mul3A_74 : i32
    %add3A_76 = arith.constant 12288 : i32
    %add3A_77 = arith.addi %mul3A_75, %add3A_76 : i32
    %dma_wait3A_78 = arith.constant 0 : i32
    %dma_wait3A_79 = tpu.memref_slice %arg4[%add3A_77, %dma_wait3A_78] : memref<524288x8xf32, #tpu.memory_space<hbm>> -> memref<4096x8xf32, #tpu.memory_space<hbm>>
    %dma_wait3A_80 = arith.constant 0 : i32
    %dma_wait3A_81 = tpu.memref_slice %arg4[%add3A_77, %dma_wait3A_80] : memref<524288x8xf32, #tpu.memory_space<hbm>> -> memref<4096x8xf32, #tpu.memory_space<hbm>>
    tpu.wait_dma2 semaphore(%arg9 : memref<!tpu.dma_semaphore, #tpu.memory_space<semaphore_mem>>) src(%arg7 : memref<4096x8xf32, #tpu.memory_space<vmem>>) dst(%dma_wait3A_81 : memref<4096x8xf32, #tpu.memory_space<hbm>>)
    return
  }
}

#map = affine_map<(d0, d1) -> (0, 0)>
#map1 = affine_map<(d0, d1) -> (0)>
module attributes {stable_mosaic.version = 14 : i64} {
  func.func @gather_k(%arg0: i32, %arg1: i32, %arg2: memref<32768x8xf32, #tpu.memory_space<hbm>>, %arg3: memref<524288xi32, #tpu.memory_space<hbm>>, %arg4: memref<524288x8xf32, #tpu.memory_space<hbm>>, %arg5: memref<4096xi32, #tpu.memory_space<vmem>>, %arg6: memref<4096x8xf32, #tpu.memory_space<vmem>>, %arg7: memref<4096x8xf32, #tpu.memory_space<vmem>>, %arg8: memref<!tpu.dma_semaphore, #tpu.memory_space<semaphore_mem>>, %arg9: memref<!tpu.dma_semaphore, #tpu.memory_space<semaphore_mem>>) attributes {dimension_semantics = [#tpu.dimension_semantics<core_parallel>, #tpu.dimension_semantics<subcore_parallel>], iteration_bounds = array<i64: 2, 16>, scalar_prefetch = 0 : i64, scratch_operands = 5 : i64, tpu.core_type = #tpu.core_type<sc_vector_subcore>, window_params = [{transform_indices = #map}, {transform_indices = #map1}, {transform_indices = #map}]} {
    %mul3A = arith.constant 2 : i32
    %mul3A_0 = arith.muli %arg1, %mul3A : i32
    %add3A = arith.addi %mul3A_0, %arg0 : i32
    %mul3A_1 = arith.constant 16384 : i32
    %mul3A_2 = arith.muli %add3A, %mul3A_1 : i32
    %add3A_3 = arith.constant 0 : i32
    %add3A_4 = arith.addi %mul3A_2, %add3A_3 : i32
    "tpu.region"() ({
      %run_scoped3A = tpu.sem_alloc : memref<!tpu.dma_semaphore, #tpu.memory_space<semaphore_mem>>
      %dma_start3A_82 = tpu.memref_slice %arg3[%add3A_4] : memref<524288xi32, #tpu.memory_space<hbm>> -> memref<4096xi32, #tpu.memory_space<hbm>>
      %dma_start3A_83 = tpu.memref_slice %arg3[%add3A_4] : memref<524288xi32, #tpu.memory_space<hbm>> -> memref<4096xi32, #tpu.memory_space<hbm>>
      tpu.enqueue_dma source(%dma_start3A_83 : memref<4096xi32, #tpu.memory_space<hbm>>) target(%arg5 : memref<4096xi32, #tpu.memory_space<vmem>>) target_semaphore(%run_scoped3A : memref<!tpu.dma_semaphore, #tpu.memory_space<semaphore_mem>>)
      %dma_wait3A_84 = tpu.memref_slice %arg3[%add3A_4] : memref<524288xi32, #tpu.memory_space<hbm>> -> memref<4096xi32, #tpu.memory_space<hbm>>
      %dma_wait3A_85 = tpu.memref_slice %arg3[%add3A_4] : memref<524288xi32, #tpu.memory_space<hbm>> -> memref<4096xi32, #tpu.memory_space<hbm>>
      tpu.wait_dma2 semaphore(%run_scoped3A : memref<!tpu.dma_semaphore, #tpu.memory_space<semaphore_mem>>) src(%dma_wait3A_85 : memref<4096xi32, #tpu.memory_space<hbm>>) dst(%arg5 : memref<4096xi32, #tpu.memory_space<vmem>>)
      tpu.yield
    }) : () -> ()
    %dma_start3A = arith.constant 0 : i32
    %dma_start3A_5 = arith.constant 0 : i32
    %dma_start3A_6 = tpu.memref_slice %arg2[%dma_start3A, %dma_start3A_5] : memref<32768x8xf32, #tpu.memory_space<hbm>> -> memref<32768x8xf32, #tpu.memory_space<hbm>>
    tpu.enqueue_indirect_dma source(%dma_start3A_6 : memref<32768x8xf32, #tpu.memory_space<hbm>>) target(%arg6 : memref<4096x8xf32, #tpu.memory_space<vmem>>) offsets(%arg5 : memref<4096xi32, #tpu.memory_space<vmem>>) semaphore(%arg8 : memref<!tpu.dma_semaphore, #tpu.memory_space<semaphore_mem>>)
    %dma_wait3A = arith.constant 0 : i32
    %dma_wait3A_7 = arith.constant 0 : i32
    %dma_wait3A_8 = tpu.memref_slice %arg2[%dma_wait3A, %dma_wait3A_7] : memref<32768x8xf32, #tpu.memory_space<hbm>> -> memref<32768x8xf32, #tpu.memory_space<hbm>>
    tpu.wait_indirect_dma semaphore(%arg8 : memref<!tpu.dma_semaphore, #tpu.memory_space<semaphore_mem>>) src(%dma_wait3A_8 : memref<32768x8xf32, #tpu.memory_space<hbm>>) dst(%arg6 : memref<4096x8xf32, #tpu.memory_space<vmem>>)
    %dma_start3A_9 = arith.constant 0 : i32
    %dma_start3A_10 = tpu.memref_slice %arg4[%add3A_4, %dma_start3A_9] : memref<524288x8xf32, #tpu.memory_space<hbm>> -> memref<4096x8xf32, #tpu.memory_space<hbm>>
    %dma_start3A_11 = arith.constant 0 : i32
    %dma_start3A_12 = tpu.memref_slice %arg4[%add3A_4, %dma_start3A_11] : memref<524288x8xf32, #tpu.memory_space<hbm>> -> memref<4096x8xf32, #tpu.memory_space<hbm>>
    tpu.enqueue_dma source(%arg6 : memref<4096x8xf32, #tpu.memory_space<vmem>>) target(%dma_start3A_12 : memref<4096x8xf32, #tpu.memory_space<hbm>>) target_semaphore(%arg9 : memref<!tpu.dma_semaphore, #tpu.memory_space<semaphore_mem>>)
    %mul3A_13 = arith.constant 16384 : i32
    %mul3A_14 = arith.muli %add3A, %mul3A_13 : i32
    %add3A_15 = arith.constant 4096 : i32
    %add3A_16 = arith.addi %mul3A_14, %add3A_15 : i32
    "tpu.region"() ({
      %run_scoped3A = tpu.sem_alloc : memref<!tpu.dma_semaphore, #tpu.memory_space<semaphore_mem>>
      %dma_start3A_82 = tpu.memref_slice %arg3[%add3A_16] : memref<524288xi32, #tpu.memory_space<hbm>> -> memref<4096xi32, #tpu.memory_space<hbm>>
      %dma_start3A_83 = tpu.memref_slice %arg3[%add3A_16] : memref<524288xi32, #tpu.memory_space<hbm>> -> memref<4096xi32, #tpu.memory_space<hbm>>
      tpu.enqueue_dma source(%dma_start3A_83 : memref<4096xi32, #tpu.memory_space<hbm>>) target(%arg5 : memref<4096xi32, #tpu.memory_space<vmem>>) target_semaphore(%run_scoped3A : memref<!tpu.dma_semaphore, #tpu.memory_space<semaphore_mem>>)
      %dma_wait3A_84 = tpu.memref_slice %arg3[%add3A_16] : memref<524288xi32, #tpu.memory_space<hbm>> -> memref<4096xi32, #tpu.memory_space<hbm>>
      %dma_wait3A_85 = tpu.memref_slice %arg3[%add3A_16] : memref<524288xi32, #tpu.memory_space<hbm>> -> memref<4096xi32, #tpu.memory_space<hbm>>
      tpu.wait_dma2 semaphore(%run_scoped3A : memref<!tpu.dma_semaphore, #tpu.memory_space<semaphore_mem>>) src(%dma_wait3A_85 : memref<4096xi32, #tpu.memory_space<hbm>>) dst(%arg5 : memref<4096xi32, #tpu.memory_space<vmem>>)
      tpu.yield
    }) : () -> ()
    %dma_start3A_17 = arith.constant 0 : i32
    %dma_start3A_18 = arith.constant 0 : i32
    %dma_start3A_19 = tpu.memref_slice %arg2[%dma_start3A_17, %dma_start3A_18] : memref<32768x8xf32, #tpu.memory_space<hbm>> -> memref<32768x8xf32, #tpu.memory_space<hbm>>
    tpu.enqueue_indirect_dma source(%dma_start3A_19 : memref<32768x8xf32, #tpu.memory_space<hbm>>) target(%arg7 : memref<4096x8xf32, #tpu.memory_space<vmem>>) offsets(%arg5 : memref<4096xi32, #tpu.memory_space<vmem>>) semaphore(%arg8 : memref<!tpu.dma_semaphore, #tpu.memory_space<semaphore_mem>>)
    %dma_wait3A_20 = arith.constant 0 : i32
    %dma_wait3A_21 = arith.constant 0 : i32
    %dma_wait3A_22 = tpu.memref_slice %arg2[%dma_wait3A_20, %dma_wait3A_21] : memref<32768x8xf32, #tpu.memory_space<hbm>> -> memref<32768x8xf32, #tpu.memory_space<hbm>>
    tpu.wait_indirect_dma semaphore(%arg8 : memref<!tpu.dma_semaphore, #tpu.memory_space<semaphore_mem>>) src(%dma_wait3A_22 : memref<32768x8xf32, #tpu.memory_space<hbm>>) dst(%arg7 : memref<4096x8xf32, #tpu.memory_space<vmem>>)
    %dma_start3A_23 = arith.constant 0 : i32
    %dma_start3A_24 = tpu.memref_slice %arg4[%add3A_16, %dma_start3A_23] : memref<524288x8xf32, #tpu.memory_space<hbm>> -> memref<4096x8xf32, #tpu.memory_space<hbm>>
    %dma_start3A_25 = arith.constant 0 : i32
    %dma_start3A_26 = tpu.memref_slice %arg4[%add3A_16, %dma_start3A_25] : memref<524288x8xf32, #tpu.memory_space<hbm>> -> memref<4096x8xf32, #tpu.memory_space<hbm>>
    tpu.enqueue_dma source(%arg7 : memref<4096x8xf32, #tpu.memory_space<vmem>>) target(%dma_start3A_26 : memref<4096x8xf32, #tpu.memory_space<hbm>>) target_semaphore(%arg9 : memref<!tpu.dma_semaphore, #tpu.memory_space<semaphore_mem>>)
    %mul3A_27 = arith.constant 16384 : i32
    %mul3A_28 = arith.muli %add3A, %mul3A_27 : i32
    %add3A_29 = arith.constant 8192 : i32
    %add3A_30 = arith.addi %mul3A_28, %add3A_29 : i32
    "tpu.region"() ({
      %run_scoped3A = tpu.sem_alloc : memref<!tpu.dma_semaphore, #tpu.memory_space<semaphore_mem>>
      %dma_start3A_82 = tpu.memref_slice %arg3[%add3A_30] : memref<524288xi32, #tpu.memory_space<hbm>> -> memref<4096xi32, #tpu.memory_space<hbm>>
      %dma_start3A_83 = tpu.memref_slice %arg3[%add3A_30] : memref<524288xi32, #tpu.memory_space<hbm>> -> memref<4096xi32, #tpu.memory_space<hbm>>
      tpu.enqueue_dma source(%dma_start3A_83 : memref<4096xi32, #tpu.memory_space<hbm>>) target(%arg5 : memref<4096xi32, #tpu.memory_space<vmem>>) target_semaphore(%run_scoped3A : memref<!tpu.dma_semaphore, #tpu.memory_space<semaphore_mem>>)
      %dma_wait3A_84 = tpu.memref_slice %arg3[%add3A_30] : memref<524288xi32, #tpu.memory_space<hbm>> -> memref<4096xi32, #tpu.memory_space<hbm>>
      %dma_wait3A_85 = tpu.memref_slice %arg3[%add3A_30] : memref<524288xi32, #tpu.memory_space<hbm>> -> memref<4096xi32, #tpu.memory_space<hbm>>
      tpu.wait_dma2 semaphore(%run_scoped3A : memref<!tpu.dma_semaphore, #tpu.memory_space<semaphore_mem>>) src(%dma_wait3A_85 : memref<4096xi32, #tpu.memory_space<hbm>>) dst(%arg5 : memref<4096xi32, #tpu.memory_space<vmem>>)
      tpu.yield
    }) : () -> ()
    %sub3A = arith.constant 8192 : i32
    %sub3A_31 = arith.subi %add3A_30, %sub3A : i32
    %dma_wait3A_32 = arith.constant 0 : i32
    %dma_wait3A_33 = tpu.memref_slice %arg4[%sub3A_31, %dma_wait3A_32] : memref<524288x8xf32, #tpu.memory_space<hbm>> -> memref<4096x8xf32, #tpu.memory_space<hbm>>
    %dma_wait3A_34 = arith.constant 0 : i32
    %dma_wait3A_35 = tpu.memref_slice %arg4[%sub3A_31, %dma_wait3A_34] : memref<524288x8xf32, #tpu.memory_space<hbm>> -> memref<4096x8xf32, #tpu.memory_space<hbm>>
    tpu.wait_dma2 semaphore(%arg9 : memref<!tpu.dma_semaphore, #tpu.memory_space<semaphore_mem>>) src(%arg6 : memref<4096x8xf32, #tpu.memory_space<vmem>>) dst(%dma_wait3A_35 : memref<4096x8xf32, #tpu.memory_space<hbm>>)
    %dma_start3A_36 = arith.constant 0 : i32
    %dma_start3A_37 = arith.constant 0 : i32
    %dma_start3A_38 = tpu.memref_slice %arg2[%dma_start3A_36, %dma_start3A_37] : memref<32768x8xf32, #tpu.memory_space<hbm>> -> memref<32768x8xf32, #tpu.memory_space<hbm>>
    tpu.enqueue_indirect_dma source(%dma_start3A_38 : memref<32768x8xf32, #tpu.memory_space<hbm>>) target(%arg6 : memref<4096x8xf32, #tpu.memory_space<vmem>>) offsets(%arg5 : memref<4096xi32, #tpu.memory_space<vmem>>) semaphore(%arg8 : memref<!tpu.dma_semaphore, #tpu.memory_space<semaphore_mem>>)
    %dma_wait3A_39 = arith.constant 0 : i32
    %dma_wait3A_40 = arith.constant 0 : i32
    %dma_wait3A_41 = tpu.memref_slice %arg2[%dma_wait3A_39, %dma_wait3A_40] : memref<32768x8xf32, #tpu.memory_space<hbm>> -> memref<32768x8xf32, #tpu.memory_space<hbm>>
    tpu.wait_indirect_dma semaphore(%arg8 : memref<!tpu.dma_semaphore, #tpu.memory_space<semaphore_mem>>) src(%dma_wait3A_41 : memref<32768x8xf32, #tpu.memory_space<hbm>>) dst(%arg6 : memref<4096x8xf32, #tpu.memory_space<vmem>>)
    %dma_start3A_42 = arith.constant 0 : i32
    %dma_start3A_43 = tpu.memref_slice %arg4[%add3A_30, %dma_start3A_42] : memref<524288x8xf32, #tpu.memory_space<hbm>> -> memref<4096x8xf32, #tpu.memory_space<hbm>>
    %dma_start3A_44 = arith.constant 0 : i32
    %dma_start3A_45 = tpu.memref_slice %arg4[%add3A_30, %dma_start3A_44] : memref<524288x8xf32, #tpu.memory_space<hbm>> -> memref<4096x8xf32, #tpu.memory_space<hbm>>
    tpu.enqueue_dma source(%arg6 : memref<4096x8xf32, #tpu.memory_space<vmem>>) target(%dma_start3A_45 : memref<4096x8xf32, #tpu.memory_space<hbm>>) target_semaphore(%arg9 : memref<!tpu.dma_semaphore, #tpu.memory_space<semaphore_mem>>)
    %mul3A_46 = arith.constant 16384 : i32
    %mul3A_47 = arith.muli %add3A, %mul3A_46 : i32
    %add3A_48 = arith.constant 12288 : i32
    %add3A_49 = arith.addi %mul3A_47, %add3A_48 : i32
    "tpu.region"() ({
      %run_scoped3A = tpu.sem_alloc : memref<!tpu.dma_semaphore, #tpu.memory_space<semaphore_mem>>
      %dma_start3A_82 = tpu.memref_slice %arg3[%add3A_49] : memref<524288xi32, #tpu.memory_space<hbm>> -> memref<4096xi32, #tpu.memory_space<hbm>>
      %dma_start3A_83 = tpu.memref_slice %arg3[%add3A_49] : memref<524288xi32, #tpu.memory_space<hbm>> -> memref<4096xi32, #tpu.memory_space<hbm>>
      tpu.enqueue_dma source(%dma_start3A_83 : memref<4096xi32, #tpu.memory_space<hbm>>) target(%arg5 : memref<4096xi32, #tpu.memory_space<vmem>>) target_semaphore(%run_scoped3A : memref<!tpu.dma_semaphore, #tpu.memory_space<semaphore_mem>>)
      %dma_wait3A_84 = tpu.memref_slice %arg3[%add3A_49] : memref<524288xi32, #tpu.memory_space<hbm>> -> memref<4096xi32, #tpu.memory_space<hbm>>
      %dma_wait3A_85 = tpu.memref_slice %arg3[%add3A_49] : memref<524288xi32, #tpu.memory_space<hbm>> -> memref<4096xi32, #tpu.memory_space<hbm>>
      tpu.wait_dma2 semaphore(%run_scoped3A : memref<!tpu.dma_semaphore, #tpu.memory_space<semaphore_mem>>) src(%dma_wait3A_85 : memref<4096xi32, #tpu.memory_space<hbm>>) dst(%arg5 : memref<4096xi32, #tpu.memory_space<vmem>>)
      tpu.yield
    }) : () -> ()
    %sub3A_50 = arith.constant 8192 : i32
    %sub3A_51 = arith.subi %add3A_49, %sub3A_50 : i32
    %dma_wait3A_52 = arith.constant 0 : i32
    %dma_wait3A_53 = tpu.memref_slice %arg4[%sub3A_51, %dma_wait3A_52] : memref<524288x8xf32, #tpu.memory_space<hbm>> -> memref<4096x8xf32, #tpu.memory_space<hbm>>
    %dma_wait3A_54 = arith.constant 0 : i32
    %dma_wait3A_55 = tpu.memref_slice %arg4[%sub3A_51, %dma_wait3A_54] : memref<524288x8xf32, #tpu.memory_space<hbm>> -> memref<4096x8xf32, #tpu.memory_space<hbm>>
    tpu.wait_dma2 semaphore(%arg9 : memref<!tpu.dma_semaphore, #tpu.memory_space<semaphore_mem>>) src(%arg7 : memref<4096x8xf32, #tpu.memory_space<vmem>>) dst(%dma_wait3A_55 : memref<4096x8xf32, #tpu.memory_space<hbm>>)
    %dma_start3A_56 = arith.constant 0 : i32
    %dma_start3A_57 = arith.constant 0 : i32
    %dma_start3A_58 = tpu.memref_slice %arg2[%dma_start3A_56, %dma_start3A_57] : memref<32768x8xf32, #tpu.memory_space<hbm>> -> memref<32768x8xf32, #tpu.memory_space<hbm>>
    tpu.enqueue_indirect_dma source(%dma_start3A_58 : memref<32768x8xf32, #tpu.memory_space<hbm>>) target(%arg7 : memref<4096x8xf32, #tpu.memory_space<vmem>>) offsets(%arg5 : memref<4096xi32, #tpu.memory_space<vmem>>) semaphore(%arg8 : memref<!tpu.dma_semaphore, #tpu.memory_space<semaphore_mem>>)
    %dma_wait3A_59 = arith.constant 0 : i32
    %dma_wait3A_60 = arith.constant 0 : i32
    %dma_wait3A_61 = tpu.memref_slice %arg2[%dma_wait3A_59, %dma_wait3A_60] : memref<32768x8xf32, #tpu.memory_space<hbm>> -> memref<32768x8xf32, #tpu.memory_space<hbm>>
    tpu.wait_indirect_dma semaphore(%arg8 : memref<!tpu.dma_semaphore, #tpu.memory_space<semaphore_mem>>) src(%dma_wait3A_61 : memref<32768x8xf32, #tpu.memory_space<hbm>>) dst(%arg7 : memref<4096x8xf32, #tpu.memory_space<vmem>>)
    %dma_start3A_62 = arith.constant 0 : i32
    %dma_start3A_63 = tpu.memref_slice %arg4[%add3A_49, %dma_start3A_62] : memref<524288x8xf32, #tpu.memory_space<hbm>> -> memref<4096x8xf32, #tpu.memory_space<hbm>>
    %dma_start3A_64 = arith.constant 0 : i32
    %dma_start3A_65 = tpu.memref_slice %arg4[%add3A_49, %dma_start3A_64] : memref<524288x8xf32, #tpu.memory_space<hbm>> -> memref<4096x8xf32, #tpu.memory_space<hbm>>
    tpu.enqueue_dma source(%arg7 : memref<4096x8xf32, #tpu.memory_space<vmem>>) target(%dma_start3A_65 : memref<4096x8xf32, #tpu.memory_space<hbm>>) target_semaphore(%arg9 : memref<!tpu.dma_semaphore, #tpu.memory_space<semaphore_mem>>)
    %mul3A_66 = arith.constant 16384 : i32
    %mul3A_67 = arith.muli %add3A, %mul3A_66 : i32
    %add3A_68 = arith.constant 8192 : i32
    %add3A_69 = arith.addi %mul3A_67, %add3A_68 : i32
    %dma_wait3A_70 = arith.constant 0 : i32
    %dma_wait3A_71 = tpu.memref_slice %arg4[%add3A_69, %dma_wait3A_70] : memref<524288x8xf32, #tpu.memory_space<hbm>> -> memref<4096x8xf32, #tpu.memory_space<hbm>>
    %dma_wait3A_72 = arith.constant 0 : i32
    %dma_wait3A_73 = tpu.memref_slice %arg4[%add3A_69, %dma_wait3A_72] : memref<524288x8xf32, #tpu.memory_space<hbm>> -> memref<4096x8xf32, #tpu.memory_space<hbm>>
    tpu.wait_dma2 semaphore(%arg9 : memref<!tpu.dma_semaphore, #tpu.memory_space<semaphore_mem>>) src(%arg6 : memref<4096x8xf32, #tpu.memory_space<vmem>>) dst(%dma_wait3A_73 : memref<4096x8xf32, #tpu.memory_space<hbm>>)
    %mul3A_74 = arith.constant 16384 : i32
    %mul3A_75 = arith.muli %add3A, %mul3A_74 : i32
    %add3A_76 = arith.constant 12288 : i32
    %add3A_77 = arith.addi %mul3A_75, %add3A_76 : i32
    %dma_wait3A_78 = arith.constant 0 : i32
    %dma_wait3A_79 = tpu.memref_slice %arg4[%add3A_77, %dma_wait3A_78] : memref<524288x8xf32, #tpu.memory_space<hbm>> -> memref<4096x8xf32, #tpu.memory_space<hbm>>
    %dma_wait3A_80 = arith.constant 0 : i32
    %dma_wait3A_81 = tpu.memref_slice %arg4[%add3A_77, %dma_wait3A_80] : memref<524288x8xf32, #tpu.memory_space<hbm>> -> memref<4096x8xf32, #tpu.memory_space<hbm>>
    tpu.wait_dma2 semaphore(%arg9 : memref<!tpu.dma_semaphore, #tpu.memory_space<semaphore_mem>>) src(%arg7 : memref<4096x8xf32, #tpu.memory_space<vmem>>) dst(%dma_wait3A_81 : memref<4096x8xf32, #tpu.memory_space<hbm>>)
    return
  }
}

module attributes {stable_mosaic.version = 14 : i64} {
  func.func @_layer_body(%arg0: i32, %arg1: memref<2048x128xf32, #tpu.memory_space<vmem>>, %arg2: memref<128x384xf32, #tpu.memory_space<vmem>>, %arg3: memref<1x384xf32, #tpu.memory_space<vmem>>, %arg4: memref<2048x128xf32, #tpu.memory_space<vmem>>) attributes {dimension_semantics = [#tpu.dimension_semantics<arbitrary>], iteration_bounds = array<i64: 16>, scalar_prefetch = 0 : i64, scratch_operands = 0 : i64, tpu.core_type = #tpu.core_type<tc>, window_params = [{transform_indices = @transform_0, window_bounds = array<i64: 2048, 128>}, {pipeline_mode = #tpu.pipeline_mode<synchronous>, transform_indices = @transform_1, window_bounds = array<i64: 128, 384>}, {pipeline_mode = #tpu.pipeline_mode<synchronous>, transform_indices = @transform_2, window_bounds = array<i64: 1, 384>}, {pipeline_mode = #tpu.pipeline_mode<synchronous>, transform_indices = @transform_3, window_bounds = array<i64: 2048, 128>}]} {
    %get3A = arith.constant 0 : index
    %get3A_0 = arith.constant 0 : index
    %get3A_1 = vector.load %arg1[%get3A, %get3A_0] : memref<2048x128xf32, #tpu.memory_space<vmem>>, vector<2048x128xf32>
    %convert_element_type3A = arith.truncf %get3A_1 : vector<2048x128xf32> to vector<2048x128xbf16>
    %convert_element_type3A_2 = arith.extf %convert_element_type3A : vector<2048x128xbf16> to vector<2048x128xf32>
    %sub3A = arith.subf %get3A_1, %convert_element_type3A_2 : vector<2048x128xf32>
    %convert_element_type3A_3 = arith.truncf %sub3A : vector<2048x128xf32> to vector<2048x128xbf16>
    %get3A_4 = arith.constant 0 : index
    %get3A_5 = arith.constant 0 : index
    %get3A_6 = vector.load %arg2[%get3A_4, %get3A_5] : memref<128x384xf32, #tpu.memory_space<vmem>>, vector<128x384xf32>
    %convert_element_type3A_7 = arith.truncf %get3A_6 : vector<128x384xf32> to vector<128x384xbf16>
    %convert_element_type3A_8 = arith.extf %convert_element_type3A_7 : vector<128x384xbf16> to vector<128x384xf32>
    %sub3A_9 = arith.subf %get3A_6, %convert_element_type3A_8 : vector<128x384xf32>
    %convert_element_type3A_10 = arith.truncf %sub3A_9 : vector<128x384xf32> to vector<128x384xbf16>
    %dot_general3A = arith.constant dense<0.000000e+00> : vector<2048x384xf32>
    %dot_general3A_11 = tpu.matmul %convert_element_type3A, %convert_element_type3A_7, %dot_general3A {dimension_numbers = #tpu.dot_dimension_numbers<[1], [0], [0], [1], [0, 0, 1, 1], [], []>, transpose_lhs_hint = false} : vector<2048x128xbf16>, vector<128x384xbf16>, vector<2048x384xf32> -> vector<2048x384xf32>
    %dot_general3A_12 = arith.constant dense<0.000000e+00> : vector<2048x384xf32>
    %dot_general3A_13 = tpu.matmul %convert_element_type3A, %convert_element_type3A_10, %dot_general3A_12 {dimension_numbers = #tpu.dot_dimension_numbers<[1], [0], [0], [1], [0, 0, 1, 1], [], []>, transpose_lhs_hint = false} : vector<2048x128xbf16>, vector<128x384xbf16>, vector<2048x384xf32> -> vector<2048x384xf32>
    %dot_general3A_14 = arith.constant dense<0.000000e+00> : vector<2048x384xf32>
    %dot_general3A_15 = tpu.matmul %convert_element_type3A_3, %convert_element_type3A_7, %dot_general3A_14 {dimension_numbers = #tpu.dot_dimension_numbers<[1], [0], [0], [1], [0, 0, 1, 1], [], []>, transpose_lhs_hint = false} : vector<2048x128xbf16>, vector<128x384xbf16>, vector<2048x384xf32> -> vector<2048x384xf32>
    %add3A = arith.addf %dot_general3A_13, %dot_general3A_15 : vector<2048x384xf32>
    %add3A_16 = arith.addf %dot_general3A_11, %add3A : vector<2048x384xf32>
    %get3A_17 = arith.constant 0 : index
    %get3A_18 = arith.constant 0 : index
    %get3A_19 = vector.load %arg3[%get3A_17, %get3A_18] : memref<1x384xf32, #tpu.memory_space<vmem>>, vector<1x384xf32>
    %add3A_20 = vector.broadcast %get3A_19 : vector<1x384xf32> to vector<2048x384xf32>
    %add3A_21 = arith.addf %add3A_16, %add3A_20 : vector<2048x384xf32>
    %max3A = arith.constant 0.000000e+00 : f32
    %max3A_22 = vector.broadcast %max3A : f32 to vector<2048x384xf32>
    %max3A_23 = arith.maximumf %add3A_21, %max3A_22 : vector<2048x384xf32>
    %abs3A = math.absf %add3A_21 : vector<2048x384xf32>
    %neg3A = arith.constant 0.000000e+00 : f32
    %neg3A_24 = vector.broadcast %neg3A : f32 to vector<2048x384xf32>
    %neg3A_25 = arith.subf %neg3A_24, %abs3A : vector<2048x384xf32>
    %exp3A = math.exp %neg3A_25 : vector<2048x384xf32>
    %add3A_26 = arith.constant 1.000000e+00 : f32
    %add3A_27 = vector.broadcast %add3A_26 : f32 to vector<2048x384xf32>
    %add3A_28 = arith.addf %add3A_27, %exp3A : vector<2048x384xf32>
    %log3A = math.log %add3A_28 : vector<2048x384xf32>
    %add3A_29 = arith.addf %max3A_23, %log3A : vector<2048x384xf32>
    %iota3A = tpu.iota {dimensions = array<i32: 0>} : vector<384x1xi32>
    %jit3A = arith.constant 8 : i32
    %eq3A = arith.constant 0 : i32
    %eq3A_30 = arith.cmpi eq, %jit3A, %eq3A : i32
    %jit3A_31 = arith.constant 1 : i32
    %select_n3A = arith.select %eq3A_30, %jit3A_31, %jit3A : i32
    %rem3A = vector.broadcast %select_n3A : i32 to vector<384x1xi32>
    %rem3A_32 = arith.remsi %iota3A, %rem3A : vector<384x1xi32>
    %ne3A = arith.constant 0 : i32
    %ne3A_33 = vector.broadcast %ne3A : i32 to vector<384x1xi32>
    %ne3A_34 = arith.cmpi ne, %rem3A_32, %ne3A_33 : vector<384x1xi32>
    %lt3A = arith.constant 0 : i32
    %lt3A_35 = vector.broadcast %lt3A : i32 to vector<384x1xi32>
    %lt3A_36 = arith.cmpi slt, %rem3A_32, %lt3A_35 : vector<384x1xi32>
    %lt3A_37 = arith.constant 0 : i32
    %lt3A_38 = arith.cmpi slt, %select_n3A, %lt3A_37 : i32
    %ne3A_39 = vector.broadcast %lt3A_38 : i1 to vector<384x1xi1>
    %ne3A_40 = vector.broadcast %ne3A_39 : vector<384x1xi1> to vector<384x1xi1>
    %ne3A_41 = arith.xori %lt3A_36, %ne3A_40 : vector<384x1xi1>
    %and3A = arith.andi %ne3A_41, %ne3A_34 : vector<384x1xi1>
    %add3A_42 = vector.broadcast %select_n3A : i32 to vector<384x1xi32>
    %add3A_43 = arith.addi %rem3A_32, %add3A_42 : vector<384x1xi32>
    %select_n3A_44 = arith.select %and3A, %add3A_43, %rem3A_32 : vector<384x1xi1>, vector<384x1xi32>
    %iota3A_45 = tpu.iota {dimensions = array<i32: 1>} : vector<1x128xi32>
    %mul3A = arith.constant 8 : i32
    %mul3A_46 = arith.muli %arg0, %mul3A : i32
    %add3A_47 = vector.broadcast %mul3A_46 : i32 to vector<384x1xi32>
    %add3A_48 = arith.addi %add3A_47, %select_n3A_44 : vector<384x1xi32>
    %eq3A_49 = vector.broadcast %iota3A_45 : vector<1x128xi32> to vector<384x128xi32>
    %eq3A_50 = vector.broadcast %add3A_48 : vector<384x1xi32> to vector<384x128xi32>
    %eq3A_51 = arith.cmpi eq, %eq3A_49, %eq3A_50 : vector<384x128xi32>
    %jit3A_52 = arith.constant 1.000000e+00 : f32
    %jit3A_53 = arith.constant 0.000000e+00 : f32
    %broadcast_in_dim3A = vector.broadcast %jit3A_52 : f32 to vector<384x128xf32>
    %broadcast_in_dim3A_54 = vector.broadcast %jit3A_53 : f32 to vector<384x128xf32>
    %select_n3A_55 = arith.select %eq3A_51, %broadcast_in_dim3A, %broadcast_in_dim3A_54 : vector<384x128xi1>, vector<384x128xf32>
    %convert_element_type3A_56 = arith.truncf %select_n3A_55 : vector<384x128xf32> to vector<384x128xbf16>
    %convert_element_type3A_57 = arith.truncf %add3A_29 : vector<2048x384xf32> to vector<2048x384xbf16>
    %dot_general3A_58 = arith.constant dense<0.000000e+00> : vector<2048x128xf32>
    %dot_general3A_59 = tpu.matmul %convert_element_type3A_57, %convert_element_type3A_56, %dot_general3A_58 {dimension_numbers = #tpu.dot_dimension_numbers<[1], [0], [0], [1], [0, 0, 1, 1], [], []>, transpose_lhs_hint = false} : vector<2048x384xbf16>, vector<384x128xbf16>, vector<2048x128xf32> -> vector<2048x128xf32>
    %mul3A_60 = arith.constant 0.020833334 : f32
    %mul3A_61 = vector.broadcast %mul3A_60 : f32 to vector<2048x128xf32>
    %mul3A_62 = arith.mulf %dot_general3A_59, %mul3A_61 : vector<2048x128xf32>
    %eq3A_63 = arith.constant 0 : i32
    %eq3A_64 = arith.cmpi eq, %arg0, %eq3A_63 : i32
    %convert_element_type3A_65 = arith.extui %eq3A_64 : i1 to i32
    %cond3A = arith.constant 0 : i32
    %cond3A_66 = arith.cmpi ne, %convert_element_type3A_65, %cond3A : i32
    scf.if %cond3A_66 {
      %broadcast_in_dim3A_73 = arith.constant 0.000000e+00 : f32
      %broadcast_in_dim3A_74 = vector.broadcast %broadcast_in_dim3A_73 : f32 to vector<2048x128xf32>
      %swap3A_75 = arith.constant 0 : index
      %swap3A_76 = arith.constant 0 : index
      %swap3A_77 = vector.load %arg4[%swap3A_75, %swap3A_76] : memref<2048x128xf32, #tpu.memory_space<vmem>>, vector<2048x128xf32>
      tpu.vector_store %arg4[%swap3A_75, %swap3A_76], %broadcast_in_dim3A_74 {strides = array<i32>} : memref<2048x128xf32, #tpu.memory_space<vmem>>, vector<2048x128xf32>,
    } else {
    }
    %get3A_67 = arith.constant 0 : index
    %get3A_68 = arith.constant 0 : index
    %get3A_69 = vector.load %arg4[%get3A_67, %get3A_68] : memref<2048x128xf32, #tpu.memory_space<vmem>>, vector<2048x128xf32>
    %add3A_70 = arith.addf %get3A_69, %mul3A_62 : vector<2048x128xf32>
    %swap3A = arith.constant 0 : index
    %swap3A_71 = arith.constant 0 : index
    %swap3A_72 = vector.load %arg4[%swap3A, %swap3A_71] : memref<2048x128xf32, #tpu.memory_space<vmem>>, vector<2048x128xf32>
    tpu.vector_store %arg4[%swap3A, %swap3A_71], %add3A_70 {strides = array<i32>} : memref<2048x128xf32, #tpu.memory_space<vmem>>, vector<2048x128xf32>,
    return
  }
  func.func @transform_0(%arg0: i32) -> (i32, i32) {
    %c0_i32 = arith.constant 0 : i32
    %c0_i32_0 = arith.constant 0 : i32
    return %arg0, %c0_i32 : i32, i32
  }
  func.func @transform_1(%arg0: i32) -> (i32, i32) {
    %c0_i32 = arith.constant 0 : i32
    %c0_i32_0 = arith.constant 0 : i32
    %c0_i32_1 = arith.constant 0 : i32
    return %c0_i32, %c0_i32_0 : i32, i32
  }
  func.func @transform_2(%arg0: i32) -> (i32, i32) {
    %c0_i32 = arith.constant 0 : i32
    %c0_i32_0 = arith.constant 0 : i32
    %c0_i32_1 = arith.constant 0 : i32
    return %c0_i32, %c0_i32_0 : i32, i32
  }
  func.func @transform_3(%arg0: i32) -> (i32, i32) {
    %c0_i32 = arith.constant 0 : i32
    %c0_i32_0 = arith.constant 0 : i32
    %c0_i32_1 = arith.constant 0 : i32
    return %c0_i32, %c0_i32_0 : i32, i32
  }
}

module attributes {stable_mosaic.version = 14 : i64} {
  func.func @_layer_body(%arg0: i32, %arg1: memref<2048x128xf32, #tpu.memory_space<vmem>>, %arg2: memref<128x48xf32, #tpu.memory_space<vmem>>, %arg3: memref<1x48xf32, #tpu.memory_space<vmem>>, %arg4: memref<2048x128xf32, #tpu.memory_space<vmem>>) attributes {dimension_semantics = [#tpu.dimension_semantics<arbitrary>], iteration_bounds = array<i64: 16>, scalar_prefetch = 0 : i64, scratch_operands = 0 : i64, tpu.core_type = #tpu.core_type<tc>, window_params = [{transform_indices = @transform_0, window_bounds = array<i64: 2048, 128>}, {pipeline_mode = #tpu.pipeline_mode<synchronous>, transform_indices = @transform_1, window_bounds = array<i64: 128, 48>}, {pipeline_mode = #tpu.pipeline_mode<synchronous>, transform_indices = @transform_2, window_bounds = array<i64: 1, 48>}, {pipeline_mode = #tpu.pipeline_mode<synchronous>, transform_indices = @transform_3, window_bounds = array<i64: 2048, 128>}]} {
    %get3A = arith.constant 0 : index
    %get3A_0 = arith.constant 0 : index
    %get3A_1 = vector.load %arg1[%get3A, %get3A_0] : memref<2048x128xf32, #tpu.memory_space<vmem>>, vector<2048x128xf32>
    %convert_element_type3A = arith.truncf %get3A_1 : vector<2048x128xf32> to vector<2048x128xbf16>
    %convert_element_type3A_2 = arith.extf %convert_element_type3A : vector<2048x128xbf16> to vector<2048x128xf32>
    %sub3A = arith.subf %get3A_1, %convert_element_type3A_2 : vector<2048x128xf32>
    %convert_element_type3A_3 = arith.truncf %sub3A : vector<2048x128xf32> to vector<2048x128xbf16>
    %get3A_4 = arith.constant 0 : index
    %get3A_5 = arith.constant 0 : index
    %get3A_6 = vector.load %arg2[%get3A_4, %get3A_5] : memref<128x48xf32, #tpu.memory_space<vmem>>, vector<128x48xf32>
    %convert_element_type3A_7 = arith.truncf %get3A_6 : vector<128x48xf32> to vector<128x48xbf16>
    %convert_element_type3A_8 = arith.extf %convert_element_type3A_7 : vector<128x48xbf16> to vector<128x48xf32>
    %sub3A_9 = arith.subf %get3A_6, %convert_element_type3A_8 : vector<128x48xf32>
    %convert_element_type3A_10 = arith.truncf %sub3A_9 : vector<128x48xf32> to vector<128x48xbf16>
    %dot_general3A = arith.constant dense<0.000000e+00> : vector<2048x48xf32>
    %dot_general3A_11 = tpu.matmul %convert_element_type3A, %convert_element_type3A_7, %dot_general3A {dimension_numbers = #tpu.dot_dimension_numbers<[1], [0], [0], [1], [0, 0, 1, 1], [], []>, transpose_lhs_hint = false} : vector<2048x128xbf16>, vector<128x48xbf16>, vector<2048x48xf32> -> vector<2048x48xf32>
    %dot_general3A_12 = arith.constant dense<0.000000e+00> : vector<2048x48xf32>
    %dot_general3A_13 = tpu.matmul %convert_element_type3A, %convert_element_type3A_10, %dot_general3A_12 {dimension_numbers = #tpu.dot_dimension_numbers<[1], [0], [0], [1], [0, 0, 1, 1], [], []>, transpose_lhs_hint = false} : vector<2048x128xbf16>, vector<128x48xbf16>, vector<2048x48xf32> -> vector<2048x48xf32>
    %dot_general3A_14 = arith.constant dense<0.000000e+00> : vector<2048x48xf32>
    %dot_general3A_15 = tpu.matmul %convert_element_type3A_3, %convert_element_type3A_7, %dot_general3A_14 {dimension_numbers = #tpu.dot_dimension_numbers<[1], [0], [0], [1], [0, 0, 1, 1], [], []>, transpose_lhs_hint = false} : vector<2048x128xbf16>, vector<128x48xbf16>, vector<2048x48xf32> -> vector<2048x48xf32>
    %add3A = arith.addf %dot_general3A_13, %dot_general3A_15 : vector<2048x48xf32>
    %add3A_16 = arith.addf %dot_general3A_11, %add3A : vector<2048x48xf32>
    %get3A_17 = arith.constant 0 : index
    %get3A_18 = arith.constant 0 : index
    %get3A_19 = vector.load %arg3[%get3A_17, %get3A_18] : memref<1x48xf32, #tpu.memory_space<vmem>>, vector<1x48xf32>
    %add3A_20 = vector.broadcast %get3A_19 : vector<1x48xf32> to vector<2048x48xf32>
    %add3A_21 = arith.addf %add3A_16, %add3A_20 : vector<2048x48xf32>
    %max3A = arith.constant 0.000000e+00 : f32
    %max3A_22 = vector.broadcast %max3A : f32 to vector<2048x48xf32>
    %max3A_23 = arith.maximumf %add3A_21, %max3A_22 : vector<2048x48xf32>
    %abs3A = math.absf %add3A_21 : vector<2048x48xf32>
    %neg3A = arith.constant 0.000000e+00 : f32
    %neg3A_24 = vector.broadcast %neg3A : f32 to vector<2048x48xf32>
    %neg3A_25 = arith.subf %neg3A_24, %abs3A : vector<2048x48xf32>
    %exp3A = math.exp %neg3A_25 : vector<2048x48xf32>
    %add3A_26 = arith.constant 1.000000e+00 : f32
    %add3A_27 = vector.broadcast %add3A_26 : f32 to vector<2048x48xf32>
    %add3A_28 = arith.addf %add3A_27, %exp3A : vector<2048x48xf32>
    %log3A = math.log %add3A_28 : vector<2048x48xf32>
    %add3A_29 = arith.addf %max3A_23, %log3A : vector<2048x48xf32>
    %iota3A = tpu.iota {dimensions = array<i32: 0>} : vector<48x1xi32>
    %jit3A = arith.constant 1 : i32
    %eq3A = arith.constant 0 : i32
    %eq3A_30 = arith.cmpi eq, %jit3A, %eq3A : i32
    %jit3A_31 = arith.constant 1 : i32
    %select_n3A = arith.select %eq3A_30, %jit3A_31, %jit3A : i32
    %rem3A = vector.broadcast %select_n3A : i32 to vector<48x1xi32>
    %rem3A_32 = arith.remsi %iota3A, %rem3A : vector<48x1xi32>
    %ne3A = arith.constant 0 : i32
    %ne3A_33 = vector.broadcast %ne3A : i32 to vector<48x1xi32>
    %ne3A_34 = arith.cmpi ne, %rem3A_32, %ne3A_33 : vector<48x1xi32>
    %lt3A = arith.constant 0 : i32
    %lt3A_35 = vector.broadcast %lt3A : i32 to vector<48x1xi32>
    %lt3A_36 = arith.cmpi slt, %rem3A_32, %lt3A_35 : vector<48x1xi32>
    %lt3A_37 = arith.constant 0 : i32
    %lt3A_38 = arith.cmpi slt, %select_n3A, %lt3A_37 : i32
    %ne3A_39 = vector.broadcast %lt3A_38 : i1 to vector<48x1xi1>
    %ne3A_40 = vector.broadcast %ne3A_39 : vector<48x1xi1> to vector<48x1xi1>
    %ne3A_41 = arith.xori %lt3A_36, %ne3A_40 : vector<48x1xi1>
    %and3A = arith.andi %ne3A_41, %ne3A_34 : vector<48x1xi1>
    %add3A_42 = vector.broadcast %select_n3A : i32 to vector<48x1xi32>
    %add3A_43 = arith.addi %rem3A_32, %add3A_42 : vector<48x1xi32>
    %select_n3A_44 = arith.select %and3A, %add3A_43, %rem3A_32 : vector<48x1xi1>, vector<48x1xi32>
    %iota3A_45 = tpu.iota {dimensions = array<i32: 1>} : vector<1x128xi32>
    %mul3A = arith.constant 8 : i32
    %mul3A_46 = arith.muli %arg0, %mul3A : i32
    %add3A_47 = vector.broadcast %mul3A_46 : i32 to vector<48x1xi32>
    %add3A_48 = arith.addi %add3A_47, %select_n3A_44 : vector<48x1xi32>
    %eq3A_49 = vector.broadcast %iota3A_45 : vector<1x128xi32> to vector<48x128xi32>
    %eq3A_50 = vector.broadcast %add3A_48 : vector<48x1xi32> to vector<48x128xi32>
    %eq3A_51 = arith.cmpi eq, %eq3A_49, %eq3A_50 : vector<48x128xi32>
    %jit3A_52 = arith.constant 1.000000e+00 : f32
    %jit3A_53 = arith.constant 0.000000e+00 : f32
    %broadcast_in_dim3A = vector.broadcast %jit3A_52 : f32 to vector<48x128xf32>
    %broadcast_in_dim3A_54 = vector.broadcast %jit3A_53 : f32 to vector<48x128xf32>
    %select_n3A_55 = arith.select %eq3A_51, %broadcast_in_dim3A, %broadcast_in_dim3A_54 : vector<48x128xi1>, vector<48x128xf32>
    %convert_element_type3A_56 = arith.truncf %select_n3A_55 : vector<48x128xf32> to vector<48x128xbf16>
    %convert_element_type3A_57 = arith.truncf %add3A_29 : vector<2048x48xf32> to vector<2048x48xbf16>
    %dot_general3A_58 = arith.constant dense<0.000000e+00> : vector<2048x128xf32>
    %dot_general3A_59 = tpu.matmul %convert_element_type3A_57, %convert_element_type3A_56, %dot_general3A_58 {dimension_numbers = #tpu.dot_dimension_numbers<[1], [0], [0], [1], [0, 0, 1, 1], [], []>, transpose_lhs_hint = false} : vector<2048x48xbf16>, vector<48x128xbf16>, vector<2048x128xf32> -> vector<2048x128xf32>
    %mul3A_60 = arith.constant 0.020833334 : f32
    %mul3A_61 = vector.broadcast %mul3A_60 : f32 to vector<2048x128xf32>
    %mul3A_62 = arith.mulf %dot_general3A_59, %mul3A_61 : vector<2048x128xf32>
    %eq3A_63 = arith.constant 0 : i32
    %eq3A_64 = arith.cmpi eq, %arg0, %eq3A_63 : i32
    %convert_element_type3A_65 = arith.extui %eq3A_64 : i1 to i32
    %cond3A = arith.constant 0 : i32
    %cond3A_66 = arith.cmpi ne, %convert_element_type3A_65, %cond3A : i32
    scf.if %cond3A_66 {
      %broadcast_in_dim3A_73 = arith.constant 0.000000e+00 : f32
      %broadcast_in_dim3A_74 = vector.broadcast %broadcast_in_dim3A_73 : f32 to vector<2048x128xf32>
      %swap3A_75 = arith.constant 0 : index
      %swap3A_76 = arith.constant 0 : index
      %swap3A_77 = vector.load %arg4[%swap3A_75, %swap3A_76] : memref<2048x128xf32, #tpu.memory_space<vmem>>, vector<2048x128xf32>
      tpu.vector_store %arg4[%swap3A_75, %swap3A_76], %broadcast_in_dim3A_74 {strides = array<i32>} : memref<2048x128xf32, #tpu.memory_space<vmem>>, vector<2048x128xf32>,
    } else {
    }
    %get3A_67 = arith.constant 0 : index
    %get3A_68 = arith.constant 0 : index
    %get3A_69 = vector.load %arg4[%get3A_67, %get3A_68] : memref<2048x128xf32, #tpu.memory_space<vmem>>, vector<2048x128xf32>
    %add3A_70 = arith.addf %get3A_69, %mul3A_62 : vector<2048x128xf32>
    %swap3A = arith.constant 0 : index
    %swap3A_71 = arith.constant 0 : index
    %swap3A_72 = vector.load %arg4[%swap3A, %swap3A_71] : memref<2048x128xf32, #tpu.memory_space<vmem>>, vector<2048x128xf32>
    tpu.vector_store %arg4[%swap3A, %swap3A_71], %add3A_70 {strides = array<i32>} : memref<2048x128xf32, #tpu.memory_space<vmem>>, vector<2048x128xf32>,
    return
  }
  func.func @transform_0(%arg0: i32) -> (i32, i32) {
    %c0_i32 = arith.constant 0 : i32
    %c0_i32_0 = arith.constant 0 : i32
    return %arg0, %c0_i32 : i32, i32
  }
  func.func @transform_1(%arg0: i32) -> (i32, i32) {
    %c0_i32 = arith.constant 0 : i32
    %c0_i32_0 = arith.constant 0 : i32
    %c0_i32_1 = arith.constant 0 : i32
    return %c0_i32, %c0_i32_0 : i32, i32
  }
  func.func @transform_2(%arg0: i32) -> (i32, i32) {
    %c0_i32 = arith.constant 0 : i32
    %c0_i32_0 = arith.constant 0 : i32
    %c0_i32_1 = arith.constant 0 : i32
    return %c0_i32, %c0_i32_0 : i32, i32
  }
  func.func @transform_3(%arg0: i32) -> (i32, i32) {
    %c0_i32 = arith.constant 0 : i32
    %c0_i32_0 = arith.constant 0 : i32
    %c0_i32_1 = arith.constant 0 : i32
    return %c0_i32, %c0_i32_0 : i32, i32
  }
}

module attributes {stable_mosaic.version = 14 : i64} {
  func.func @_final_body(%arg0: i32, %arg1: memref<2048x128xf32, #tpu.memory_space<vmem>>, %arg2: memref<2048x1xi32, #tpu.memory_space<vmem>>, %arg3: memref<128x288xf32, #tpu.memory_space<vmem>>, %arg4: memref<288x3xf32, #tpu.memory_space<vmem>>, %arg5: memref<4x3xf32, #tpu.memory_space<vmem>>) attributes {dimension_semantics = [#tpu.dimension_semantics<arbitrary>], iteration_bounds = array<i64: 16>, scalar_prefetch = 0 : i64, scratch_operands = 0 : i64, tpu.core_type = #tpu.core_type<tc>, window_params = [{transform_indices = @transform_0, window_bounds = array<i64: 2048, 128>}, {transform_indices = @transform_1, window_bounds = array<i64: 2048, 1>}, {pipeline_mode = #tpu.pipeline_mode<synchronous>, transform_indices = @transform_2, window_bounds = array<i64: 128, 288>}, {pipeline_mode = #tpu.pipeline_mode<synchronous>, transform_indices = @transform_3, window_bounds = array<i64: 288, 3>}, {pipeline_mode = #tpu.pipeline_mode<synchronous>, transform_indices = @transform_4, window_bounds = array<i64: 4, 3>}]} {
    %get3A = arith.constant 0 : index
    %get3A_0 = arith.constant 0 : index
    %get3A_1 = vector.load %arg2[%get3A, %get3A_0] : memref<2048x1xi32, #tpu.memory_space<vmem>>, vector<2048x1xi32>
    %iota3A = tpu.iota {dimensions = array<i32: 1>} : vector<1x288xi32>
    %jit3A = arith.constant 48 : i32
    %div3A = vector.broadcast %jit3A : i32 to vector<1x288xi32>
    %div3A_2 = arith.divsi %iota3A, %div3A : vector<1x288xi32>
    %sign3A = arith.constant 0 : i32
    %sign3A_3 = vector.broadcast %sign3A : i32 to vector<1x288xi32>
    %sign3A_4 = arith.cmpi sgt, %iota3A, %sign3A_3 : vector<1x288xi32>
    %sign3A_5 = arith.extui %sign3A_4 : vector<1x288xi1> to vector<1x288xi32>
    %sign3A_6 = arith.constant 0 : i32
    %sign3A_7 = vector.broadcast %sign3A_6 : i32 to vector<1x288xi32>
    %sign3A_8 = arith.cmpi slt, %iota3A, %sign3A_7 : vector<1x288xi32>
    %sign3A_9 = arith.extui %sign3A_8 : vector<1x288xi1> to vector<1x288xi32>
    %sign3A_10 = arith.subi %sign3A_5, %sign3A_9 : vector<1x288xi32>
    %sign3A_11 = arith.constant 0 : i32
    %sign3A_12 = arith.cmpi sgt, %jit3A, %sign3A_11 : i32
    %sign3A_13 = arith.extui %sign3A_12 : i1 to i32
    %sign3A_14 = arith.constant 0 : i32
    %sign3A_15 = arith.cmpi slt, %jit3A, %sign3A_14 : i32
    %sign3A_16 = arith.extui %sign3A_15 : i1 to i32
    %sign3A_17 = arith.subi %sign3A_13, %sign3A_16 : i32
    %ne3A = vector.broadcast %sign3A_17 : i32 to vector<1x288xi32>
    %ne3A_18 = arith.cmpi ne, %sign3A_10, %ne3A : vector<1x288xi32>
    %rem3A = vector.broadcast %jit3A : i32 to vector<1x288xi32>
    %rem3A_19 = arith.remsi %iota3A, %rem3A : vector<1x288xi32>
    %ne3A_20 = arith.constant 0 : i32
    %ne3A_21 = vector.broadcast %ne3A_20 : i32 to vector<1x288xi32>
    %ne3A_22 = arith.cmpi ne, %rem3A_19, %ne3A_21 : vector<1x288xi32>
    %and3A = arith.andi %ne3A_18, %ne3A_22 : vector<1x288xi1>
    %sub3A = arith.constant 1 : i32
    %sub3A_23 = vector.broadcast %sub3A : i32 to vector<1x288xi32>
    %sub3A_24 = arith.subi %div3A_2, %sub3A_23 : vector<1x288xi32>
    %select_n3A = arith.select %and3A, %sub3A_24, %div3A_2 : vector<1x288xi1>, vector<1x288xi32>
    %eq3A = vector.broadcast %get3A_1 : vector<2048x1xi32> to vector<2048x288xi32>
    %eq3A_25 = vector.broadcast %select_n3A : vector<1x288xi32> to vector<2048x288xi32>
    %eq3A_26 = arith.cmpi eq, %eq3A, %eq3A_25 : vector<2048x288xi32>
    %convert_element_type3A = arith.extui %eq3A_26 : vector<2048x288xi1> to vector<2048x288xi32>
    %convert_element_type3A_27 = arith.sitofp %convert_element_type3A : vector<2048x288xi32> to vector<2048x288xf32>
    %get3A_28 = arith.constant 0 : index
    %get3A_29 = arith.constant 0 : index
    %get3A_30 = vector.load %arg1[%get3A_28, %get3A_29] : memref<2048x128xf32, #tpu.memory_space<vmem>>, vector<2048x128xf32>
    %convert_element_type3A_31 = arith.truncf %get3A_30 : vector<2048x128xf32> to vector<2048x128xbf16>
    %convert_element_type3A_32 = arith.extf %convert_element_type3A_31 : vector<2048x128xbf16> to vector<2048x128xf32>
    %sub3A_33 = arith.subf %get3A_30, %convert_element_type3A_32 : vector<2048x128xf32>
    %convert_element_type3A_34 = arith.truncf %sub3A_33 : vector<2048x128xf32> to vector<2048x128xbf16>
    %get3A_35 = arith.constant 0 : index
    %get3A_36 = arith.constant 0 : index
    %get3A_37 = vector.load %arg3[%get3A_35, %get3A_36] : memref<128x288xf32, #tpu.memory_space<vmem>>, vector<128x288xf32>
    %convert_element_type3A_38 = arith.truncf %get3A_37 : vector<128x288xf32> to vector<128x288xbf16>
    %convert_element_type3A_39 = arith.extf %convert_element_type3A_38 : vector<128x288xbf16> to vector<128x288xf32>
    %sub3A_40 = arith.subf %get3A_37, %convert_element_type3A_39 : vector<128x288xf32>
    %convert_element_type3A_41 = arith.truncf %sub3A_40 : vector<128x288xf32> to vector<128x288xbf16>
    %dot_general3A = arith.constant dense<0.000000e+00> : vector<2048x288xf32>
    %dot_general3A_42 = tpu.matmul %convert_element_type3A_31, %convert_element_type3A_38, %dot_general3A {dimension_numbers = #tpu.dot_dimension_numbers<[1], [0], [0], [1], [0, 0, 1, 1], [], []>, transpose_lhs_hint = false} : vector<2048x128xbf16>, vector<128x288xbf16>, vector<2048x288xf32> -> vector<2048x288xf32>
    %dot_general3A_43 = arith.constant dense<0.000000e+00> : vector<2048x288xf32>
    %dot_general3A_44 = tpu.matmul %convert_element_type3A_31, %convert_element_type3A_41, %dot_general3A_43 {dimension_numbers = #tpu.dot_dimension_numbers<[1], [0], [0], [1], [0, 0, 1, 1], [], []>, transpose_lhs_hint = false} : vector<2048x128xbf16>, vector<128x288xbf16>, vector<2048x288xf32> -> vector<2048x288xf32>
    %dot_general3A_45 = arith.constant dense<0.000000e+00> : vector<2048x288xf32>
    %dot_general3A_46 = tpu.matmul %convert_element_type3A_34, %convert_element_type3A_38, %dot_general3A_45 {dimension_numbers = #tpu.dot_dimension_numbers<[1], [0], [0], [1], [0, 0, 1, 1], [], []>, transpose_lhs_hint = false} : vector<2048x128xbf16>, vector<128x288xbf16>, vector<2048x288xf32> -> vector<2048x288xf32>
    %add3A = arith.addf %dot_general3A_44, %dot_general3A_46 : vector<2048x288xf32>
    %add3A_47 = arith.addf %dot_general3A_42, %add3A : vector<2048x288xf32>
    %mul3A = arith.mulf %convert_element_type3A_27, %add3A_47 : vector<2048x288xf32>
    %reduce_sum3A = arith.constant dense<0.000000e+00> : vector<288xf32>
    %reduce_sum3A_48 = vector.multi_reduction <add>, %mul3A, %reduce_sum3A [0] : vector<2048x288xf32> to vector<288xf32>
    %broadcast_in_dim3A = vector.shape_cast %reduce_sum3A_48 : vector<288xf32> to vector<1x288xf32>
    %get3A_49 = arith.constant 0 : index
    %get3A_50 = arith.constant 0 : index
    %get3A_51 = vector.load %arg4[%get3A_49, %get3A_50] : memref<288x3xf32, #tpu.memory_space<vmem>>, vector<288x3xf32>
    %dot_general3A_52 = arith.constant dense<0.000000e+00> : vector<1x3xf32>
    %dot_general3A_53 = tpu.matmul %broadcast_in_dim3A, %get3A_51, %dot_general3A_52 {dimension_numbers = #tpu.dot_dimension_numbers<[1], [0], [0], [1], [0, 0, 1, 1], [], []>, precision = #tpu.contract_precision<fp32>, transpose_lhs_hint = false} : vector<1x288xf32>, vector<288x3xf32>, vector<1x3xf32> -> vector<1x3xf32>
    %eq3A_54 = arith.constant 0 : i32
    %eq3A_55 = arith.cmpi eq, %arg0, %eq3A_54 : i32
    %convert_element_type3A_56 = arith.extui %eq3A_55 : i1 to i32
    %cond3A = arith.constant 0 : i32
    %cond3A_57 = arith.cmpi ne, %convert_element_type3A_56, %cond3A : i32
    scf.if %cond3A_57 {
      %broadcast_in_dim3A_88 = arith.constant 0.000000e+00 : f32
      %broadcast_in_dim3A_89 = vector.broadcast %broadcast_in_dim3A_88 : f32 to vector<4x3xf32>
      %swap3A_90 = arith.constant 0 : index
      %swap3A_91 = arith.constant 0 : index
      %swap3A_92 = vector.load %arg5[%swap3A_90, %swap3A_91] : memref<4x3xf32, #tpu.memory_space<vmem>>, vector<4x3xf32>
      tpu.vector_store %arg5[%swap3A_90, %swap3A_91], %broadcast_in_dim3A_89 {strides = array<i32>} : memref<4x3xf32, #tpu.memory_space<vmem>>, vector<4x3xf32>,
    } else {
    }
    %jit3A_58 = arith.constant 4 : i32
    %div3A_59 = arith.divsi %arg0, %jit3A_58 : i32
    %sign3A_60 = arith.constant 0 : i32
    %sign3A_61 = arith.cmpi sgt, %arg0, %sign3A_60 : i32
    %sign3A_62 = arith.extui %sign3A_61 : i1 to i32
    %sign3A_63 = arith.constant 0 : i32
    %sign3A_64 = arith.cmpi slt, %arg0, %sign3A_63 : i32
    %sign3A_65 = arith.extui %sign3A_64 : i1 to i32
    %sign3A_66 = arith.subi %sign3A_62, %sign3A_65 : i32
    %sign3A_67 = arith.constant 0 : i32
    %sign3A_68 = arith.cmpi sgt, %jit3A_58, %sign3A_67 : i32
    %sign3A_69 = arith.extui %sign3A_68 : i1 to i32
    %sign3A_70 = arith.constant 0 : i32
    %sign3A_71 = arith.cmpi slt, %jit3A_58, %sign3A_70 : i32
    %sign3A_72 = arith.extui %sign3A_71 : i1 to i32
    %sign3A_73 = arith.subi %sign3A_69, %sign3A_72 : i32
    %ne3A_74 = arith.cmpi ne, %sign3A_66, %sign3A_73 : i32
    %rem3A_75 = arith.remsi %arg0, %jit3A_58 : i32
    %ne3A_76 = arith.constant 0 : i32
    %ne3A_77 = arith.cmpi ne, %rem3A_75, %ne3A_76 : i32
    %and3A_78 = arith.andi %ne3A_74, %ne3A_77 : i1
    %sub3A_79 = arith.constant 1 : i32
    %sub3A_80 = arith.subi %div3A_59, %sub3A_79 : i32
    %select_n3A_81 = arith.select %and3A_78, %sub3A_80, %div3A_59 : i32
    %get3A_82 = arith.index_cast %select_n3A_81 : i32 to index
    %get3A_83 = arith.constant 0 : index
    %get3A_84 = vector.load %arg5[%get3A_82, %get3A_83] : memref<4x3xf32, #tpu.memory_space<vmem>>, vector<1x3xf32>
    %add3A_85 = arith.addf %get3A_84, %dot_general3A_53 : vector<1x3xf32>
    %swap3A = arith.index_cast %select_n3A_81 : i32 to index
    %swap3A_86 = arith.constant 0 : index
    %swap3A_87 = vector.load %arg5[%swap3A, %swap3A_86] : memref<4x3xf32, #tpu.memory_space<vmem>>, vector<1x3xf32>
    tpu.vector_store %arg5[%swap3A, %swap3A_86], %add3A_85 {strides = array<i32>} : memref<4x3xf32, #tpu.memory_space<vmem>>, vector<1x3xf32>,
    return
  }
  func.func @transform_0(%arg0: i32) -> (i32, i32) {
    %c0_i32 = arith.constant 0 : i32
    %c0_i32_0 = arith.constant 0 : i32
    return %arg0, %c0_i32 : i32, i32
  }
  func.func @transform_1(%arg0: i32) -> (i32, i32) {
    %c0_i32 = arith.constant 0 : i32
    %c0_i32_0 = arith.constant 0 : i32
    return %arg0, %c0_i32 : i32, i32
  }
  func.func @transform_2(%arg0: i32) -> (i32, i32) {
    %c0_i32 = arith.constant 0 : i32
    %c0_i32_0 = arith.constant 0 : i32
    %c0_i32_1 = arith.constant 0 : i32
    return %c0_i32, %c0_i32_0 : i32, i32
  }
  func.func @transform_3(%arg0: i32) -> (i32, i32) {
    %c0_i32 = arith.constant 0 : i32
    %c0_i32_0 = arith.constant 0 : i32
    %c0_i32_1 = arith.constant 0 : i32
    return %c0_i32, %c0_i32_0 : i32, i32
  }
  func.func @transform_4(%arg0: i32) -> (i32, i32) {
    %c0_i32 = arith.constant 0 : i32
    %c0_i32_0 = arith.constant 0 : i32
    %c0_i32_1 = arith.constant 0 : i32
    return %c0_i32, %c0_i32_0 : i32, i32
  }
}

</mosaic_0001>

<sc_bundles>
// kernel: kernel.14.cloned.1.call-start
scs
__scs_entry_jumppad:
0x0: {  	(pc) =	sbr.rel $0x88, $3  }
0x1: {  	(tag) =	ssettag $0x0;
	lr =	simm.s32 $0x1  }
0x2: {  	[smem:$0x3F90] =	sst lr;
	_ =	strace $0xD0000000  }
0x3: {  	_ = 	snop  }
0x4: {  	_ = 	snop  }
0x5: {  	_ = 	snop  }
0x6: {  	_ = 	snop  }
0x7: {  	_ = 	snop  }
__scs_overlays_trampoline_lowered:
0x8: {  	[smem:$0x3F9F] =	sst s0  }
0x9: {  	[smem:$0x3FA0] =	sst s1  }
0xa: {  	[smem:$0x3FA1] =	sst s2  }
0xb: {  	[smem:$0x3FA2] =	sst s3  }
0xc: {  	[smem:$0x3FA3] =	sst s4  }
0xd: {  	[smem:$0x3FA4] =	sst s5  }
0xe: {  	[smem:$0x3FA5] =	sst s6  }
0xf: {  	[smem:$0x3FA6] =	sst s7  }
0x10: {  	[smem:$0x3FA7] =	sst s8  }
0x11: {  	[smem:$0x3FA8] =	sst s9;
	s0 =	simm.s32 @!p0 $0x0  }
0x12: {  	s1 =	sld [smem:$0x3F8E];
	s0 =	simm.s32 @p0 $0x1  }
0x13: {  	[smem:$0x3FA9] =	sst s0;
	s0 =	simm.s32 @!p1 $0x0  }
0x14: {  	s2 =	sld [smem:$0x3F8D];
	s0 =	simm.s32 @p1 $0x1  }
0x15: {  	[smem:$0x3FAA] =	sst s0;
	s0 =	simm.s32 @!p2 $0x0  }
0x16: {  	s3 =	sld [smem:$0x3FDB];
	s0 =	simm.s32 @p2 $0x1  }
0x17: {  	s4 =	simm.s32 $0x1BF5;
	[smem:$0x3FAC] =	sst s0  }
0x18: {  	s0 =	sld [smem:$0x3F8F];
	_ =	swait.ge [sflag:s4], $0x0  }
0x19: {  	s7 =	sld [smem:$0x3F90]  }
0x1a: {  	s8 =	sadd.s32 $0xFFFFE003, lr  }
0x1b: {  	s9 =	sadd.s32 $0xFFFFFEF7, lr;
	s5 =	simm.s32 $0xFFFFFFFF;
	p2 =	slt.u32 s8, $0xFFFFF086  }
0x1c: {  	p1 =	slt.u32 s9, $0xF7A;
	s5 =	simm.s32 @!p2 $0x0  }
0x1d: {  	s5 =	simm.s32 @p1 $0x1;
	p0 =	seq.s32 s7, s2  }
0x1e: {  	s7 =	smul.u32 @!p0 $0xF7A, s2;
	p2 =	seq.s32 @!p0 s5, $0x0  }
0x1f: {  	s9 =	smul.u32 $0xF7A, s1;
	s8 =	simm.s32 @!p0 $0x1BF5;
	p2 =	por !p2, p0  }
0x20: {  	[sflag:s8] =	ssyncset.s32 @!p0 $0xFFFFF086;
	s6 =	sadd.s32 @!p0 s3, s7;
	s7 =	simm.s32 @!p0 $0x108  }
0x21: {  	s3 =	sadd.s32 s3, s9;
	s6 =	sadd.s32 @!p0 $0x88, s6;
	s7 =	simm.s32 @p2 $0x1082  }
0x22: {  	[simem:s7], [sflag:s8] =	dma.local @!p0 [hbm:s6], $0xF7A  }
0x23: {  	s9 =	sor.u32 $0xD0000000, s2;
	s6 =	simm.s32 $0x108;
	_ =	swait.ge @!p0 [sflag:s8], $0x0  }
0x24: {  	s3 =	sadd.s32 $0x88, s3;
	s6 =	simm.s32 @!p1 $0x1082;
	[sflag:s4] =	ssyncset.s32 $0xFFFFF086  }
0x25: {  	[simem:s6], [sflag:s4] =	dma.local [hbm:s3], $0xF7A  }
0x26: {  	[smem:$0x3F90] =	sst s1;
	(tag) =	ssettag s2;
	_ =	strace s9  }
0x27: {  	s1 =	sld [smem:$0x3FA0]  }
0x28: {  	s2 =	sld [smem:$0x3FA1]  }
0x29: {  	s4 =	sld [smem:$0x3FA3]  }
0x2a: {  	p0 =	seq.s32 s5, $0x0;
	s5 =	sld [smem:$0x3FA4]  }
0x2b: {  	s6 =	sld [smem:$0x3FA5]  }
0x2c: {  	s7 =	sld [smem:$0x3FA6]  }
0x2d: {  	s3 =	simm.s32 $0x108;
	s8 =	sld [smem:$0x3FA7]  }
0x2e: {  	s3 =	simm.s32 @!p0 $0x1082;
	s9 =	sld [smem:$0x3FA8]  }
0x2f: {  	lr =	sadd.s32 s0, s3;
	s0 =	sld [smem:$0x3F9F]  }
0x30: {  	s3 =	sld [smem:$0x3FA2]  }
0x31: {  	[smem:$0x3FAB] =	sst s10  }
0x32: {  	s10 =	sld [smem:$0x3FA9];
	_ =	sdelay $0x3  }
0x33: {  	p0 =	seq.s32 s10, $0x1;
	s10 =	sld [smem:$0x3FAB];
	_ =	sdelay $0x3  }
0x34: {  	[smem:$0x3FAB] =	sst s10  }
0x35: {  	s10 =	sld [smem:$0x3FAA];
	_ =	sdelay $0x3  }
0x36: {  	p1 =	seq.s32 s10, $0x1;
	s10 =	sld [smem:$0x3FAB];
	_ =	sdelay $0x3  }
0x37: {  	[smem:$0x3FAB] =	sst s10  }
0x38: {  	s10 =	sld [smem:$0x3FAC]  }
0x39: {  	_ = 	snop;
	(pc) =	sbr.ind lr, $3  }
0x3a: {  	_ = 	snop  }
0x3b: {  	_ = 	snop  }
0x3c: {  	p2 =	seq.s32 s10, $0x1;
	s10 =	sld [smem:$0x3FAB]  }
0x3d: {  	_ =	shalt  }
0x3e: {  	_ =	shalt  }
0x3f: {  	_ =	shalt  }
0x40: {  	_ =	shalt  }
0x41: {  	_ =	shalt  }
0x42: {  	_ =	shalt  }
0x43: {  	_ =	shalt  }
0x44: {  	_ =	shalt  }
0x45: {  	_ =	shalt  }
0x46: {  	_ =	shalt  }
0x47: {  	_ =	shalt  }
0x48: {  	_ =	shalt  }
0x49: {  	_ =	shalt  }
0x4a: {  	_ =	shalt  }
0x4b: {  	_ =	shalt  }
0x4c: {  	_ =	shalt  }
0x4d: {  	_ =	shalt  }
0x4e: {  	_ =	shalt  }
0x4f: {  	_ =	shalt  }
0x50: {  	_ =	shalt  }
0x51: {  	_ =	shalt  }
0x52: {  	_ =	shalt  }
0x53: {  	_ =	shalt  }
0x54: {  	_ =	shalt  }
0x55: {  	_ =	shalt  }
0x56: {  	_ =	shalt  }
0x57: {  	_ =	shalt  }
0x58: {  	_ =	shalt  }
0x59: {  	_ =	shalt  }
0x5a: {  	_ =	shalt  }
0x5b: {  	_ =	shalt  }
0x5c: {  	_ =	shalt  }
0x5d: {  	_ =	shalt  }
0x5e: {  	_ =	shalt  }
0x5f: {  	_ =	shalt  }
0x60: {  	_ =	shalt  }
0x61: {  	_ =	shalt  }
0x62: {  	_ =	shalt  }
0x63: {  	_ =	shalt  }
0x64: {  	_ =	shalt  }
0x65: {  	_ =	shalt  }
0x66: {  	_ =	shalt  }
0x67: {  	_ =	shalt  }
0x68: {  	_ =	shalt  }
0x69: {  	_ =	shalt  }
0x6a: {  	_ =	shalt  }
0x6b: {  	_ =	shalt  }
0x6c: {  	_ =	shalt  }
0x6d: {  	_ =	shalt  }
0x6e: {  	_ =	shalt  }
0x6f: {  	_ =	shalt  }
0x70: {  	_ =	shalt  }
0x71: {  	_ =	shalt  }
0x72: {  	_ =	shalt  }
0x73: {  	_ =	shalt  }
0x74: {  	_ =	shalt  }
0x75: {  	_ =	shalt  }
0x76: {  	_ =	shalt  }
0x77: {  	_ =	shalt  }
0x78: {  	_ =	shalt  }
0x79: {  	_ =	shalt  }
0x7a: {  	_ =	shalt  }
0x7b: {  	_ =	shalt  }
0x7c: {  	_ =	shalt  }
0x7d: {  	_ =	shalt  }
0x7e: {  	_ =	shalt  }
0x7f: {  	_ =	shalt  }
0x80: {  	_ =	shalt  }
0x81: {  	_ =	shalt  }
0x82: {  	_ =	shalt  }
0x83: {  	_ =	shalt  }
0x84: {  	_ =	shalt  }
0x85: {  	_ =	shalt  }
0x86: {  	_ =	shalt  }
0x87: {  	_ =	shalt  }
.Lfunc_end0:
.L_simem_size_0:
called_computation_lowered:
.L_overlay_start_0:
0x88: {  	s2 =	sld [smem:$0x3FD9]  }
0x89: {  	s3 =	sld [smem:$0x3FFE];
	_ =	sdelay $0x1  }
0x8a: {  	s1 =	srdreg.scid  }
0x8b: {  	s0 =	sand.u32 $0x1, s1  }
0x8c: {  	s16 =	sshll.u32 s0, $0xA;
	s2 =	sadd.s32 s3, s2  }
0x8d: {  	s2 =	sadd.s32 s2, s16  }
0x8e: {  	[smem:$0x3FB7] =	sst s2  }
0x8f: {  	_ = 	snop  }
0x90: {  	(tm) =	ssettm $0x1  }
0x91: {  	s17 =	sld [smem:$0x3FFB];
	_ =	sdelay $0x3  }
0x92: {  	_ =	strace s17  }
0x93: {  	s2 =	sld [smem:$0x3FFC];
	_ =	sdelay $0x3  }
0x94: {  	_ =	strace s2  }
0x95: {  	s2 =	sld [smem:$0x3FFD];
	_ =	sdelay $0x3  }
0x96: {  	_ =	strace s2  }
0x97: {  	_ =	strace $0x8FFFFFFF  }
0x98: {  	s18 =	sld [smem:$0x3FDB];
	_ =	sdelay $0x1  }
0x99: {  	s19 =	simm.s32 $_scs_section_size  }
0x9a: {  	s4 =	simm.s32 $_size__tile_overlayer_lowered;
	s5 =	simm.s32 $_tile_overlayer_lowered  }
0x9b: {  	s22 =	simm.s32 $0x1BFF;
	s21 =	sshll.u32 s5, $0x1;
	s2 =	sadd.s32 s19, s18  }
0x9c: {  	s6 =	simm.s32 $0x0;
	s20 =	sshll.u32 s4, $0x1;
	s4 =	sadd.s32 s21, s2  }
0x9d: {  	[timem:s6], [sflag:s22] =	dma.local [hbm:s4], s20  }
0x9e: {  	_ =	swait.ge [sflag:s22], s20  }
0x9f: {  	s3 =	ssub.s32 $0x0, s20;
	[sflag:s22] =	ssyncset.done $0x0  }
0xa0: {  	[sflag:s22] =	ssyncadd.s32 s3;
	_ =	sdelay $0x1  }
0xa1: {  	s23 =	simm.s32 $0x1B8B  }
0xa2: {  	_ =	swait.ge [sflag:s23], $0x1  }
0xa3: {  	[sflag:s23] =	ssyncset.done $0x0  }
0xa4: {  	s25 =	simm.s32 $0x1B8E;
	s24 =	sld [smem:$0x3FFE];
	[sflag:s23] =	ssyncadd.s32 $0xFFFFFFFF  }
0xa5: {  	s26 =	simm.s32 $execute0_lowered;
	[smem:$0x3FD2] =	sst s25  }
0xa6: {  	s4 =	sshll.u32 s26, $0x1;
	_ =	strace $0x80000046;
	[dreg:$0x1] =	wrdreg $0xFFFFFFFF  }
0xa7: {  	s28 =	simm.s32 $_size_execute0_lowered;
	s2 =	sadd.s32 s2, s4;
	[dreg:$0x0] =	wrdreg $0x0  }
0xa8: {  	s4 =	sshll.u32 s28, $0x1;
	[dreg:$0x2] =	wrdreg s2  }
0xa9: {  	[dreg:$0x3] =	wrdreg s4  }
0xaa: {  	[dreg:$0x4] =	wrdreg $0xC0  }
0xab: {  	_ =	task [dreg:s6], $0x5FFFF  }
0xac: {  	[dreg:$0x1] =	wrdreg $0xFFFFFFFF  }
0xad: {  	[dreg:$0x0] =	wrdreg $0x60  }
0xae: {  	[dreg:$0x2] =	wrdreg s24  }
0xaf: {  	[dreg:$0x3] =	wrdreg $0x9  }
0xb0: {  	_ =	task.clear_ibuf [dreg:s6], $0x4FFFF;
	_ =	strace $0x90000046  }
0xb1: {  	s29 =	simm.s32 $0x9;
	_ =	strace $0x80000048  }
0xb2: {  	_ =	swait.ge [sflag:s29], $0x1  }
0xb3: {  	[sflag:s29] =	ssyncadd.s32 $0xFFFFFFFF  }
0xb4: {  	_ =	strace $0x90000048  }
0xb5: {  	_ =	sfence  }
0xb6: {  	s30 =	sld [smem:$0x0];
	_ =	sdelay $0x2  }
0xb7: {  	s31 =	sshll.u32 s1, $0xD;
	s1 =	sshrl.u32 s1, $0x2  }
0xb8: {  	s3 =	sand.u32 $0x4000, s31;
	s1 =	sadd.s32 s1, s30  }
0xb9: {  	s0 =	sor.u32 s3, s0;
	s1 =	sshll.u32 s1, $0x11  }
0xba: {  	s0 =	sor.u32 s1, s0  }
0xbb: {  	s0 =	sadd.s32 $0x8F2B, s0  }
0xbc: {  	[sflag:s0] =	ssyncadd.remote.s32 $0x1  }
0xbd: {  	_ =	sfence.sel $0xFFFF  }
0xbe: {  	[dreg:$0x0] =	wrdreg $0xFFFFFFFF;
	(pc) =	sbr.abs _section_cstart, $3  }
0xbf: {  	[dreg:$0x1] =	wrdreg $0xFFFFFFFF  }
0xc0: {  	_ =	task.clear_ibuf [dreg:s6], $0x2FFFF;
	_ =	strace $0x9FFFFFFF  }
0xc1: {  	(tm) =	ssettm $0x7FFFFFFF  }
tec
execute0_lowered:
.L_overlay_start_1:
0x0: {  	(tag) =	ssettag $0x1  }
0x1: {  	s1 =	srdreg.scid  }
0x2: {  	s0 =	stileid.u32;
	s16 =	sand.u32 $0x1, s1  }
0x3: {  	s8 =	rddreg [dreg:$0x0];
	s3 =	sshll.u32 s0, $0xF;
	s4 =	sshll.u32 s16, $0xE  }
0x4: {  	s2 =	simm.s32 $0x0;
	s1 =	rddreg [dreg:$0x1];
	s14 =	sor.u32 s4, s3  }
0x5: {  	[smem:$0x7FF] =	sst s2;
	s15 =	sadd.s32 $0x4C00, s8;
	s3 =	sshrl.u32 s14, $0x3  }
0x6: {  	_ =	strace $0x80000047;
	s4 =	simm.s32 $0x3;
	s3 =	sadd.s32 s15, s3  }
0x7: {  	[tilespmem:s2], [sflag:$0x3] =	stream.linear.gather [hbm4b:s3+s2], $0x1000, $0x38;
	[tilespmem:$0x11000] =	vst v63  }
0x8: {  	_ =	swait.ge [sflag:s4], $0x1000  }
0x9: {  	s6 =	simm.s32 $0x1000;
	[sflag:s4] =	ssyncset.done $0x0  }
0xa: {  	s7 =	simm.s32 $0x1;
	s5 =	sadd.s32 $0x14C00, s8;
	[sflag:s4] =	ssyncadd.s32 $0xFFFFF000  }
0xb: {  	[tilespmem:s6], [sflag:$0x1] =	stream.indirect.gather [hbm4b:s5+s6], $0x8, s2, s6, $0xb8;
	[tilespmem:$0x11000] =	vst v63  }
0xc: {  	_ =	swait.ge [sflag:s7], $0x8000  }
0xd: {  	s17 =	sadd.s32 $0x1CC00, s8;
	s11 =	sor.u32 $0x1000, s14;
	[sflag:s7] =	ssyncset.done $0x0  }
0xe: {  	s8 =	sadd.s32 s17, s14;
	s9 =	sshrl.u32 s11, $0x3;
	[sflag:s7] =	ssyncadd.s32 $0xFFFF8000  }
0xf: {  	[hbm4b:s8+s2] =	stream.linear.scatter [tilespmem:s6], [sflag:$0x2], $0x8000, $0x38;
	[tilespmem:$0x11000] =	vst v63  }
0x10: {  	s9 =	sadd.s32 s15, s9  }
0x11: {  	[tilespmem:s2], [sflag:$0x3] =	stream.linear.gather [hbm4b:s9+s2], $0x1000, $0x38;
	[tilespmem:$0x11000] =	vst v63  }
0x12: {  	_ =	swait.ge [sflag:s4], $0x1000  }
0x13: {  	[sflag:s4] =	ssyncset.done $0x0  }
0x14: {  	s10 =	simm.s32 $0x9000;
	[sflag:s4] =	ssyncadd.s32 $0xFFFFF000  }
0x15: {  	[tilespmem:s10], [sflag:$0x1] =	stream.indirect.gather [hbm4b:s5+s6], $0x8, s2, s6, $0xb8;
	[tilespmem:$0x11000] =	vst v63  }
0x16: {  	_ =	swait.ge [sflag:s7], $0x8000  }
0x17: {  	s18 =	sor.u32 $0x2000, s14;
	[sflag:s7] =	ssyncset.done $0x0  }
0x18: {  	s11 =	sadd.s32 s17, s11;
	s12 =	sshrl.u32 s18, $0x3;
	[sflag:s7] =	ssyncadd.s32 $0xFFFF8000  }
0x19: {  	[hbm4b:s11+s2] =	stream.linear.scatter [tilespmem:s10], [sflag:$0x2], $0x8000, $0x38;
	[tilespmem:$0x11000] =	vst v63  }
0x1a: {  	s12 =	sadd.s32 s15, s12  }
0x1b: {  	[tilespmem:s2], [sflag:$0x3] =	stream.linear.gather [hbm4b:s12+s2], $0x1000, $0x38;
	[tilespmem:$0x11000] =	vst v63  }
0x1c: {  	_ =	swait.ge [sflag:s4], $0x1000  }
0x1d: {  	[sflag:s4] =	ssyncset.done $0x0  }
0x1e: {  	s13 =	simm.s32 $0x2;
	[sflag:s4] =	ssyncadd.s32 $0xFFFFF000  }
0x1f: {  	_ =	swait.ge [sflag:s13], $0x8000  }
0x20: {  	[sflag:s13] =	ssyncset.done $0x0  }
0x21: {  	[sflag:s13] =	ssyncadd.s32 $0xFFFF8000  }
0x22: {  	[tilespmem:s6], [sflag:$0x1] =	stream.indirect.gather [hbm4b:s5+s6], $0x8, s2, s6, $0xb8;
	[tilespmem:$0x11000] =	vst v63  }
0x23: {  	_ =	swait.ge [sflag:s7], $0x8000  }
0x24: {  	s19 =	sor.u32 $0x3000, s14;
	[sflag:s7] =	ssyncset.done $0x0  }
0x25: {  	s14 =	sadd.s32 s17, s18;
	s29 =	sshrl.u32 s19, $0x3;
	[sflag:s7] =	ssyncadd.s32 $0xFFFF8000  }
0x26: {  	[hbm4b:s14+s2] =	stream.linear.scatter [tilespmem:s6], [sflag:$0x2], $0x8000, $0x38;
	[tilespmem:$0x11000] =	vst v63  }
0x27: {  	s15 =	sadd.s32 s15, s29  }
0x28: {  	[tilespmem:s2], [sflag:$0x3] =	stream.linear.gather [hbm4b:s15+s2], $0x1000, $0x38;
	[tilespmem:$0x11000] =	vst v63  }
0x29: {  	_ =	swait.ge [sflag:s4], $0x1000  }
0x2a: {  	[sflag:s4] =	ssyncset.done $0x0  }
0x2b: {  	[sflag:s4] =	ssyncadd.s32 $0xFFFFF000  }
0x2c: {  	_ =	swait.ge [sflag:s13], $0x8000  }
0x2d: {  	s30 =	ssub.s32 $0x2, s16;
	[sflag:s13] =	ssyncset.done $0x0  }
0x2e: {  	s31 =	sshrl.u32 s30, $0x1;
	[sflag:s13] =	ssyncadd.s32 $0xFFFF8000  }
0x2f: {  	[tilespmem:s10], [sflag:$0x1] =	stream.indirect.gather [hbm4b:s5+s6], $0x8, s2, s6, $0xb8;
	[tilespmem:$0x11000] =	vst v63  }
0x30: {  	s16 =	sadd.s32 s17, s19;
	s17 =	ssub.s32 s30, s31;
	_ =	swait.ge [sflag:s7], $0x8000  }
0x31: {  	s17 =	smax.u32 s17, $0x1;
	[sflag:s7] =	ssyncset.done $0x0  }
0x32: {  	p0 =	sne.s32 s17, $0x1;
	[sflag:s7] =	ssyncadd.s32 $0xFFFF8000  }
0x33: {  	[hbm4b:s16+s2] =	stream.linear.scatter [tilespmem:s10], [sflag:$0x2], $0x8000, $0x38;
	[tilespmem:$0x11000] =	vst v63  }
.Ltmp0:
0x34: {  	_ =	swait.ge [sflag:s13], $0x8000;
	(pc) =	sbr.rel @!p0 .LBB2_2-.Ltmp0, $4  }
0x35: {  	[sflag:s13] =	ssyncset.done $0x0  }
0x36: {  	[sflag:s13] =	ssyncadd.s32 $0xFFFF8000  }
0x37: {  	_ =	swait.ge [sflag:s13], $0x8000  }
0x38: {  	s17 =	sadd.s32 $0xFFFFFFFF, s17;
	[sflag:s13] =	ssyncset.done $0x0  }
.LBB2_1:
0x39: {  	p0 =	sne.s32 s17, $0x1;
	s17 =	sadd.s32 $0xFFFFFFFF, s17;
	[sflag:s13] =	ssyncadd.s32 $0xFFFF8000  }
0x3a: {  	[tilespmem:s2], [sflag:$0x3] =	stream.linear.gather [hbm4b:s3+s2], $0x1000, $0x38;
	[tilespmem:$0x11000] =	vst v63  }
0x3b: {  	_ =	swait.ge [sflag:s4], $0x1000  }
0x3c: {  	[sflag:s4] =	ssyncset.done $0x0  }
0x3d: {  	[sflag:s4] =	ssyncadd.s32 $0xFFFFF000  }
0x3e: {  	[tilespmem:s6], [sflag:$0x1] =	stream.indirect.gather [hbm4b:s5+s6], $0x8, s2, s6, $0xb8;
	[tilespmem:$0x11000] =	vst v63  }
0x3f: {  	_ =	swait.ge [sflag:s7], $0x8000  }
0x40: {  	[sflag:s7] =	ssyncset.done $0x0  }
0x41: {  	[sflag:s7] =	ssyncadd.s32 $0xFFFF8000  }
0x42: {  	[hbm4b:s8+s2] =	stream.linear.scatter [tilespmem:s6], [sflag:$0x2], $0x8000, $0x38;
	[tilespmem:$0x11000] =	vst v63  }
0x43: {  	_ = 	snop  }
0x44: {  	[tilespmem:s2], [sflag:$0x3] =	stream.linear.gather [hbm4b:s9+s2], $0x1000, $0x38;
	[tilespmem:$0x11000] =	vst v63  }
0x45: {  	_ =	swait.ge [sflag:s4], $0x1000  }
0x46: {  	[sflag:s4] =	ssyncset.done $0x0  }
0x47: {  	[sflag:s4] =	ssyncadd.s32 $0xFFFFF000  }
0x48: {  	[tilespmem:s10], [sflag:$0x1] =	stream.indirect.gather [hbm4b:s5+s6], $0x8, s2, s6, $0xb8;
	[tilespmem:$0x11000] =	vst v63  }
0x49: {  	_ =	swait.ge [sflag:s7], $0x8000  }
0x4a: {  	[sflag:s7] =	ssyncset.done $0x0  }
0x4b: {  	[sflag:s7] =	ssyncadd.s32 $0xFFFF8000  }
0x4c: {  	[hbm4b:s11+s2] =	stream.linear.scatter [tilespmem:s10], [sflag:$0x2], $0x8000, $0x38;
	[tilespmem:$0x11000] =	vst v63  }
0x4d: {  	_ = 	snop  }
0x4e: {  	[tilespmem:s2], [sflag:$0x3] =	stream.linear.gather [hbm4b:s12+s2], $0x1000, $0x38;
	[tilespmem:$0x11000] =	vst v63  }
0x4f: {  	_ =	swait.ge [sflag:s4], $0x1000  }
0x50: {  	[sflag:s4] =	ssyncset.done $0x0  }
0x51: {  	[sflag:s4] =	ssyncadd.s32 $0xFFFFF000  }
0x52: {  	_ =	swait.ge [sflag:s13], $0x8000  }
0x53: {  	[sflag:s13] =	ssyncset.done $0x0  }
0x54: {  	[sflag:s13] =	ssyncadd.s32 $0xFFFF8000  }
0x55: {  	[tilespmem:s6], [sflag:$0x1] =	stream.indirect.gather [hbm4b:s5+s6], $0x8, s2, s6, $0xb8;
	[tilespmem:$0x11000] =	vst v63  }
0x56: {  	_ =	swait.ge [sflag:s7], $0x8000  }
0x57: {  	[sflag:s7] =	ssyncset.done $0x0  }
0x58: {  	[sflag:s7] =	ssyncadd.s32 $0xFFFF8000  }
0x59: {  	[hbm4b:s14+s2] =	stream.linear.scatter [tilespmem:s6], [sflag:$0x2], $0x8000, $0x38;
	[tilespmem:$0x11000] =	vst v63  }
0x5a: {  	_ = 	snop  }
0x5b: {  	[tilespmem:s2], [sflag:$0x3] =	stream.linear.gather [hbm4b:s15+s2], $0x1000, $0x38;
	[tilespmem:$0x11000] =	vst v63  }
0x5c: {  	_ =	swait.ge [sflag:s4], $0x1000  }
0x5d: {  	[sflag:s4] =	ssyncset.done $0x0  }
0x5e: {  	[sflag:s4] =	ssyncadd.s32 $0xFFFFF000  }
0x5f: {  	_ =	swait.ge [sflag:s13], $0x8000  }
0x60: {  	[sflag:s13] =	ssyncset.done $0x0  }
0x61: {  	[sflag:s13] =	ssyncadd.s32 $0xFFFF8000  }
0x62: {  	[tilespmem:s10], [sflag:$0x1] =	stream.indirect.gather [hbm4b:s5+s6], $0x8, s2, s6, $0xb8;
	[tilespmem:$0x11000] =	vst v63  }
0x63: {  	_ =	swait.ge [sflag:s7], $0x8000  }
0x64: {  	[sflag:s7] =	ssyncset.done $0x0  }
0x65: {  	[sflag:s7] =	ssyncadd.s32 $0xFFFF8000  }
0x66: {  	[hbm4b:s16+s2] =	stream.linear.scatter [tilespmem:s10], [sflag:$0x2], $0x8000, $0x38;
	[tilespmem:$0x11000] =	vst v63  }
.Ltmp1:
0x67: {  	_ =	swait.ge [sflag:s13], $0x8000;
	(pc) =	sbr.rel @p0 .LBB2_1-.Ltmp1, $4  }
0x68: {  	[sflag:s13] =	ssyncset.done $0x0  }
0x69: {  	[sflag:s13] =	ssyncadd.s32 $0xFFFF8000  }
0x6a: {  	_ =	swait.ge [sflag:s13], $0x8000  }
0x6b: {  	[sflag:s13] =	ssyncset.done $0x0  }
.LBB2_2:
0x6c: {  	[sflag:s13] =	ssyncadd.s32 $0xFFFF8000  }
0x6d: {  	_ =	sfence.sel $0x180000  }
0x6e: {  	[bflag:$0x0] =	sbarrier.arrive $0xFFFF  }
0x6f: {  	p0 =	sne.s32 s0, $0x0;
	_ =	strace $0x90000047  }
0x70: {  	s0 =	sadd.s32 @!p0 $0x100000, s1;
	[bflag:$0x2] =	sbarrier.arrive $0xFFFF  }
0x71: {  	[sflag:s0] =	ssyncadd.tile.s32 @!p0 $0x1;
	_ =	shalt  }
.Lfunc_end2:
_tile_overlayer_lowered:
.L_overlay_start_2:
0x72: {  	(tag) =	ssettag $0x2  }
0x73: {  	s0 =	rddreg [dreg:$0x0];
	s2 =	stileid.u32  }
0x74: {  	s1 =	rddreg [dreg:$0x1];
	p0 =	sne.s32 s2, $0x0  }
0x75: {  	s3 =	rddreg [dreg:$0x2];
	[bflag:$0x3] =	sbarrier.arrive $0xFFFF;
	s2 =	simm.s32 @!p0 $0x1C03  }
0x76: {  	[timem:s3], [sflag:s2] =	dma.local @!p0 [hbm:s0], s1  }
0x77: {  	s0 =	simm.s32 @!p0 $0x3  }
0x78: {  	_ =	swait.ge @!p0 [sflag:s0], s1  }
0x79: {  	s1 =	ssub.s32 @!p0 $0x0, s1;
	[sflag:s0] =	ssyncset.done @!p0 $0x0  }
0x7a: {  	[sflag:s0] =	ssyncadd.s32 @!p0 s1  }
0x7b: {  	[bflag:$0x3] =	sbarrier.arrive $0xFFFF  }
0x7c: {  	_ =	shalt  }

// kernel: kernel.17.cloned.1.call-start
scs
__scs_entry_jumppad:
0x0: {  	(pc) =	sbr.rel $0x88, $3  }
0x1: {  	(tag) =	ssettag $0x0;
	lr =	simm.s32 $0x1  }
0x2: {  	[smem:$0x3F90] =	sst lr;
	_ =	strace $0xD0000000  }
0x3: {  	_ = 	snop  }
0x4: {  	_ = 	snop  }
0x5: {  	_ = 	snop  }
0x6: {  	_ = 	snop  }
0x7: {  	_ = 	snop  }
__scs_overlays_trampoline_lowered:
0x8: {  	[smem:$0x3F9F] =	sst s0  }
0x9: {  	[smem:$0x3FA0] =	sst s1  }
0xa: {  	[smem:$0x3FA1] =	sst s2  }
0xb: {  	[smem:$0x3FA2] =	sst s3  }
0xc: {  	[smem:$0x3FA3] =	sst s4  }
0xd: {  	[smem:$0x3FA4] =	sst s5  }
0xe: {  	[smem:$0x3FA5] =	sst s6  }
0xf: {  	[smem:$0x3FA6] =	sst s7  }
0x10: {  	[smem:$0x3FA7] =	sst s8  }
0x11: {  	[smem:$0x3FA8] =	sst s9;
	s0 =	simm.s32 @!p0 $0x0  }
0x12: {  	s1 =	sld [smem:$0x3F8E];
	s0 =	simm.s32 @p0 $0x1  }
0x13: {  	[smem:$0x3FA9] =	sst s0;
	s0 =	simm.s32 @!p1 $0x0  }
0x14: {  	s2 =	sld [smem:$0x3F8D];
	s0 =	simm.s32 @p1 $0x1  }
0x15: {  	[smem:$0x3FAA] =	sst s0;
	s0 =	simm.s32 @!p2 $0x0  }
0x16: {  	s3 =	sld [smem:$0x3FDB];
	s0 =	simm.s32 @p2 $0x1  }
0x17: {  	s4 =	simm.s32 $0x1BF5;
	[smem:$0x3FAC] =	sst s0  }
0x18: {  	s0 =	sld [smem:$0x3F8F];
	_ =	swait.ge [sflag:s4], $0x0  }
0x19: {  	s7 =	sld [smem:$0x3F90]  }
0x1a: {  	s8 =	sadd.s32 $0xFFFFE003, lr  }
0x1b: {  	s9 =	sadd.s32 $0xFFFFFEF7, lr;
	s5 =	simm.s32 $0xFFFFFFFF;
	p2 =	slt.u32 s8, $0xFFFFF086  }
0x1c: {  	p1 =	slt.u32 s9, $0xF7A;
	s5 =	simm.s32 @!p2 $0x0  }
0x1d: {  	s5 =	simm.s32 @p1 $0x1;
	p0 =	seq.s32 s7, s2  }
0x1e: {  	s7 =	smul.u32 @!p0 $0xF7A, s2;
	p2 =	seq.s32 @!p0 s5, $0x0  }
0x1f: {  	s9 =	smul.u32 $0xF7A, s1;
	s8 =	simm.s32 @!p0 $0x1BF5;
	p2 =	por !p2, p0  }
0x20: {  	[sflag:s8] =	ssyncset.s32 @!p0 $0xFFFFF086;
	s6 =	sadd.s32 @!p0 s3, s7;
	s7 =	simm.s32 @!p0 $0x108  }
0x21: {  	s3 =	sadd.s32 s3, s9;
	s6 =	sadd.s32 @!p0 $0x88, s6;
	s7 =	simm.s32 @p2 $0x1082  }
0x22: {  	[simem:s7], [sflag:s8] =	dma.local @!p0 [hbm:s6], $0xF7A  }
0x23: {  	s9 =	sor.u32 $0xD0000000, s2;
	s6 =	simm.s32 $0x108;
	_ =	swait.ge @!p0 [sflag:s8], $0x0  }
0x24: {  	s3 =	sadd.s32 $0x88, s3;
	s6 =	simm.s32 @!p1 $0x1082;
	[sflag:s4] =	ssyncset.s32 $0xFFFFF086  }
0x25: {  	[simem:s6], [sflag:s4] =	dma.local [hbm:s3], $0xF7A  }
0x26: {  	[smem:$0x3F90] =	sst s1;
	(tag) =	ssettag s2;
	_ =	strace s9  }
0x27: {  	s1 =	sld [smem:$0x3FA0]  }
0x28: {  	s2 =	sld [smem:$0x3FA1]  }
0x29: {  	s4 =	sld [smem:$0x3FA3]  }
0x2a: {  	p0 =	seq.s32 s5, $0x0;
	s5 =	sld [smem:$0x3FA4]  }
0x2b: {  	s6 =	sld [smem:$0x3FA5]  }
0x2c: {  	s7 =	sld [smem:$0x3FA6]  }
0x2d: {  	s3 =	simm.s32 $0x108;
	s8 =	sld [smem:$0x3FA7]  }
0x2e: {  	s3 =	simm.s32 @!p0 $0x1082;
	s9 =	sld [smem:$0x3FA8]  }
0x2f: {  	lr =	sadd.s32 s0, s3;
	s0 =	sld [smem:$0x3F9F]  }
0x30: {  	s3 =	sld [smem:$0x3FA2]  }
0x31: {  	[smem:$0x3FAB] =	sst s10  }
0x32: {  	s10 =	sld [smem:$0x3FA9];
	_ =	sdelay $0x3  }
0x33: {  	p0 =	seq.s32 s10, $0x1;
	s10 =	sld [smem:$0x3FAB];
	_ =	sdelay $0x3  }
0x34: {  	[smem:$0x3FAB] =	sst s10  }
0x35: {  	s10 =	sld [smem:$0x3FAA];
	_ =	sdelay $0x3  }
0x36: {  	p1 =	seq.s32 s10, $0x1;
	s10 =	sld [smem:$0x3FAB];
	_ =	sdelay $0x3  }
0x37: {  	[smem:$0x3FAB] =	sst s10  }
0x38: {  	s10 =	sld [smem:$0x3FAC]  }
0x39: {  	_ = 	snop;
	(pc) =	sbr.ind lr, $3  }
0x3a: {  	_ = 	snop  }
0x3b: {  	_ = 	snop  }
0x3c: {  	p2 =	seq.s32 s10, $0x1;
	s10 =	sld [smem:$0x3FAB]  }
0x3d: {  	_ =	shalt  }
0x3e: {  	_ =	shalt  }
0x3f: {  	_ =	shalt  }
0x40: {  	_ =	shalt  }
0x41: {  	_ =	shalt  }
0x42: {  	_ =	shalt  }
0x43: {  	_ =	shalt  }
0x44: {  	_ =	shalt  }
0x45: {  	_ =	shalt  }
0x46: {  	_ =	shalt  }
0x47: {  	_ =	shalt  }
0x48: {  	_ =	shalt  }
0x49: {  	_ =	shalt  }
0x4a: {  	_ =	shalt  }
0x4b: {  	_ =	shalt  }
0x4c: {  	_ =	shalt  }
0x4d: {  	_ =	shalt  }
0x4e: {  	_ =	shalt  }
0x4f: {  	_ =	shalt  }
0x50: {  	_ =	shalt  }
0x51: {  	_ =	shalt  }
0x52: {  	_ =	shalt  }
0x53: {  	_ =	shalt  }
0x54: {  	_ =	shalt  }
0x55: {  	_ =	shalt  }
0x56: {  	_ =	shalt  }
0x57: {  	_ =	shalt  }
0x58: {  	_ =	shalt  }
0x59: {  	_ =	shalt  }
0x5a: {  	_ =	shalt  }
0x5b: {  	_ =	shalt  }
0x5c: {  	_ =	shalt  }
0x5d: {  	_ =	shalt  }
0x5e: {  	_ =	shalt  }
0x5f: {  	_ =	shalt  }
0x60: {  	_ =	shalt  }
0x61: {  	_ =	shalt  }
0x62: {  	_ =	shalt  }
0x63: {  	_ =	shalt  }
0x64: {  	_ =	shalt  }
0x65: {  	_ =	shalt  }
0x66: {  	_ =	shalt  }
0x67: {  	_ =	shalt  }
0x68: {  	_ =	shalt  }
0x69: {  	_ =	shalt  }
0x6a: {  	_ =	shalt  }
0x6b: {  	_ =	shalt  }
0x6c: {  	_ =	shalt  }
0x6d: {  	_ =	shalt  }
0x6e: {  	_ =	shalt  }
0x6f: {  	_ =	shalt  }
0x70: {  	_ =	shalt  }
0x71: {  	_ =	shalt  }
0x72: {  	_ =	shalt  }
0x73: {  	_ =	shalt  }
0x74: {  	_ =	shalt  }
0x75: {  	_ =	shalt  }
0x76: {  	_ =	shalt  }
0x77: {  	_ =	shalt  }
0x78: {  	_ =	shalt  }
0x79: {  	_ =	shalt  }
0x7a: {  	_ =	shalt  }
0x7b: {  	_ =	shalt  }
0x7c: {  	_ =	shalt  }
0x7d: {  	_ =	shalt  }
0x7e: {  	_ =	shalt  }
0x7f: {  	_ =	shalt  }
0x80: {  	_ =	shalt  }
0x81: {  	_ =	shalt  }
0x82: {  	_ =	shalt  }
0x83: {  	_ =	shalt  }
0x84: {  	_ =	shalt  }
0x85: {  	_ =	shalt  }
0x86: {  	_ =	shalt  }
0x87: {  	_ =	shalt  }
.Lfunc_end0:
.L_simem_size_0:
called_computation.1_lowered:
.L_overlay_start_0:
0x88: {  	s2 =	sld [smem:$0x3FD9]  }
0x89: {  	s3 =	sld [smem:$0x3FFE];
	_ =	sdelay $0x1  }
0x8a: {  	s1 =	srdreg.scid  }
0x8b: {  	s0 =	sand.u32 $0x1, s1  }
0x8c: {  	s16 =	sshll.u32 s0, $0xA;
	s2 =	sadd.s32 s3, s2  }
0x8d: {  	s2 =	sadd.s32 s2, s16  }
0x8e: {  	[smem:$0x3FB7] =	sst s2  }
0x8f: {  	_ = 	snop  }
0x90: {  	(tm) =	ssettm $0x1  }
0x91: {  	s17 =	sld [smem:$0x3FFB];
	_ =	sdelay $0x3  }
0x92: {  	_ =	strace s17  }
0x93: {  	s2 =	sld [smem:$0x3FFC];
	_ =	sdelay $0x3  }
0x94: {  	_ =	strace s2  }
0x95: {  	s2 =	sld [smem:$0x3FFD];
	_ =	sdelay $0x3  }
0x96: {  	_ =	strace s2  }
0x97: {  	_ =	strace $0x8FFFFFFF  }
0x98: {  	s18 =	sld [smem:$0x3FDB];
	_ =	sdelay $0x1  }
0x99: {  	s19 =	simm.s32 $_scs_section_size  }
0x9a: {  	s4 =	simm.s32 $_size__tile_overlayer_lowered;
	s5 =	simm.s32 $_tile_overlayer_lowered  }
0x9b: {  	s22 =	simm.s32 $0x1BFF;
	s21 =	sshll.u32 s5, $0x1;
	s2 =	sadd.s32 s19, s18  }
0x9c: {  	s6 =	simm.s32 $0x0;
	s20 =	sshll.u32 s4, $0x1;
	s4 =	sadd.s32 s21, s2  }
0x9d: {  	[timem:s6], [sflag:s22] =	dma.local [hbm:s4], s20  }
0x9e: {  	_ =	swait.ge [sflag:s22], s20  }
0x9f: {  	s3 =	ssub.s32 $0x0, s20;
	[sflag:s22] =	ssyncset.done $0x0  }
0xa0: {  	[sflag:s22] =	ssyncadd.s32 s3;
	_ =	sdelay $0x1  }
0xa1: {  	s23 =	simm.s32 $0x1B8B  }
0xa2: {  	_ =	swait.ge [sflag:s23], $0x1  }
0xa3: {  	[sflag:s23] =	ssyncset.done $0x0  }
0xa4: {  	s25 =	simm.s32 $0x1B8E;
	s24 =	sld [smem:$0x3FFE];
	[sflag:s23] =	ssyncadd.s32 $0xFFFFFFFF  }
0xa5: {  	s26 =	simm.s32 $execute0_lowered;
	[smem:$0x3FD2] =	sst s25  }
0xa6: {  	s4 =	sshll.u32 s26, $0x1;
	_ =	strace $0x80000049;
	[dreg:$0x1] =	wrdreg $0xFFFFFFFF  }
0xa7: {  	s28 =	simm.s32 $_size_execute0_lowered;
	s2 =	sadd.s32 s2, s4;
	[dreg:$0x0] =	wrdreg $0x0  }
0xa8: {  	s4 =	sshll.u32 s28, $0x1;
	[dreg:$0x2] =	wrdreg s2  }
0xa9: {  	[dreg:$0x3] =	wrdreg s4  }
0xaa: {  	[dreg:$0x4] =	wrdreg $0xC0  }
0xab: {  	_ =	task [dreg:s6], $0x5FFFF  }
0xac: {  	[dreg:$0x1] =	wrdreg $0xFFFFFFFF  }
0xad: {  	[dreg:$0x0] =	wrdreg $0x60  }
0xae: {  	[dreg:$0x2] =	wrdreg s24  }
0xaf: {  	[dreg:$0x3] =	wrdreg $0x9  }
0xb0: {  	_ =	task.clear_ibuf [dreg:s6], $0x4FFFF;
	_ =	strace $0x90000049  }
0xb1: {  	s29 =	simm.s32 $0x9;
	_ =	strace $0x8000004B  }
0xb2: {  	_ =	swait.ge [sflag:s29], $0x1  }
0xb3: {  	[sflag:s29] =	ssyncadd.s32 $0xFFFFFFFF  }
0xb4: {  	_ =	strace $0x9000004B  }
0xb5: {  	_ =	sfence  }
0xb6: {  	s30 =	sld [smem:$0x0];
	_ =	sdelay $0x2  }
0xb7: {  	s31 =	sshll.u32 s1, $0xD;
	s1 =	sshrl.u32 s1, $0x2  }
0xb8: {  	s3 =	sand.u32 $0x4000, s31;
	s1 =	sadd.s32 s1, s30  }
0xb9: {  	s0 =	sor.u32 s3, s0;
	s1 =	sshll.u32 s1, $0x11  }
0xba: {  	s0 =	sor.u32 s1, s0  }
0xbb: {  	s0 =	sadd.s32 $0x8F2B, s0  }
0xbc: {  	[sflag:s0] =	ssyncadd.remote.s32 $0x1  }
0xbd: {  	_ =	sfence.sel $0xFFFF  }
0xbe: {  	[dreg:$0x0] =	wrdreg $0xFFFFFFFF;
	(pc) =	sbr.abs _section_cstart, $3  }
0xbf: {  	[dreg:$0x1] =	wrdreg $0xFFFFFFFF  }
0xc0: {  	_ =	task.clear_ibuf [dreg:s6], $0x2FFFF;
	_ =	strace $0x9FFFFFFF  }
0xc1: {  	(tm) =	ssettm $0x7FFFFFFF  }
tec
execute0_lowered:
.L_overlay_start_1:
0x0: {  	(tag) =	ssettag $0x1  }
0x1: {  	s1 =	srdreg.scid  }
0x2: {  	s0 =	stileid.u32;
	s16 =	sand.u32 $0x1, s1  }
0x3: {  	s8 =	rddreg [dreg:$0x0];
	s3 =	sshll.u32 s0, $0xF;
	s4 =	sshll.u32 s16, $0xE  }
0x4: {  	s2 =	simm.s32 $0x0;
	s1 =	rddreg [dreg:$0x1];
	s14 =	sor.u32 s4, s3  }
0x5: {  	[smem:$0x7FF] =	sst s2;
	s15 =	sadd.s32 $0x4C00, s8;
	s3 =	sshrl.u32 s14, $0x3  }
0x6: {  	_ =	strace $0x8000004A;
	s4 =	simm.s32 $0x3;
	s3 =	sadd.s32 s15, s3  }
0x7: {  	[tilespmem:s2], [sflag:$0x3] =	stream.linear.gather [hbm4b:s3+s2], $0x1000, $0x38;
	[tilespmem:$0x11000] =	vst v63  }
0x8: {  	_ =	swait.ge [sflag:s4], $0x1000  }
0x9: {  	s6 =	simm.s32 $0x1000;
	[sflag:s4] =	ssyncset.done $0x0  }
0xa: {  	s7 =	simm.s32 $0x1;
	s5 =	sadd.s32 $0x14C00, s8;
	[sflag:s4] =	ssyncadd.s32 $0xFFFFF000  }
0xb: {  	[tilespmem:s6], [sflag:$0x1] =	stream.indirect.gather [hbm4b:s5+s6], $0x8, s2, s6, $0xb8;
	[tilespmem:$0x11000] =	vst v63  }
0xc: {  	_ =	swait.ge [sflag:s7], $0x8000  }
0xd: {  	s17 =	sadd.s32 $0x1CC00, s8;
	s11 =	sor.u32 $0x1000, s14;
	[sflag:s7] =	ssyncset.done $0x0  }
0xe: {  	s8 =	sadd.s32 s17, s14;
	s9 =	sshrl.u32 s11, $0x3;
	[sflag:s7] =	ssyncadd.s32 $0xFFFF8000  }
0xf: {  	[hbm4b:s8+s2] =	stream.linear.scatter [tilespmem:s6], [sflag:$0x2], $0x8000, $0x38;
	[tilespmem:$0x11000] =	vst v63  }
0x10: {  	s9 =	sadd.s32 s15, s9  }
0x11: {  	[tilespmem:s2], [sflag:$0x3] =	stream.linear.gather [hbm4b:s9+s2], $0x1000, $0x38;
	[tilespmem:$0x11000] =	vst v63  }
0x12: {  	_ =	swait.ge [sflag:s4], $0x1000  }
0x13: {  	[sflag:s4] =	ssyncset.done $0x0  }
0x14: {  	s10 =	simm.s32 $0x9000;
	[sflag:s4] =	ssyncadd.s32 $0xFFFFF000  }
0x15: {  	[tilespmem:s10], [sflag:$0x1] =	stream.indirect.gather [hbm4b:s5+s6], $0x8, s2, s6, $0xb8;
	[tilespmem:$0x11000] =	vst v63  }
0x16: {  	_ =	swait.ge [sflag:s7], $0x8000  }
0x17: {  	s18 =	sor.u32 $0x2000, s14;
	[sflag:s7] =	ssyncset.done $0x0  }
0x18: {  	s11 =	sadd.s32 s17, s11;
	s12 =	sshrl.u32 s18, $0x3;
	[sflag:s7] =	ssyncadd.s32 $0xFFFF8000  }
0x19: {  	[hbm4b:s11+s2] =	stream.linear.scatter [tilespmem:s10], [sflag:$0x2], $0x8000, $0x38;
	[tilespmem:$0x11000] =	vst v63  }
0x1a: {  	s12 =	sadd.s32 s15, s12  }
0x1b: {  	[tilespmem:s2], [sflag:$0x3] =	stream.linear.gather [hbm4b:s12+s2], $0x1000, $0x38;
	[tilespmem:$0x11000] =	vst v63  }
0x1c: {  	_ =	swait.ge [sflag:s4], $0x1000  }
0x1d: {  	[sflag:s4] =	ssyncset.done $0x0  }
0x1e: {  	s13 =	simm.s32 $0x2;
	[sflag:s4] =	ssyncadd.s32 $0xFFFFF000  }
0x1f: {  	_ =	swait.ge [sflag:s13], $0x8000  }
0x20: {  	[sflag:s13] =	ssyncset.done $0x0  }
0x21: {  	[sflag:s13] =	ssyncadd.s32 $0xFFFF8000  }
0x22: {  	[tilespmem:s6], [sflag:$0x1] =	stream.indirect.gather [hbm4b:s5+s6], $0x8, s2, s6, $0xb8;
	[tilespmem:$0x11000] =	vst v63  }
0x23: {  	_ =	swait.ge [sflag:s7], $0x8000  }
0x24: {  	s19 =	sor.u32 $0x3000, s14;
	[sflag:s7] =	ssyncset.done $0x0  }
0x25: {  	s14 =	sadd.s32 s17, s18;
	s29 =	sshrl.u32 s19, $0x3;
	[sflag:s7] =	ssyncadd.s32 $0xFFFF8000  }
0x26: {  	[hbm4b:s14+s2] =	stream.linear.scatter [tilespmem:s6], [sflag:$0x2], $0x8000, $0x38;
	[tilespmem:$0x11000] =	vst v63  }
0x27: {  	s15 =	sadd.s32 s15, s29  }
0x28: {  	[tilespmem:s2], [sflag:$0x3] =	stream.linear.gather [hbm4b:s15+s2], $0x1000, $0x38;
	[tilespmem:$0x11000] =	vst v63  }
0x29: {  	_ =	swait.ge [sflag:s4], $0x1000  }
0x2a: {  	[sflag:s4] =	ssyncset.done $0x0  }
0x2b: {  	[sflag:s4] =	ssyncadd.s32 $0xFFFFF000  }
0x2c: {  	_ =	swait.ge [sflag:s13], $0x8000  }
0x2d: {  	s30 =	ssub.s32 $0x2, s16;
	[sflag:s13] =	ssyncset.done $0x0  }
0x2e: {  	s31 =	sshrl.u32 s30, $0x1;
	[sflag:s13] =	ssyncadd.s32 $0xFFFF8000  }
0x2f: {  	[tilespmem:s10], [sflag:$0x1] =	stream.indirect.gather [hbm4b:s5+s6], $0x8, s2, s6, $0xb8;
	[tilespmem:$0x11000] =	vst v63  }
0x30: {  	s16 =	sadd.s32 s17, s19;
	s17 =	ssub.s32 s30, s31;
	_ =	swait.ge [sflag:s7], $0x8000  }
0x31: {  	s17 =	smax.u32 s17, $0x1;
	[sflag:s7] =	ssyncset.done $0x0  }
0x32: {  	p0 =	sne.s32 s17, $0x1;
	[sflag:s7] =	ssyncadd.s32 $0xFFFF8000  }
0x33: {  	[hbm4b:s16+s2] =	stream.linear.scatter [tilespmem:s10], [sflag:$0x2], $0x8000, $0x38;
	[tilespmem:$0x11000] =	vst v63  }
.Ltmp0:
0x34: {  	_ =	swait.ge [sflag:s13], $0x8000;
	(pc) =	sbr.rel @!p0 .LBB2_2-.Ltmp0, $4  }
0x35: {  	[sflag:s13] =	ssyncset.done $0x0  }
0x36: {  	[sflag:s13] =	ssyncadd.s32 $0xFFFF8000  }
0x37: {  	_ =	swait.ge [sflag:s13], $0x8000  }
0x38: {  	s17 =	sadd.s32 $0xFFFFFFFF, s17;
	[sflag:s13] =	ssyncset.done $0x0  }
.LBB2_1:
0x39: {  	p0 =	sne.s32 s17, $0x1;
	s17 =	sadd.s32 $0xFFFFFFFF, s17;
	[sflag:s13] =	ssyncadd.s32 $0xFFFF8000  }
0x3a: {  	[tilespmem:s2], [sflag:$0x3] =	stream.linear.gather [hbm4b:s3+s2], $0x1000, $0x38;
	[tilespmem:$0x11000] =	vst v63  }
0x3b: {  	_ =	swait.ge [sflag:s4], $0x1000  }
0x3c: {  	[sflag:s4] =	ssyncset.done $0x0  }
0x3d: {  	[sflag:s4] =	ssyncadd.s32 $0xFFFFF000  }
0x3e: {  	[tilespmem:s6], [sflag:$0x1] =	stream.indirect.gather [hbm4b:s5+s6], $0x8, s2, s6, $0xb8;
	[tilespmem:$0x11000] =	vst v63  }
0x3f: {  	_ =	swait.ge [sflag:s7], $0x8000  }
0x40: {  	[sflag:s7] =	ssyncset.done $0x0  }
0x41: {  	[sflag:s7] =	ssyncadd.s32 $0xFFFF8000  }
0x42: {  	[hbm4b:s8+s2] =	stream.linear.scatter [tilespmem:s6], [sflag:$0x2], $0x8000, $0x38;
	[tilespmem:$0x11000] =	vst v63  }
0x43: {  	_ = 	snop  }
0x44: {  	[tilespmem:s2], [sflag:$0x3] =	stream.linear.gather [hbm4b:s9+s2], $0x1000, $0x38;
	[tilespmem:$0x11000] =	vst v63  }
0x45: {  	_ =	swait.ge [sflag:s4], $0x1000  }
0x46: {  	[sflag:s4] =	ssyncset.done $0x0  }
0x47: {  	[sflag:s4] =	ssyncadd.s32 $0xFFFFF000  }
0x48: {  	[tilespmem:s10], [sflag:$0x1] =	stream.indirect.gather [hbm4b:s5+s6], $0x8, s2, s6, $0xb8;
	[tilespmem:$0x11000] =	vst v63  }
0x49: {  	_ =	swait.ge [sflag:s7], $0x8000  }
0x4a: {  	[sflag:s7] =	ssyncset.done $0x0  }
0x4b: {  	[sflag:s7] =	ssyncadd.s32 $0xFFFF8000  }
0x4c: {  	[hbm4b:s11+s2] =	stream.linear.scatter [tilespmem:s10], [sflag:$0x2], $0x8000, $0x38;
	[tilespmem:$0x11000] =	vst v63  }
0x4d: {  	_ = 	snop  }
0x4e: {  	[tilespmem:s2], [sflag:$0x3] =	stream.linear.gather [hbm4b:s12+s2], $0x1000, $0x38;
	[tilespmem:$0x11000] =	vst v63  }
0x4f: {  	_ =	swait.ge [sflag:s4], $0x1000  }
0x50: {  	[sflag:s4] =	ssyncset.done $0x0  }
0x51: {  	[sflag:s4] =	ssyncadd.s32 $0xFFFFF000  }
0x52: {  	_ =	swait.ge [sflag:s13], $0x8000  }
0x53: {  	[sflag:s13] =	ssyncset.done $0x0  }
0x54: {  	[sflag:s13] =	ssyncadd.s32 $0xFFFF8000  }
0x55: {  	[tilespmem:s6], [sflag:$0x1] =	stream.indirect.gather [hbm4b:s5+s6], $0x8, s2, s6, $0xb8;
	[tilespmem:$0x11000] =	vst v63  }
0x56: {  	_ =	swait.ge [sflag:s7], $0x8000  }
0x57: {  	[sflag:s7] =	ssyncset.done $0x0  }
0x58: {  	[sflag:s7] =	ssyncadd.s32 $0xFFFF8000  }
0x59: {  	[hbm4b:s14+s2] =	stream.linear.scatter [tilespmem:s6], [sflag:$0x2], $0x8000, $0x38;
	[tilespmem:$0x11000] =	vst v63  }
0x5a: {  	_ = 	snop  }
0x5b: {  	[tilespmem:s2], [sflag:$0x3] =	stream.linear.gather [hbm4b:s15+s2], $0x1000, $0x38;
	[tilespmem:$0x11000] =	vst v63  }
0x5c: {  	_ =	swait.ge [sflag:s4], $0x1000  }
0x5d: {  	[sflag:s4] =	ssyncset.done $0x0  }
0x5e: {  	[sflag:s4] =	ssyncadd.s32 $0xFFFFF000  }
0x5f: {  	_ =	swait.ge [sflag:s13], $0x8000  }
0x60: {  	[sflag:s13] =	ssyncset.done $0x0  }
0x61: {  	[sflag:s13] =	ssyncadd.s32 $0xFFFF8000  }
0x62: {  	[tilespmem:s10], [sflag:$0x1] =	stream.indirect.gather [hbm4b:s5+s6], $0x8, s2, s6, $0xb8;
	[tilespmem:$0x11000] =	vst v63  }
0x63: {  	_ =	swait.ge [sflag:s7], $0x8000  }
0x64: {  	[sflag:s7] =	ssyncset.done $0x0  }
0x65: {  	[sflag:s7] =	ssyncadd.s32 $0xFFFF8000  }
0x66: {  	[hbm4b:s16+s2] =	stream.linear.scatter [tilespmem:s10], [sflag:$0x2], $0x8000, $0x38;
	[tilespmem:$0x11000] =	vst v63  }
.Ltmp1:
0x67: {  	_ =	swait.ge [sflag:s13], $0x8000;
	(pc) =	sbr.rel @p0 .LBB2_1-.Ltmp1, $4  }
0x68: {  	[sflag:s13] =	ssyncset.done $0x0  }
0x69: {  	[sflag:s13] =	ssyncadd.s32 $0xFFFF8000  }
0x6a: {  	_ =	swait.ge [sflag:s13], $0x8000  }
0x6b: {  	[sflag:s13] =	ssyncset.done $0x0  }
.LBB2_2:
0x6c: {  	[sflag:s13] =	ssyncadd.s32 $0xFFFF8000  }
0x6d: {  	_ =	sfence.sel $0x180000  }
0x6e: {  	[bflag:$0x0] =	sbarrier.arrive $0xFFFF  }
0x6f: {  	p0 =	sne.s32 s0, $0x0;
	_ =	strace $0x9000004A  }
0x70: {  	s0 =	sadd.s32 @!p0 $0x100000, s1;
	[bflag:$0x2] =	sbarrier.arrive $0xFFFF  }
0x71: {  	[sflag:s0] =	ssyncadd.tile.s32 @!p0 $0x1;
	_ =	shalt  }
.Lfunc_end2:
_tile_overlayer_lowered:
.L_overlay_start_2:
0x72: {  	(tag) =	ssettag $0x2  }
0x73: {  	s0 =	rddreg [dreg:$0x0];
	s2 =	stileid.u32  }
0x74: {  	s1 =	rddreg [dreg:$0x1];
	p0 =	sne.s32 s2, $0x0  }
0x75: {  	s3 =	rddreg [dreg:$0x2];
	[bflag:$0x3] =	sbarrier.arrive $0xFFFF;
	s2 =	simm.s32 @!p0 $0x1C03  }
0x76: {  	[timem:s3], [sflag:s2] =	dma.local @!p0 [hbm:s0], s1  }
0x77: {  	s0 =	simm.s32 @!p0 $0x3  }
0x78: {  	_ =	swait.ge @!p0 [sflag:s0], s1  }
0x79: {  	s1 =	ssub.s32 @!p0 $0x0, s1;
	[sflag:s0] =	ssyncset.done @!p0 $0x0  }
0x7a: {  	[sflag:s0] =	ssyncadd.s32 @!p0 s1  }
0x7b: {  	[bflag:$0x3] =	sbarrier.arrive $0xFFFF  }
0x7c: {  	_ =	shalt  }

// kernel: kernel.20.cloned.1.call-start
scs
__scs_entry_jumppad:
0x0: {  	(pc) =	sbr.rel $0x88, $3  }
0x1: {  	(tag) =	ssettag $0x0;
	lr =	simm.s32 $0x1  }
0x2: {  	[smem:$0x3F90] =	sst lr;
	_ =	strace $0xD0000000  }
0x3: {  	_ = 	snop  }
0x4: {  	_ = 	snop  }
0x5: {  	_ = 	snop  }
0x6: {  	_ = 	snop  }
0x7: {  	_ = 	snop  }
__scs_overlays_trampoline_lowered:
0x8: {  	[smem:$0x3F9F] =	sst s0  }
0x9: {  	[smem:$0x3FA0] =	sst s1  }
0xa: {  	[smem:$0x3FA1] =	sst s2  }
0xb: {  	[smem:$0x3FA2] =	sst s3  }
0xc: {  	[smem:$0x3FA3] =	sst s4  }
0xd: {  	[smem:$0x3FA4] =	sst s5  }
0xe: {  	[smem:$0x3FA5] =	sst s6  }
0xf: {  	[smem:$0x3FA6] =	sst s7  }
0x10: {  	[smem:$0x3FA7] =	sst s8  }
0x11: {  	[smem:$0x3FA8] =	sst s9;
	s0 =	simm.s32 @!p0 $0x0  }
0x12: {  	s1 =	sld [smem:$0x3F8E];
	s0 =	simm.s32 @p0 $0x1  }
0x13: {  	[smem:$0x3FA9] =	sst s0;
	s0 =	simm.s32 @!p1 $0x0  }
0x14: {  	s2 =	sld [smem:$0x3F8D];
	s0 =	simm.s32 @p1 $0x1  }
0x15: {  	[smem:$0x3FAA] =	sst s0;
	s0 =	simm.s32 @!p2 $0x0  }
0x16: {  	s3 =	sld [smem:$0x3FDB];
	s0 =	simm.s32 @p2 $0x1  }
0x17: {  	s4 =	simm.s32 $0x1BF5;
	[smem:$0x3FAC] =	sst s0  }
0x18: {  	s0 =	sld [smem:$0x3F8F];
	_ =	swait.ge [sflag:s4], $0x0  }
0x19: {  	s7 =	sld [smem:$0x3F90]  }
0x1a: {  	s8 =	sadd.s32 $0xFFFFE003, lr  }
0x1b: {  	s9 =	sadd.s32 $0xFFFFFEF7, lr;
	s5 =	simm.s32 $0xFFFFFFFF;
	p2 =	slt.u32 s8, $0xFFFFF086  }
0x1c: {  	p1 =	slt.u32 s9, $0xF7A;
	s5 =	simm.s32 @!p2 $0x0  }
0x1d: {  	s5 =	simm.s32 @p1 $0x1;
	p0 =	seq.s32 s7, s2  }
0x1e: {  	s7 =	smul.u32 @!p0 $0xF7A, s2;
	p2 =	seq.s32 @!p0 s5, $0x0  }
0x1f: {  	s9 =	smul.u32 $0xF7A, s1;
	s8 =	simm.s32 @!p0 $0x1BF5;
	p2 =	por !p2, p0  }
0x20: {  	[sflag:s8] =	ssyncset.s32 @!p0 $0xFFFFF086;
	s6 =	sadd.s32 @!p0 s3, s7;
	s7 =	simm.s32 @!p0 $0x108  }
0x21: {  	s3 =	sadd.s32 s3, s9;
	s6 =	sadd.s32 @!p0 $0x88, s6;
	s7 =	simm.s32 @p2 $0x1082  }
0x22: {  	[simem:s7], [sflag:s8] =	dma.local @!p0 [hbm:s6], $0xF7A  }
0x23: {  	s9 =	sor.u32 $0xD0000000, s2;
	s6 =	simm.s32 $0x108;
	_ =	swait.ge @!p0 [sflag:s8], $0x0  }
0x24: {  	s3 =	sadd.s32 $0x88, s3;
	s6 =	simm.s32 @!p1 $0x1082;
	[sflag:s4] =	ssyncset.s32 $0xFFFFF086  }
0x25: {  	[simem:s6], [sflag:s4] =	dma.local [hbm:s3], $0xF7A  }
0x26: {  	[smem:$0x3F90] =	sst s1;
	(tag) =	ssettag s2;
	_ =	strace s9  }
0x27: {  	s1 =	sld [smem:$0x3FA0]  }
0x28: {  	s2 =	sld [smem:$0x3FA1]  }
0x29: {  	s4 =	sld [smem:$0x3FA3]  }
0x2a: {  	p0 =	seq.s32 s5, $0x0;
	s5 =	sld [smem:$0x3FA4]  }
0x2b: {  	s6 =	sld [smem:$0x3FA5]  }
0x2c: {  	s7 =	sld [smem:$0x3FA6]  }
0x2d: {  	s3 =	simm.s32 $0x108;
	s8 =	sld [smem:$0x3FA7]  }
0x2e: {  	s3 =	simm.s32 @!p0 $0x1082;
	s9 =	sld [smem:$0x3FA8]  }
0x2f: {  	lr =	sadd.s32 s0, s3;
	s0 =	sld [smem:$0x3F9F]  }
0x30: {  	s3 =	sld [smem:$0x3FA2]  }
0x31: {  	[smem:$0x3FAB] =	sst s10  }
0x32: {  	s10 =	sld [smem:$0x3FA9];
	_ =	sdelay $0x3  }
0x33: {  	p0 =	seq.s32 s10, $0x1;
	s10 =	sld [smem:$0x3FAB];
	_ =	sdelay $0x3  }
0x34: {  	[smem:$0x3FAB] =	sst s10  }
0x35: {  	s10 =	sld [smem:$0x3FAA];
	_ =	sdelay $0x3  }
0x36: {  	p1 =	seq.s32 s10, $0x1;
	s10 =	sld [smem:$0x3FAB];
	_ =	sdelay $0x3  }
0x37: {  	[smem:$0x3FAB] =	sst s10  }
0x38: {  	s10 =	sld [smem:$0x3FAC]  }
0x39: {  	_ = 	snop;
	(pc) =	sbr.ind lr, $3  }
0x3a: {  	_ = 	snop  }
0x3b: {  	_ = 	snop  }
0x3c: {  	p2 =	seq.s32 s10, $0x1;
	s10 =	sld [smem:$0x3FAB]  }
0x3d: {  	_ =	shalt  }
0x3e: {  	_ =	shalt  }
0x3f: {  	_ =	shalt  }
0x40: {  	_ =	shalt  }
0x41: {  	_ =	shalt  }
0x42: {  	_ =	shalt  }
0x43: {  	_ =	shalt  }
0x44: {  	_ =	shalt  }
0x45: {  	_ =	shalt  }
0x46: {  	_ =	shalt  }
0x47: {  	_ =	shalt  }
0x48: {  	_ =	shalt  }
0x49: {  	_ =	shalt  }
0x4a: {  	_ =	shalt  }
0x4b: {  	_ =	shalt  }
0x4c: {  	_ =	shalt  }
0x4d: {  	_ =	shalt  }
0x4e: {  	_ =	shalt  }
0x4f: {  	_ =	shalt  }
0x50: {  	_ =	shalt  }
0x51: {  	_ =	shalt  }
0x52: {  	_ =	shalt  }
0x53: {  	_ =	shalt  }
0x54: {  	_ =	shalt  }
0x55: {  	_ =	shalt  }
0x56: {  	_ =	shalt  }
0x57: {  	_ =	shalt  }
0x58: {  	_ =	shalt  }
0x59: {  	_ =	shalt  }
0x5a: {  	_ =	shalt  }
0x5b: {  	_ =	shalt  }
0x5c: {  	_ =	shalt  }
0x5d: {  	_ =	shalt  }
0x5e: {  	_ =	shalt  }
0x5f: {  	_ =	shalt  }
0x60: {  	_ =	shalt  }
0x61: {  	_ =	shalt  }
0x62: {  	_ =	shalt  }
0x63: {  	_ =	shalt  }
0x64: {  	_ =	shalt  }
0x65: {  	_ =	shalt  }
0x66: {  	_ =	shalt  }
0x67: {  	_ =	shalt  }
0x68: {  	_ =	shalt  }
0x69: {  	_ =	shalt  }
0x6a: {  	_ =	shalt  }
0x6b: {  	_ =	shalt  }
0x6c: {  	_ =	shalt  }
0x6d: {  	_ =	shalt  }
0x6e: {  	_ =	shalt  }
0x6f: {  	_ =	shalt  }
0x70: {  	_ =	shalt  }
0x71: {  	_ =	shalt  }
0x72: {  	_ =	shalt  }
0x73: {  	_ =	shalt  }
0x74: {  	_ =	shalt  }
0x75: {  	_ =	shalt  }
0x76: {  	_ =	shalt  }
0x77: {  	_ =	shalt  }
0x78: {  	_ =	shalt  }
0x79: {  	_ =	shalt  }
0x7a: {  	_ =	shalt  }
0x7b: {  	_ =	shalt  }
0x7c: {  	_ =	shalt  }
0x7d: {  	_ =	shalt  }
0x7e: {  	_ =	shalt  }
0x7f: {  	_ =	shalt  }
0x80: {  	_ =	shalt  }
0x81: {  	_ =	shalt  }
0x82: {  	_ =	shalt  }
0x83: {  	_ =	shalt  }
0x84: {  	_ =	shalt  }
0x85: {  	_ =	shalt  }
0x86: {  	_ =	shalt  }
0x87: {  	_ =	shalt  }
.Lfunc_end0:
.L_simem_size_0:
called_computation.2_lowered:
.L_overlay_start_0:
0x88: {  	s2 =	sld [smem:$0x3FD9]  }
0x89: {  	s3 =	sld [smem:$0x3FFE];
	_ =	sdelay $0x1  }
0x8a: {  	s1 =	srdreg.scid  }
0x8b: {  	s0 =	sand.u32 $0x1, s1  }
0x8c: {  	s16 =	sshll.u32 s0, $0xA;
	s2 =	sadd.s32 s3, s2  }
0x8d: {  	s2 =	sadd.s32 s2, s16  }
0x8e: {  	[smem:$0x3FB7] =	sst s2  }
0x8f: {  	_ = 	snop  }
0x90: {  	(tm) =	ssettm $0x1  }
0x91: {  	s17 =	sld [smem:$0x3FFB];
	_ =	sdelay $0x3  }
0x92: {  	_ =	strace s17  }
0x93: {  	s2 =	sld [smem:$0x3FFC];
	_ =	sdelay $0x3  }
0x94: {  	_ =	strace s2  }
0x95: {  	s2 =	sld [smem:$0x3FFD];
	_ =	sdelay $0x3  }
0x96: {  	_ =	strace s2  }
0x97: {  	_ =	strace $0x8FFFFFFF  }
0x98: {  	s18 =	sld [smem:$0x3FDB];
	_ =	sdelay $0x1  }
0x99: {  	s19 =	simm.s32 $_scs_section_size  }
0x9a: {  	s4 =	simm.s32 $_size__tile_overlayer_lowered;
	s5 =	simm.s32 $_tile_overlayer_lowered  }
0x9b: {  	s22 =	simm.s32 $0x1BFF;
	s21 =	sshll.u32 s5, $0x1;
	s2 =	sadd.s32 s19, s18  }
0x9c: {  	s6 =	simm.s32 $0x0;
	s20 =	sshll.u32 s4, $0x1;
	s4 =	sadd.s32 s21, s2  }
0x9d: {  	[timem:s6], [sflag:s22] =	dma.local [hbm:s4], s20  }
0x9e: {  	_ =	swait.ge [sflag:s22], s20  }
0x9f: {  	s3 =	ssub.s32 $0x0, s20;
	[sflag:s22] =	ssyncset.done $0x0  }
0xa0: {  	[sflag:s22] =	ssyncadd.s32 s3;
	_ =	sdelay $0x1  }
0xa1: {  	s23 =	simm.s32 $0x1B8B  }
0xa2: {  	_ =	swait.ge [sflag:s23], $0x1  }
0xa3: {  	[sflag:s23] =	ssyncset.done $0x0  }
0xa4: {  	s25 =	simm.s32 $0x1B8E;
	s24 =	sld [smem:$0x3FFE];
	[sflag:s23] =	ssyncadd.s32 $0xFFFFFFFF  }
0xa5: {  	s26 =	simm.s32 $execute0_lowered;
	[smem:$0x3FD2] =	sst s25  }
0xa6: {  	s4 =	sshll.u32 s26, $0x1;
	_ =	strace $0x8000004C;
	[dreg:$0x1] =	wrdreg $0xFFFFFFFF  }
0xa7: {  	s28 =	simm.s32 $_size_execute0_lowered;
	s2 =	sadd.s32 s2, s4;
	[dreg:$0x0] =	wrdreg $0x0  }
0xa8: {  	s4 =	sshll.u32 s28, $0x1;
	[dreg:$0x2] =	wrdreg s2  }
0xa9: {  	[dreg:$0x3] =	wrdreg s4  }
0xaa: {  	[dreg:$0x4] =	wrdreg $0xC0  }
0xab: {  	_ =	task [dreg:s6], $0x5FFFF  }
0xac: {  	[dreg:$0x1] =	wrdreg $0xFFFFFFFF  }
0xad: {  	[dreg:$0x0] =	wrdreg $0x60  }
0xae: {  	[dreg:$0x2] =	wrdreg s24  }
0xaf: {  	[dreg:$0x3] =	wrdreg $0x9  }
0xb0: {  	_ =	task.clear_ibuf [dreg:s6], $0x4FFFF;
	_ =	strace $0x9000004C  }
0xb1: {  	s29 =	simm.s32 $0x9;
	_ =	strace $0x8000004E  }
0xb2: {  	_ =	swait.ge [sflag:s29], $0x1  }
0xb3: {  	[sflag:s29] =	ssyncadd.s32 $0xFFFFFFFF  }
0xb4: {  	_ =	strace $0x9000004E  }
0xb5: {  	_ =	sfence  }
0xb6: {  	s30 =	sld [smem:$0x0];
	_ =	sdelay $0x2  }
0xb7: {  	s31 =	sshll.u32 s1, $0xD;
	s1 =	sshrl.u32 s1, $0x2  }
0xb8: {  	s3 =	sand.u32 $0x4000, s31;
	s1 =	sadd.s32 s1, s30  }
0xb9: {  	s0 =	sor.u32 s3, s0;
	s1 =	sshll.u32 s1, $0x11  }
0xba: {  	s0 =	sor.u32 s1, s0  }
0xbb: {  	s0 =	sadd.s32 $0x8F2B, s0  }
0xbc: {  	[sflag:s0] =	ssyncadd.remote.s32 $0x1  }
0xbd: {  	_ =	sfence.sel $0xFFFF  }
0xbe: {  	[dreg:$0x0] =	wrdreg $0xFFFFFFFF;
	(pc) =	sbr.abs _section_cstart, $3  }
0xbf: {  	[dreg:$0x1] =	wrdreg $0xFFFFFFFF  }
0xc0: {  	_ =	task.clear_ibuf [dreg:s6], $0x2FFFF;
	_ =	strace $0x9FFFFFFF  }
0xc1: {  	(tm) =	ssettm $0x7FFFFFFF  }
tec
execute0_lowered:
.L_overlay_start_1:
0x0: {  	(tag) =	ssettag $0x1  }
0x1: {  	s1 =	srdreg.scid  }
0x2: {  	s0 =	stileid.u32;
	s16 =	sand.u32 $0x1, s1  }
0x3: {  	s8 =	rddreg [dreg:$0x0];
	s3 =	sshll.u32 s0, $0xF;
	s4 =	sshll.u32 s16, $0xE  }
0x4: {  	s2 =	simm.s32 $0x0;
	s1 =	rddreg [dreg:$0x1];
	s14 =	sor.u32 s4, s3  }
0x5: {  	[smem:$0x7FF] =	sst s2;
	s15 =	sadd.s32 $0x4C00, s8;
	s3 =	sshrl.u32 s14, $0x3  }
0x6: {  	_ =	strace $0x8000004D;
	s4 =	simm.s32 $0x3;
	s3 =	sadd.s32 s15, s3  }
0x7: {  	[tilespmem:s2], [sflag:$0x3] =	stream.linear.gather [hbm4b:s3+s2], $0x1000, $0x38;
	[tilespmem:$0x11000] =	vst v63  }
0x8: {  	_ =	swait.ge [sflag:s4], $0x1000  }
0x9: {  	s6 =	simm.s32 $0x1000;
	[sflag:s4] =	ssyncset.done $0x0  }
0xa: {  	s7 =	simm.s32 $0x1;
	s5 =	sadd.s32 $0x14C00, s8;
	[sflag:s4] =	ssyncadd.s32 $0xFFFFF000  }
0xb: {  	[tilespmem:s6], [sflag:$0x1] =	stream.indirect.gather [hbm4b:s5+s6], $0x8, s2, s6, $0xb8;
	[tilespmem:$0x11000] =	vst v63  }
0xc: {  	_ =	swait.ge [sflag:s7], $0x8000  }
0xd: {  	s17 =	sadd.s32 $0x1CC00, s8;
	s11 =	sor.u32 $0x1000, s14;
	[sflag:s7] =	ssyncset.done $0x0  }
0xe: {  	s8 =	sadd.s32 s17, s14;
	s9 =	sshrl.u32 s11, $0x3;
	[sflag:s7] =	ssyncadd.s32 $0xFFFF8000  }
0xf: {  	[hbm4b:s8+s2] =	stream.linear.scatter [tilespmem:s6], [sflag:$0x2], $0x8000, $0x38;
	[tilespmem:$0x11000] =	vst v63  }
0x10: {  	s9 =	sadd.s32 s15, s9  }
0x11: {  	[tilespmem:s2], [sflag:$0x3] =	stream.linear.gather [hbm4b:s9+s2], $0x1000, $0x38;
	[tilespmem:$0x11000] =	vst v63  }
0x12: {  	_ =	swait.ge [sflag:s4], $0x1000  }
0x13: {  	[sflag:s4] =	ssyncset.done $0x0  }
0x14: {  	s10 =	simm.s32 $0x9000;
	[sflag:s4] =	ssyncadd.s32 $0xFFFFF000  }
0x15: {  	[tilespmem:s10], [sflag:$0x1] =	stream.indirect.gather [hbm4b:s5+s6], $0x8, s2, s6, $0xb8;
	[tilespmem:$0x11000] =	vst v63  }
0x16: {  	_ =	swait.ge [sflag:s7], $0x8000  }
0x17: {  	s18 =	sor.u32 $0x2000, s14;
	[sflag:s7] =	ssyncset.done $0x0  }
0x18: {  	s11 =	sadd.s32 s17, s11;
	s12 =	sshrl.u32 s18, $0x3;
	[sflag:s7] =	ssyncadd.s32 $0xFFFF8000  }
0x19: {  	[hbm4b:s11+s2] =	stream.linear.scatter [tilespmem:s10], [sflag:$0x2], $0x8000, $0x38;
	[tilespmem:$0x11000] =	vst v63  }
0x1a: {  	s12 =	sadd.s32 s15, s12  }
0x1b: {  	[tilespmem:s2], [sflag:$0x3] =	stream.linear.gather [hbm4b:s12+s2], $0x1000, $0x38;
	[tilespmem:$0x11000] =	vst v63  }
0x1c: {  	_ =	swait.ge [sflag:s4], $0x1000  }
0x1d: {  	[sflag:s4] =	ssyncset.done $0x0  }
0x1e: {  	s13 =	simm.s32 $0x2;
	[sflag:s4] =	ssyncadd.s32 $0xFFFFF000  }
0x1f: {  	_ =	swait.ge [sflag:s13], $0x8000  }
0x20: {  	[sflag:s13] =	ssyncset.done $0x0  }
0x21: {  	[sflag:s13] =	ssyncadd.s32 $0xFFFF8000  }
0x22: {  	[tilespmem:s6], [sflag:$0x1] =	stream.indirect.gather [hbm4b:s5+s6], $0x8, s2, s6, $0xb8;
	[tilespmem:$0x11000] =	vst v63  }
0x23: {  	_ =	swait.ge [sflag:s7], $0x8000  }
0x24: {  	s19 =	sor.u32 $0x3000, s14;
	[sflag:s7] =	ssyncset.done $0x0  }
0x25: {  	s14 =	sadd.s32 s17, s18;
	s29 =	sshrl.u32 s19, $0x3;
	[sflag:s7] =	ssyncadd.s32 $0xFFFF8000  }
0x26: {  	[hbm4b:s14+s2] =	stream.linear.scatter [tilespmem:s6], [sflag:$0x2], $0x8000, $0x38;
	[tilespmem:$0x11000] =	vst v63  }
0x27: {  	s15 =	sadd.s32 s15, s29  }
0x28: {  	[tilespmem:s2], [sflag:$0x3] =	stream.linear.gather [hbm4b:s15+s2], $0x1000, $0x38;
	[tilespmem:$0x11000] =	vst v63  }
0x29: {  	_ =	swait.ge [sflag:s4], $0x1000  }
0x2a: {  	[sflag:s4] =	ssyncset.done $0x0  }
0x2b: {  	[sflag:s4] =	ssyncadd.s32 $0xFFFFF000  }
0x2c: {  	_ =	swait.ge [sflag:s13], $0x8000  }
0x2d: {  	s30 =	ssub.s32 $0x2, s16;
	[sflag:s13] =	ssyncset.done $0x0  }
0x2e: {  	s31 =	sshrl.u32 s30, $0x1;
	[sflag:s13] =	ssyncadd.s32 $0xFFFF8000  }
0x2f: {  	[tilespmem:s10], [sflag:$0x1] =	stream.indirect.gather [hbm4b:s5+s6], $0x8, s2, s6, $0xb8;
	[tilespmem:$0x11000] =	vst v63  }
0x30: {  	s16 =	sadd.s32 s17, s19;
	s17 =	ssub.s32 s30, s31;
	_ =	swait.ge [sflag:s7], $0x8000  }
0x31: {  	s17 =	smax.u32 s17, $0x1;
	[sflag:s7] =	ssyncset.done $0x0  }
0x32: {  	p0 =	sne.s32 s17, $0x1;
	[sflag:s7] =	ssyncadd.s32 $0xFFFF8000  }
0x33: {  	[hbm4b:s16+s2] =	stream.linear.scatter [tilespmem:s10], [sflag:$0x2], $0x8000, $0x38;
	[tilespmem:$0x11000] =	vst v63  }
.Ltmp0:
0x34: {  	_ =	swait.ge [sflag:s13], $0x8000;
	(pc) =	sbr.rel @!p0 .LBB2_2-.Ltmp0, $4  }
0x35: {  	[sflag:s13] =	ssyncset.done $0x0  }
0x36: {  	[sflag:s13] =	ssyncadd.s32 $0xFFFF8000  }
0x37: {  	_ =	swait.ge [sflag:s13], $0x8000  }
0x38: {  	s17 =	sadd.s32 $0xFFFFFFFF, s17;
	[sflag:s13] =	ssyncset.done $0x0  }
.LBB2_1:
0x39: {  	p0 =	sne.s32 s17, $0x1;
	s17 =	sadd.s32 $0xFFFFFFFF, s17;
	[sflag:s13] =	ssyncadd.s32 $0xFFFF8000  }
0x3a: {  	[tilespmem:s2], [sflag:$0x3] =	stream.linear.gather [hbm4b:s3+s2], $0x1000, $0x38;
	[tilespmem:$0x11000] =	vst v63  }
0x3b: {  	_ =	swait.ge [sflag:s4], $0x1000  }
0x3c: {  	[sflag:s4] =	ssyncset.done $0x0  }
0x3d: {  	[sflag:s4] =	ssyncadd.s32 $0xFFFFF000  }
0x3e: {  	[tilespmem:s6], [sflag:$0x1] =	stream.indirect.gather [hbm4b:s5+s6], $0x8, s2, s6, $0xb8;
	[tilespmem:$0x11000] =	vst v63  }
0x3f: {  	_ =	swait.ge [sflag:s7], $0x8000  }
0x40: {  	[sflag:s7] =	ssyncset.done $0x0  }
0x41: {  	[sflag:s7] =	ssyncadd.s32 $0xFFFF8000  }
0x42: {  	[hbm4b:s8+s2] =	stream.linear.scatter [tilespmem:s6], [sflag:$0x2], $0x8000, $0x38;
	[tilespmem:$0x11000] =	vst v63  }
0x43: {  	_ = 	snop  }
0x44: {  	[tilespmem:s2], [sflag:$0x3] =	stream.linear.gather [hbm4b:s9+s2], $0x1000, $0x38;
	[tilespmem:$0x11000] =	vst v63  }
0x45: {  	_ =	swait.ge [sflag:s4], $0x1000  }
0x46: {  	[sflag:s4] =	ssyncset.done $0x0  }
0x47: {  	[sflag:s4] =	ssyncadd.s32 $0xFFFFF000  }
0x48: {  	[tilespmem:s10], [sflag:$0x1] =	stream.indirect.gather [hbm4b:s5+s6], $0x8, s2, s6, $0xb8;
	[tilespmem:$0x11000] =	vst v63  }
0x49: {  	_ =	swait.ge [sflag:s7], $0x8000  }
0x4a: {  	[sflag:s7] =	ssyncset.done $0x0  }
0x4b: {  	[sflag:s7] =	ssyncadd.s32 $0xFFFF8000  }
0x4c: {  	[hbm4b:s11+s2] =	stream.linear.scatter [tilespmem:s10], [sflag:$0x2], $0x8000, $0x38;
	[tilespmem:$0x11000] =	vst v63  }
0x4d: {  	_ = 	snop  }
0x4e: {  	[tilespmem:s2], [sflag:$0x3] =	stream.linear.gather [hbm4b:s12+s2], $0x1000, $0x38;
	[tilespmem:$0x11000] =	vst v63  }
0x4f: {  	_ =	swait.ge [sflag:s4], $0x1000  }
0x50: {  	[sflag:s4] =	ssyncset.done $0x0  }
0x51: {  	[sflag:s4] =	ssyncadd.s32 $0xFFFFF000  }
0x52: {  	_ =	swait.ge [sflag:s13], $0x8000  }
0x53: {  	[sflag:s13] =	ssyncset.done $0x0  }
0x54: {  	[sflag:s13] =	ssyncadd.s32 $0xFFFF8000  }
0x55: {  	[tilespmem:s6], [sflag:$0x1] =	stream.indirect.gather [hbm4b:s5+s6], $0x8, s2, s6, $0xb8;
	[tilespmem:$0x11000] =	vst v63  }
0x56: {  	_ =	swait.ge [sflag:s7], $0x8000  }
0x57: {  	[sflag:s7] =	ssyncset.done $0x0  }
0x58: {  	[sflag:s7] =	ssyncadd.s32 $0xFFFF8000  }
0x59: {  	[hbm4b:s14+s2] =	stream.linear.scatter [tilespmem:s6], [sflag:$0x2], $0x8000, $0x38;
	[tilespmem:$0x11000] =	vst v63  }
0x5a: {  	_ = 	snop  }
0x5b: {  	[tilespmem:s2], [sflag:$0x3] =	stream.linear.gather [hbm4b:s15+s2], $0x1000, $0x38;
	[tilespmem:$0x11000] =	vst v63  }
0x5c: {  	_ =	swait.ge [sflag:s4], $0x1000  }
0x5d: {  	[sflag:s4] =	ssyncset.done $0x0  }
0x5e: {  	[sflag:s4] =	ssyncadd.s32 $0xFFFFF000  }
0x5f: {  	_ =	swait.ge [sflag:s13], $0x8000  }
0x60: {  	[sflag:s13] =	ssyncset.done $0x0  }
0x61: {  	[sflag:s13] =	ssyncadd.s32 $0xFFFF8000  }
0x62: {  	[tilespmem:s10], [sflag:$0x1] =	stream.indirect.gather [hbm4b:s5+s6], $0x8, s2, s6, $0xb8;
	[tilespmem:$0x11000] =	vst v63  }
0x63: {  	_ =	swait.ge [sflag:s7], $0x8000  }
0x64: {  	[sflag:s7] =	ssyncset.done $0x0  }
0x65: {  	[sflag:s7] =	ssyncadd.s32 $0xFFFF8000  }
0x66: {  	[hbm4b:s16+s2] =	stream.linear.scatter [tilespmem:s10], [sflag:$0x2], $0x8000, $0x38;
	[tilespmem:$0x11000] =	vst v63  }
.Ltmp1:
0x67: {  	_ =	swait.ge [sflag:s13], $0x8000;
	(pc) =	sbr.rel @p0 .LBB2_1-.Ltmp1, $4  }
0x68: {  	[sflag:s13] =	ssyncset.done $0x0  }
0x69: {  	[sflag:s13] =	ssyncadd.s32 $0xFFFF8000  }
0x6a: {  	_ =	swait.ge [sflag:s13], $0x8000  }
0x6b: {  	[sflag:s13] =	ssyncset.done $0x0  }
.LBB2_2:
0x6c: {  	[sflag:s13] =	ssyncadd.s32 $0xFFFF8000  }
0x6d: {  	_ =	sfence.sel $0x180000  }
0x6e: {  	[bflag:$0x0] =	sbarrier.arrive $0xFFFF  }
0x6f: {  	p0 =	sne.s32 s0, $0x0;
	_ =	strace $0x9000004D  }
0x70: {  	s0 =	sadd.s32 @!p0 $0x100000, s1;
	[bflag:$0x2] =	sbarrier.arrive $0xFFFF  }
0x71: {  	[sflag:s0] =	ssyncadd.tile.s32 @!p0 $0x1;
	_ =	shalt  }
.Lfunc_end2:
_tile_overlayer_lowered:
.L_overlay_start_2:
0x72: {  	(tag) =	ssettag $0x2  }
0x73: {  	s0 =	rddreg [dreg:$0x0];
	s2 =	stileid.u32  }
0x74: {  	s1 =	rddreg [dreg:$0x1];
	p0 =	sne.s32 s2, $0x0  }
0x75: {  	s3 =	rddreg [dreg:$0x2];
	[bflag:$0x3] =	sbarrier.arrive $0xFFFF;
	s2 =	simm.s32 @!p0 $0x1C03  }
0x76: {  	[timem:s3], [sflag:s2] =	dma.local @!p0 [hbm:s0], s1  }
0x77: {  	s0 =	simm.s32 @!p0 $0x3  }
0x78: {  	_ =	swait.ge @!p0 [sflag:s0], s1  }
0x79: {  	s1 =	ssub.s32 @!p0 $0x0, s1;
	[sflag:s0] =	ssyncset.done @!p0 $0x0  }
0x7a: {  	[sflag:s0] =	ssyncadd.s32 @!p0 s1  }
0x7b: {  	[bflag:$0x3] =	sbarrier.arrive $0xFFFF  }
0x7c: {  	_ =	shalt  }

// kernel: kernel.23.cloned.1.call-start
scs
__scs_entry_jumppad:
0x0: {  	(pc) =	sbr.rel $0x88, $3  }
0x1: {  	(tag) =	ssettag $0x0;
	lr =	simm.s32 $0x1  }
0x2: {  	[smem:$0x3F90] =	sst lr;
	_ =	strace $0xD0000000  }
0x3: {  	_ = 	snop  }
0x4: {  	_ = 	snop  }
0x5: {  	_ = 	snop  }
0x6: {  	_ = 	snop  }
0x7: {  	_ = 	snop  }
__scs_overlays_trampoline_lowered:
0x8: {  	[smem:$0x3F9F] =	sst s0  }
0x9: {  	[smem:$0x3FA0] =	sst s1  }
0xa: {  	[smem:$0x3FA1] =	sst s2  }
0xb: {  	[smem:$0x3FA2] =	sst s3  }
0xc: {  	[smem:$0x3FA3] =	sst s4  }
0xd: {  	[smem:$0x3FA4] =	sst s5  }
0xe: {  	[smem:$0x3FA5] =	sst s6  }
0xf: {  	[smem:$0x3FA6] =	sst s7  }
0x10: {  	[smem:$0x3FA7] =	sst s8  }
0x11: {  	[smem:$0x3FA8] =	sst s9;
	s0 =	simm.s32 @!p0 $0x0  }
0x12: {  	s1 =	sld [smem:$0x3F8E];
	s0 =	simm.s32 @p0 $0x1  }
0x13: {  	[smem:$0x3FA9] =	sst s0;
	s0 =	simm.s32 @!p1 $0x0  }
0x14: {  	s2 =	sld [smem:$0x3F8D];
	s0 =	simm.s32 @p1 $0x1  }
0x15: {  	[smem:$0x3FAA] =	sst s0;
	s0 =	simm.s32 @!p2 $0x0  }
0x16: {  	s3 =	sld [smem:$0x3FDB];
	s0 =	simm.s32 @p2 $0x1  }
0x17: {  	s4 =	simm.s32 $0x1BF5;
	[smem:$0x3FAC] =	sst s0  }
0x18: {  	s0 =	sld [smem:$0x3F8F];
	_ =	swait.ge [sflag:s4], $0x0  }
0x19: {  	s7 =	sld [smem:$0x3F90]  }
0x1a: {  	s8 =	sadd.s32 $0xFFFFE003, lr  }
0x1b: {  	s9 =	sadd.s32 $0xFFFFFEF7, lr;
	s5 =	simm.s32 $0xFFFFFFFF;
	p2 =	slt.u32 s8, $0xFFFFF086  }
0x1c: {  	p1 =	slt.u32 s9, $0xF7A;
	s5 =	simm.s32 @!p2 $0x0  }
0x1d: {  	s5 =	simm.s32 @p1 $0x1;
	p0 =	seq.s32 s7, s2  }
0x1e: {  	s7 =	smul.u32 @!p0 $0xF7A, s2;
	p2 =	seq.s32 @!p0 s5, $0x0  }
0x1f: {  	s9 =	smul.u32 $0xF7A, s1;
	s8 =	simm.s32 @!p0 $0x1BF5;
	p2 =	por !p2, p0  }
0x20: {  	[sflag:s8] =	ssyncset.s32 @!p0 $0xFFFFF086;
	s6 =	sadd.s32 @!p0 s3, s7;
	s7 =	simm.s32 @!p0 $0x108  }
0x21: {  	s3 =	sadd.s32 s3, s9;
	s6 =	sadd.s32 @!p0 $0x88, s6;
	s7 =	simm.s32 @p2 $0x1082  }
0x22: {  	[simem:s7], [sflag:s8] =	dma.local @!p0 [hbm:s6], $0xF7A  }
0x23: {  	s9 =	sor.u32 $0xD0000000, s2;
	s6 =	simm.s32 $0x108;
	_ =	swait.ge @!p0 [sflag:s8], $0x0  }
0x24: {  	s3 =	sadd.s32 $0x88, s3;
	s6 =	simm.s32 @!p1 $0x1082;
	[sflag:s4] =	ssyncset.s32 $0xFFFFF086  }
0x25: {  	[simem:s6], [sflag:s4] =	dma.local [hbm:s3], $0xF7A  }
0x26: {  	[smem:$0x3F90] =	sst s1;
	(tag) =	ssettag s2;
	_ =	strace s9  }
0x27: {  	s1 =	sld [smem:$0x3FA0]  }
0x28: {  	s2 =	sld [smem:$0x3FA1]  }
0x29: {  	s4 =	sld [smem:$0x3FA3]  }
0x2a: {  	p0 =	seq.s32 s5, $0x0;
	s5 =	sld [smem:$0x3FA4]  }
0x2b: {  	s6 =	sld [smem:$0x3FA5]  }
0x2c: {  	s7 =	sld [smem:$0x3FA6]  }
0x2d: {  	s3 =	simm.s32 $0x108;
	s8 =	sld [smem:$0x3FA7]  }
0x2e: {  	s3 =	simm.s32 @!p0 $0x1082;
	s9 =	sld [smem:$0x3FA8]  }
0x2f: {  	lr =	sadd.s32 s0, s3;
	s0 =	sld [smem:$0x3F9F]  }
0x30: {  	s3 =	sld [smem:$0x3FA2]  }
0x31: {  	[smem:$0x3FAB] =	sst s10  }
0x32: {  	s10 =	sld [smem:$0x3FA9];
	_ =	sdelay $0x3  }
0x33: {  	p0 =	seq.s32 s10, $0x1;
	s10 =	sld [smem:$0x3FAB];
	_ =	sdelay $0x3  }
0x34: {  	[smem:$0x3FAB] =	sst s10  }
0x35: {  	s10 =	sld [smem:$0x3FAA];
	_ =	sdelay $0x3  }
0x36: {  	p1 =	seq.s32 s10, $0x1;
	s10 =	sld [smem:$0x3FAB];
	_ =	sdelay $0x3  }
0x37: {  	[smem:$0x3FAB] =	sst s10  }
0x38: {  	s10 =	sld [smem:$0x3FAC]  }
0x39: {  	_ = 	snop;
	(pc) =	sbr.ind lr, $3  }
0x3a: {  	_ = 	snop  }
0x3b: {  	_ = 	snop  }
0x3c: {  	p2 =	seq.s32 s10, $0x1;
	s10 =	sld [smem:$0x3FAB]  }
0x3d: {  	_ =	shalt  }
0x3e: {  	_ =	shalt  }
0x3f: {  	_ =	shalt  }
0x40: {  	_ =	shalt  }
0x41: {  	_ =	shalt  }
0x42: {  	_ =	shalt  }
0x43: {  	_ =	shalt  }
0x44: {  	_ =	shalt  }
0x45: {  	_ =	shalt  }
0x46: {  	_ =	shalt  }
0x47: {  	_ =	shalt  }
0x48: {  	_ =	shalt  }
0x49: {  	_ =	shalt  }
0x4a: {  	_ =	shalt  }
0x4b: {  	_ =	shalt  }
0x4c: {  	_ =	shalt  }
0x4d: {  	_ =	shalt  }
0x4e: {  	_ =	shalt  }
0x4f: {  	_ =	shalt  }
0x50: {  	_ =	shalt  }
0x51: {  	_ =	shalt  }
0x52: {  	_ =	shalt  }
0x53: {  	_ =	shalt  }
0x54: {  	_ =	shalt  }
0x55: {  	_ =	shalt  }
0x56: {  	_ =	shalt  }
0x57: {  	_ =	shalt  }
0x58: {  	_ =	shalt  }
0x59: {  	_ =	shalt  }
0x5a: {  	_ =	shalt  }
0x5b: {  	_ =	shalt  }
0x5c: {  	_ =	shalt  }
0x5d: {  	_ =	shalt  }
0x5e: {  	_ =	shalt  }
0x5f: {  	_ =	shalt  }
0x60: {  	_ =	shalt  }
0x61: {  	_ =	shalt  }
0x62: {  	_ =	shalt  }
0x63: {  	_ =	shalt  }
0x64: {  	_ =	shalt  }
0x65: {  	_ =	shalt  }
0x66: {  	_ =	shalt  }
0x67: {  	_ =	shalt  }
0x68: {  	_ =	shalt  }
0x69: {  	_ =	shalt  }
0x6a: {  	_ =	shalt  }
0x6b: {  	_ =	shalt  }
0x6c: {  	_ =	shalt  }
0x6d: {  	_ =	shalt  }
0x6e: {  	_ =	shalt  }
0x6f: {  	_ =	shalt  }
0x70: {  	_ =	shalt  }
0x71: {  	_ =	shalt  }
0x72: {  	_ =	shalt  }
0x73: {  	_ =	shalt  }
0x74: {  	_ =	shalt  }
0x75: {  	_ =	shalt  }
0x76: {  	_ =	shalt  }
0x77: {  	_ =	shalt  }
0x78: {  	_ =	shalt  }
0x79: {  	_ =	shalt  }
0x7a: {  	_ =	shalt  }
0x7b: {  	_ =	shalt  }
0x7c: {  	_ =	shalt  }
0x7d: {  	_ =	shalt  }
0x7e: {  	_ =	shalt  }
0x7f: {  	_ =	shalt  }
0x80: {  	_ =	shalt  }
0x81: {  	_ =	shalt  }
0x82: {  	_ =	shalt  }
0x83: {  	_ =	shalt  }
0x84: {  	_ =	shalt  }
0x85: {  	_ =	shalt  }
0x86: {  	_ =	shalt  }
0x87: {  	_ =	shalt  }
.Lfunc_end0:
.L_simem_size_0:
called_computation.3_lowered:
.L_overlay_start_0:
0x88: {  	s2 =	sld [smem:$0x3FD9]  }
0x89: {  	s3 =	sld [smem:$0x3FFE];
	_ =	sdelay $0x1  }
0x8a: {  	s1 =	srdreg.scid  }
0x8b: {  	s0 =	sand.u32 $0x1, s1  }
0x8c: {  	s16 =	sshll.u32 s0, $0xA;
	s2 =	sadd.s32 s3, s2  }
0x8d: {  	s2 =	sadd.s32 s2, s16  }
0x8e: {  	[smem:$0x3FB7] =	sst s2  }
0x8f: {  	_ = 	snop  }
0x90: {  	(tm) =	ssettm $0x1  }
0x91: {  	s17 =	sld [smem:$0x3FFB];
	_ =	sdelay $0x3  }
0x92: {  	_ =	strace s17  }
0x93: {  	s2 =	sld [smem:$0x3FFC];
	_ =	sdelay $0x3  }
0x94: {  	_ =	strace s2  }
0x95: {  	s2 =	sld [smem:$0x3FFD];
	_ =	sdelay $0x3  }
0x96: {  	_ =	strace s2  }
0x97: {  	_ =	strace $0x8FFFFFFF  }
0x98: {  	s18 =	sld [smem:$0x3FDB];
	_ =	sdelay $0x1  }
0x99: {  	s19 =	simm.s32 $_scs_section_size  }
0x9a: {  	s4 =	simm.s32 $_size__tile_overlayer_lowered;
	s5 =	simm.s32 $_tile_overlayer_lowered  }
0x9b: {  	s22 =	simm.s32 $0x1BFF;
	s21 =	sshll.u32 s5, $0x1;
	s2 =	sadd.s32 s19, s18  }
0x9c: {  	s6 =	simm.s32 $0x0;
	s20 =	sshll.u32 s4, $0x1;
	s4 =	sadd.s32 s21, s2  }
0x9d: {  	[timem:s6], [sflag:s22] =	dma.local [hbm:s4], s20  }
0x9e: {  	_ =	swait.ge [sflag:s22], s20  }
0x9f: {  	s3 =	ssub.s32 $0x0, s20;
	[sflag:s22] =	ssyncset.done $0x0  }
0xa0: {  	[sflag:s22] =	ssyncadd.s32 s3;
	_ =	sdelay $0x1  }
0xa1: {  	s23 =	simm.s32 $0x1B8B  }
0xa2: {  	_ =	swait.ge [sflag:s23], $0x1  }
0xa3: {  	[sflag:s23] =	ssyncset.done $0x0  }
0xa4: {  	s25 =	simm.s32 $0x1B8E;
	s24 =	sld [smem:$0x3FFE];
	[sflag:s23] =	ssyncadd.s32 $0xFFFFFFFF  }
0xa5: {  	s26 =	simm.s32 $execute0_lowered;
	[smem:$0x3FD2] =	sst s25  }
0xa6: {  	s4 =	sshll.u32 s26, $0x1;
	_ =	strace $0x8000004F;
	[dreg:$0x1] =	wrdreg $0xFFFFFFFF  }
0xa7: {  	s28 =	simm.s32 $_size_execute0_lowered;
	s2 =	sadd.s32 s2, s4;
	[dreg:$0x0] =	wrdreg $0x0  }
0xa8: {  	s4 =	sshll.u32 s28, $0x1;
	[dreg:$0x2] =	wrdreg s2  }
0xa9: {  	[dreg:$0x3] =	wrdreg s4  }
0xaa: {  	[dreg:$0x4] =	wrdreg $0xC0  }
0xab: {  	_ =	task [dreg:s6], $0x5FFFF  }
0xac: {  	[dreg:$0x1] =	wrdreg $0xFFFFFFFF  }
0xad: {  	[dreg:$0x0] =	wrdreg $0x60  }
0xae: {  	[dreg:$0x2] =	wrdreg s24  }
0xaf: {  	[dreg:$0x3] =	wrdreg $0x9  }
0xb0: {  	_ =	task.clear_ibuf [dreg:s6], $0x4FFFF;
	_ =	strace $0x9000004F  }
0xb1: {  	s29 =	simm.s32 $0x9;
	_ =	strace $0x80000051  }
0xb2: {  	_ =	swait.ge [sflag:s29], $0x1  }
0xb3: {  	[sflag:s29] =	ssyncadd.s32 $0xFFFFFFFF  }
0xb4: {  	_ =	strace $0x90000051  }
0xb5: {  	_ =	sfence  }
0xb6: {  	s30 =	sld [smem:$0x0];
	_ =	sdelay $0x2  }
0xb7: {  	s31 =	sshll.u32 s1, $0xD;
	s1 =	sshrl.u32 s1, $0x2  }
0xb8: {  	s3 =	sand.u32 $0x4000, s31;
	s1 =	sadd.s32 s1, s30  }
0xb9: {  	s0 =	sor.u32 s3, s0;
	s1 =	sshll.u32 s1, $0x11  }
0xba: {  	s0 =	sor.u32 s1, s0  }
0xbb: {  	s0 =	sadd.s32 $0x8F2B, s0  }
0xbc: {  	[sflag:s0] =	ssyncadd.remote.s32 $0x1  }
0xbd: {  	_ =	sfence.sel $0xFFFF  }
0xbe: {  	[dreg:$0x0] =	wrdreg $0xFFFFFFFF;
	(pc) =	sbr.abs _section_cstart, $3  }
0xbf: {  	[dreg:$0x1] =	wrdreg $0xFFFFFFFF  }
0xc0: {  	_ =	task.clear_ibuf [dreg:s6], $0x2FFFF;
	_ =	strace $0x9FFFFFFF  }
0xc1: {  	(tm) =	ssettm $0x7FFFFFFF  }
tec
execute0_lowered:
.L_overlay_start_1:
0x0: {  	(tag) =	ssettag $0x1  }
0x1: {  	s1 =	srdreg.scid  }
0x2: {  	s0 =	stileid.u32;
	s16 =	sand.u32 $0x1, s1  }
0x3: {  	s8 =	rddreg [dreg:$0x0];
	s3 =	sshll.u32 s0, $0xF;
	s4 =	sshll.u32 s16, $0xE  }
0x4: {  	s2 =	simm.s32 $0x0;
	s1 =	rddreg [dreg:$0x1];
	s14 =	sor.u32 s4, s3  }
0x5: {  	[smem:$0x7FF] =	sst s2;
	s15 =	sadd.s32 $0x4C00, s8;
	s3 =	sshrl.u32 s14, $0x3  }
0x6: {  	_ =	strace $0x80000050;
	s4 =	simm.s32 $0x3;
	s3 =	sadd.s32 s15, s3  }
0x7: {  	[tilespmem:s2], [sflag:$0x3] =	stream.linear.gather [hbm4b:s3+s2], $0x1000, $0x38;
	[tilespmem:$0x11000] =	vst v63  }
0x8: {  	_ =	swait.ge [sflag:s4], $0x1000  }
0x9: {  	s6 =	simm.s32 $0x1000;
	[sflag:s4] =	ssyncset.done $0x0  }
0xa: {  	s7 =	simm.s32 $0x1;
	s5 =	sadd.s32 $0x14C00, s8;
	[sflag:s4] =	ssyncadd.s32 $0xFFFFF000  }
0xb: {  	[tilespmem:s6], [sflag:$0x1] =	stream.indirect.gather [hbm4b:s5+s6], $0x8, s2, s6, $0xb8;
	[tilespmem:$0x11000] =	vst v63  }
0xc: {  	_ =	swait.ge [sflag:s7], $0x8000  }
0xd: {  	s17 =	sadd.s32 $0x1CC00, s8;
	s11 =	sor.u32 $0x1000, s14;
	[sflag:s7] =	ssyncset.done $0x0  }
0xe: {  	s8 =	sadd.s32 s17, s14;
	s9 =	sshrl.u32 s11, $0x3;
	[sflag:s7] =	ssyncadd.s32 $0xFFFF8000  }
0xf: {  	[hbm4b:s8+s2] =	stream.linear.scatter [tilespmem:s6], [sflag:$0x2], $0x8000, $0x38;
	[tilespmem:$0x11000] =	vst v63  }
0x10: {  	s9 =	sadd.s32 s15, s9  }
0x11: {  	[tilespmem:s2], [sflag:$0x3] =	stream.linear.gather [hbm4b:s9+s2], $0x1000, $0x38;
	[tilespmem:$0x11000] =	vst v63  }
0x12: {  	_ =	swait.ge [sflag:s4], $0x1000  }
0x13: {  	[sflag:s4] =	ssyncset.done $0x0  }
0x14: {  	s10 =	simm.s32 $0x9000;
	[sflag:s4] =	ssyncadd.s32 $0xFFFFF000  }
0x15: {  	[tilespmem:s10], [sflag:$0x1] =	stream.indirect.gather [hbm4b:s5+s6], $0x8, s2, s6, $0xb8;
	[tilespmem:$0x11000] =	vst v63  }
0x16: {  	_ =	swait.ge [sflag:s7], $0x8000  }
0x17: {  	s18 =	sor.u32 $0x2000, s14;
	[sflag:s7] =	ssyncset.done $0x0  }
0x18: {  	s11 =	sadd.s32 s17, s11;
	s12 =	sshrl.u32 s18, $0x3;
	[sflag:s7] =	ssyncadd.s32 $0xFFFF8000  }
0x19: {  	[hbm4b:s11+s2] =	stream.linear.scatter [tilespmem:s10], [sflag:$0x2], $0x8000, $0x38;
	[tilespmem:$0x11000] =	vst v63  }
0x1a: {  	s12 =	sadd.s32 s15, s12  }
0x1b: {  	[tilespmem:s2], [sflag:$0x3] =	stream.linear.gather [hbm4b:s12+s2], $0x1000, $0x38;
	[tilespmem:$0x11000] =	vst v63  }
0x1c: {  	_ =	swait.ge [sflag:s4], $0x1000  }
0x1d: {  	[sflag:s4] =	ssyncset.done $0x0  }
0x1e: {  	s13 =	simm.s32 $0x2;
	[sflag:s4] =	ssyncadd.s32 $0xFFFFF000  }
0x1f: {  	_ =	swait.ge [sflag:s13], $0x8000  }
0x20: {  	[sflag:s13] =	ssyncset.done $0x0  }
0x21: {  	[sflag:s13] =	ssyncadd.s32 $0xFFFF8000  }
0x22: {  	[tilespmem:s6], [sflag:$0x1] =	stream.indirect.gather [hbm4b:s5+s6], $0x8, s2, s6, $0xb8;
	[tilespmem:$0x11000] =	vst v63  }
0x23: {  	_ =	swait.ge [sflag:s7], $0x8000  }
0x24: {  	s19 =	sor.u32 $0x3000, s14;
	[sflag:s7] =	ssyncset.done $0x0  }
0x25: {  	s14 =	sadd.s32 s17, s18;
	s29 =	sshrl.u32 s19, $0x3;
	[sflag:s7] =	ssyncadd.s32 $0xFFFF8000  }
0x26: {  	[hbm4b:s14+s2] =	stream.linear.scatter [tilespmem:s6], [sflag:$0x2], $0x8000, $0x38;
	[tilespmem:$0x11000] =	vst v63  }
0x27: {  	s15 =	sadd.s32 s15, s29  }
0x28: {  	[tilespmem:s2], [sflag:$0x3] =	stream.linear.gather [hbm4b:s15+s2], $0x1000, $0x38;
	[tilespmem:$0x11000] =	vst v63  }
0x29: {  	_ =	swait.ge [sflag:s4], $0x1000  }
0x2a: {  	[sflag:s4] =	ssyncset.done $0x0  }
0x2b: {  	[sflag:s4] =	ssyncadd.s32 $0xFFFFF000  }
0x2c: {  	_ =	swait.ge [sflag:s13], $0x8000  }
0x2d: {  	s30 =	ssub.s32 $0x2, s16;
	[sflag:s13] =	ssyncset.done $0x0  }
0x2e: {  	s31 =	sshrl.u32 s30, $0x1;
	[sflag:s13] =	ssyncadd.s32 $0xFFFF8000  }
0x2f: {  	[tilespmem:s10], [sflag:$0x1] =	stream.indirect.gather [hbm4b:s5+s6], $0x8, s2, s6, $0xb8;
	[tilespmem:$0x11000] =	vst v63  }
0x30: {  	s16 =	sadd.s32 s17, s19;
	s17 =	ssub.s32 s30, s31;
	_ =	swait.ge [sflag:s7], $0x8000  }
0x31: {  	s17 =	smax.u32 s17, $0x1;
	[sflag:s7] =	ssyncset.done $0x0  }
0x32: {  	p0 =	sne.s32 s17, $0x1;
	[sflag:s7] =	ssyncadd.s32 $0xFFFF8000  }
0x33: {  	[hbm4b:s16+s2] =	stream.linear.scatter [tilespmem:s10], [sflag:$0x2], $0x8000, $0x38;
	[tilespmem:$0x11000] =	vst v63  }
.Ltmp0:
0x34: {  	_ =	swait.ge [sflag:s13], $0x8000;
	(pc) =	sbr.rel @!p0 .LBB2_2-.Ltmp0, $4  }
0x35: {  	[sflag:s13] =	ssyncset.done $0x0  }
0x36: {  	[sflag:s13] =	ssyncadd.s32 $0xFFFF8000  }
0x37: {  	_ =	swait.ge [sflag:s13], $0x8000  }
0x38: {  	s17 =	sadd.s32 $0xFFFFFFFF, s17;
	[sflag:s13] =	ssyncset.done $0x0  }
.LBB2_1:
0x39: {  	p0 =	sne.s32 s17, $0x1;
	s17 =	sadd.s32 $0xFFFFFFFF, s17;
	[sflag:s13] =	ssyncadd.s32 $0xFFFF8000  }
0x3a: {  	[tilespmem:s2], [sflag:$0x3] =	stream.linear.gather [hbm4b:s3+s2], $0x1000, $0x38;
	[tilespmem:$0x11000] =	vst v63  }
0x3b: {  	_ =	swait.ge [sflag:s4], $0x1000  }
0x3c: {  	[sflag:s4] =	ssyncset.done $0x0  }
0x3d: {  	[sflag:s4] =	ssyncadd.s32 $0xFFFFF000  }
0x3e: {  	[tilespmem:s6], [sflag:$0x1] =	stream.indirect.gather [hbm4b:s5+s6], $0x8, s2, s6, $0xb8;
	[tilespmem:$0x11000] =	vst v63  }
0x3f: {  	_ =	swait.ge [sflag:s7], $0x8000  }
0x40: {  	[sflag:s7] =	ssyncset.done $0x0  }
0x41: {  	[sflag:s7] =	ssyncadd.s32 $0xFFFF8000  }
0x42: {  	[hbm4b:s8+s2] =	stream.linear.scatter [tilespmem:s6], [sflag:$0x2], $0x8000, $0x38;
	[tilespmem:$0x11000] =	vst v63  }
0x43: {  	_ = 	snop  }
0x44: {  	[tilespmem:s2], [sflag:$0x3] =	stream.linear.gather [hbm4b:s9+s2], $0x1000, $0x38;
	[tilespmem:$0x11000] =	vst v63  }
0x45: {  	_ =	swait.ge [sflag:s4], $0x1000  }
0x46: {  	[sflag:s4] =	ssyncset.done $0x0  }
0x47: {  	[sflag:s4] =	ssyncadd.s32 $0xFFFFF000  }
0x48: {  	[tilespmem:s10], [sflag:$0x1] =	stream.indirect.gather [hbm4b:s5+s6], $0x8, s2, s6, $0xb8;
	[tilespmem:$0x11000] =	vst v63  }
0x49: {  	_ =	swait.ge [sflag:s7], $0x8000  }
0x4a: {  	[sflag:s7] =	ssyncset.done $0x0  }
0x4b: {  	[sflag:s7] =	ssyncadd.s32 $0xFFFF8000  }
0x4c: {  	[hbm4b:s11+s2] =	stream.linear.scatter [tilespmem:s10], [sflag:$0x2], $0x8000, $0x38;
	[tilespmem:$0x11000] =	vst v63  }
0x4d: {  	_ = 	snop  }
0x4e: {  	[tilespmem:s2], [sflag:$0x3] =	stream.linear.gather [hbm4b:s12+s2], $0x1000, $0x38;
	[tilespmem:$0x11000] =	vst v63  }
0x4f: {  	_ =	swait.ge [sflag:s4], $0x1000  }
0x50: {  	[sflag:s4] =	ssyncset.done $0x0  }
0x51: {  	[sflag:s4] =	ssyncadd.s32 $0xFFFFF000  }
0x52: {  	_ =	swait.ge [sflag:s13], $0x8000  }
0x53: {  	[sflag:s13] =	ssyncset.done $0x0  }
0x54: {  	[sflag:s13] =	ssyncadd.s32 $0xFFFF8000  }
0x55: {  	[tilespmem:s6], [sflag:$0x1] =	stream.indirect.gather [hbm4b:s5+s6], $0x8, s2, s6, $0xb8;
	[tilespmem:$0x11000] =	vst v63  }
0x56: {  	_ =	swait.ge [sflag:s7], $0x8000  }
0x57: {  	[sflag:s7] =	ssyncset.done $0x0  }
0x58: {  	[sflag:s7] =	ssyncadd.s32 $0xFFFF8000  }
0x59: {  	[hbm4b:s14+s2] =	stream.linear.scatter [tilespmem:s6], [sflag:$0x2], $0x8000, $0x38;
	[tilespmem:$0x11000] =	vst v63  }
0x5a: {  	_ = 	snop  }
0x5b: {  	[tilespmem:s2], [sflag:$0x3] =	stream.linear.gather [hbm4b:s15+s2], $0x1000, $0x38;
	[tilespmem:$0x11000] =	vst v63  }
0x5c: {  	_ =	swait.ge [sflag:s4], $0x1000  }
0x5d: {  	[sflag:s4] =	ssyncset.done $0x0  }
0x5e: {  	[sflag:s4] =	ssyncadd.s32 $0xFFFFF000  }
0x5f: {  	_ =	swait.ge [sflag:s13], $0x8000  }
0x60: {  	[sflag:s13] =	ssyncset.done $0x0  }
0x61: {  	[sflag:s13] =	ssyncadd.s32 $0xFFFF8000  }
0x62: {  	[tilespmem:s10], [sflag:$0x1] =	stream.indirect.gather [hbm4b:s5+s6], $0x8, s2, s6, $0xb8;
	[tilespmem:$0x11000] =	vst v63  }
0x63: {  	_ =	swait.ge [sflag:s7], $0x8000  }
0x64: {  	[sflag:s7] =	ssyncset.done $0x0  }
0x65: {  	[sflag:s7] =	ssyncadd.s32 $0xFFFF8000  }
0x66: {  	[hbm4b:s16+s2] =	stream.linear.scatter [tilespmem:s10], [sflag:$0x2], $0x8000, $0x38;
	[tilespmem:$0x11000] =	vst v63  }
.Ltmp1:
0x67: {  	_ =	swait.ge [sflag:s13], $0x8000;
	(pc) =	sbr.rel @p0 .LBB2_1-.Ltmp1, $4  }
0x68: {  	[sflag:s13] =	ssyncset.done $0x0  }
0x69: {  	[sflag:s13] =	ssyncadd.s32 $0xFFFF8000  }
0x6a: {  	_ =	swait.ge [sflag:s13], $0x8000  }
0x6b: {  	[sflag:s13] =	ssyncset.done $0x0  }
.LBB2_2:
0x6c: {  	[sflag:s13] =	ssyncadd.s32 $0xFFFF8000  }
0x6d: {  	_ =	sfence.sel $0x180000  }
0x6e: {  	[bflag:$0x0] =	sbarrier.arrive $0xFFFF  }
0x6f: {  	p0 =	sne.s32 s0, $0x0;
	_ =	strace $0x90000050  }
0x70: {  	s0 =	sadd.s32 @!p0 $0x100000, s1;
	[bflag:$0x2] =	sbarrier.arrive $0xFFFF  }
0x71: {  	[sflag:s0] =	ssyncadd.tile.s32 @!p0 $0x1;
	_ =	shalt  }
.Lfunc_end2:
_tile_overlayer_lowered:
.L_overlay_start_2:
0x72: {  	(tag) =	ssettag $0x2  }
0x73: {  	s0 =	rddreg [dreg:$0x0];
	s2 =	stileid.u32  }
0x74: {  	s1 =	rddreg [dreg:$0x1];
	p0 =	sne.s32 s2, $0x0  }
0x75: {  	s3 =	rddreg [dreg:$0x2];
	[bflag:$0x3] =	sbarrier.arrive $0xFFFF;
	s2 =	simm.s32 @!p0 $0x1C03  }
0x76: {  	[timem:s3], [sflag:s2] =	dma.local @!p0 [hbm:s0], s1  }
0x77: {  	s0 =	simm.s32 @!p0 $0x3  }
0x78: {  	_ =	swait.ge @!p0 [sflag:s0], s1  }
0x79: {  	s1 =	ssub.s32 @!p0 $0x0, s1;
	[sflag:s0] =	ssyncset.done @!p0 $0x0  }
0x7a: {  	[sflag:s0] =	ssyncadd.s32 @!p0 s1  }
0x7b: {  	[bflag:$0x3] =	sbarrier.arrive $0xFFFF  }
0x7c: {  	_ =	shalt  }

// kernel: kernel.26.cloned.1.call-start
scs
__scs_entry_jumppad:
0x0: {  	(pc) =	sbr.rel $0x88, $3  }
0x1: {  	(tag) =	ssettag $0x0;
	lr =	simm.s32 $0x1  }
0x2: {  	[smem:$0x3F90] =	sst lr;
	_ =	strace $0xD0000000  }
0x3: {  	_ = 	snop  }
0x4: {  	_ = 	snop  }
0x5: {  	_ = 	snop  }
0x6: {  	_ = 	snop  }
0x7: {  	_ = 	snop  }
__scs_overlays_trampoline_lowered:
0x8: {  	[smem:$0x3F9F] =	sst s0  }
0x9: {  	[smem:$0x3FA0] =	sst s1  }
0xa: {  	[smem:$0x3FA1] =	sst s2  }
0xb: {  	[smem:$0x3FA2] =	sst s3  }
0xc: {  	[smem:$0x3FA3] =	sst s4  }
0xd: {  	[smem:$0x3FA4] =	sst s5  }
0xe: {  	[smem:$0x3FA5] =	sst s6  }
0xf: {  	[smem:$0x3FA6] =	sst s7  }
0x10: {  	[smem:$0x3FA7] =	sst s8  }
0x11: {  	[smem:$0x3FA8] =	sst s9;
	s0 =	simm.s32 @!p0 $0x0  }
0x12: {  	s1 =	sld [smem:$0x3F8E];
	s0 =	simm.s32 @p0 $0x1  }
0x13: {  	[smem:$0x3FA9] =	sst s0;
	s0 =	simm.s32 @!p1 $0x0  }
0x14: {  	s2 =	sld [smem:$0x3F8D];
	s0 =	simm.s32 @p1 $0x1  }
0x15: {  	[smem:$0x3FAA] =	sst s0;
	s0 =	simm.s32 @!p2 $0x0  }
0x16: {  	s3 =	sld [smem:$0x3FDB];
	s0 =	simm.s32 @p2 $0x1  }
0x17: {  	s4 =	simm.s32 $0x1BF5;
	[smem:$0x3FAC] =	sst s0  }
0x18: {  	s0 =	sld [smem:$0x3F8F];
	_ =	swait.ge [sflag:s4], $0x0  }
0x19: {  	s7 =	sld [smem:$0x3F90]  }
0x1a: {  	s8 =	sadd.s32 $0xFFFFE003, lr  }
0x1b: {  	s9 =	sadd.s32 $0xFFFFFEF7, lr;
	s5 =	simm.s32 $0xFFFFFFFF;
	p2 =	slt.u32 s8, $0xFFFFF086  }
0x1c: {  	p1 =	slt.u32 s9, $0xF7A;
	s5 =	simm.s32 @!p2 $0x0  }
0x1d: {  	s5 =	simm.s32 @p1 $0x1;
	p0 =	seq.s32 s7, s2  }
0x1e: {  	s7 =	smul.u32 @!p0 $0xF7A, s2;
	p2 =	seq.s32 @!p0 s5, $0x0  }
0x1f: {  	s9 =	smul.u32 $0xF7A, s1;
	s8 =	simm.s32 @!p0 $0x1BF5;
	p2 =	por !p2, p0  }
0x20: {  	[sflag:s8] =	ssyncset.s32 @!p0 $0xFFFFF086;
	s6 =	sadd.s32 @!p0 s3, s7;
	s7 =	simm.s32 @!p0 $0x108  }
0x21: {  	s3 =	sadd.s32 s3, s9;
	s6 =	sadd.s32 @!p0 $0x88, s6;
	s7 =	simm.s32 @p2 $0x1082  }
0x22: {  	[simem:s7], [sflag:s8] =	dma.local @!p0 [hbm:s6], $0xF7A  }
0x23: {  	s9 =	sor.u32 $0xD0000000, s2;
	s6 =	simm.s32 $0x108;
	_ =	swait.ge @!p0 [sflag:s8], $0x0  }
0x24: {  	s3 =	sadd.s32 $0x88, s3;
	s6 =	simm.s32 @!p1 $0x1082;
	[sflag:s4] =	ssyncset.s32 $0xFFFFF086  }
0x25: {  	[simem:s6], [sflag:s4] =	dma.local [hbm:s3], $0xF7A  }
0x26: {  	[smem:$0x3F90] =	sst s1;
	(tag) =	ssettag s2;
	_ =	strace s9  }
0x27: {  	s1 =	sld [smem:$0x3FA0]  }
0x28: {  	s2 =	sld [smem:$0x3FA1]  }
0x29: {  	s4 =	sld [smem:$0x3FA3]  }
0x2a: {  	p0 =	seq.s32 s5, $0x0;
	s5 =	sld [smem:$0x3FA4]  }
0x2b: {  	s6 =	sld [smem:$0x3FA5]  }
0x2c: {  	s7 =	sld [smem:$0x3FA6]  }
0x2d: {  	s3 =	simm.s32 $0x108;
	s8 =	sld [smem:$0x3FA7]  }
0x2e: {  	s3 =	simm.s32 @!p0 $0x1082;
	s9 =	sld [smem:$0x3FA8]  }
0x2f: {  	lr =	sadd.s32 s0, s3;
	s0 =	sld [smem:$0x3F9F]  }
0x30: {  	s3 =	sld [smem:$0x3FA2]  }
0x31: {  	[smem:$0x3FAB] =	sst s10  }
0x32: {  	s10 =	sld [smem:$0x3FA9];
	_ =	sdelay $0x3  }
0x33: {  	p0 =	seq.s32 s10, $0x1;
	s10 =	sld [smem:$0x3FAB];
	_ =	sdelay $0x3  }
0x34: {  	[smem:$0x3FAB] =	sst s10  }
0x35: {  	s10 =	sld [smem:$0x3FAA];
	_ =	sdelay $0x3  }
0x36: {  	p1 =	seq.s32 s10, $0x1;
	s10 =	sld [smem:$0x3FAB];
	_ =	sdelay $0x3  }
0x37: {  	[smem:$0x3FAB] =	sst s10  }
0x38: {  	s10 =	sld [smem:$0x3FAC]  }
0x39: {  	_ = 	snop;
	(pc) =	sbr.ind lr, $3  }
0x3a: {  	_ = 	snop  }
0x3b: {  	_ = 	snop  }
0x3c: {  	p2 =	seq.s32 s10, $0x1;
	s10 =	sld [smem:$0x3FAB]  }
0x3d: {  	_ =	shalt  }
0x3e: {  	_ =	shalt  }
0x3f: {  	_ =	shalt  }
0x40: {  	_ =	shalt  }
0x41: {  	_ =	shalt  }
0x42: {  	_ =	shalt  }
0x43: {  	_ =	shalt  }
0x44: {  	_ =	shalt  }
0x45: {  	_ =	shalt  }
0x46: {  	_ =	shalt  }
0x47: {  	_ =	shalt  }
0x48: {  	_ =	shalt  }
0x49: {  	_ =	shalt  }
0x4a: {  	_ =	shalt  }
0x4b: {  	_ =	shalt  }
0x4c: {  	_ =	shalt  }
0x4d: {  	_ =	shalt  }
0x4e: {  	_ =	shalt  }
0x4f: {  	_ =	shalt  }
0x50: {  	_ =	shalt  }
0x51: {  	_ =	shalt  }
0x52: {  	_ =	shalt  }
0x53: {  	_ =	shalt  }
0x54: {  	_ =	shalt  }
0x55: {  	_ =	shalt  }
0x56: {  	_ =	shalt  }
0x57: {  	_ =	shalt  }
0x58: {  	_ =	shalt  }
0x59: {  	_ =	shalt  }
0x5a: {  	_ =	shalt  }
0x5b: {  	_ =	shalt  }
0x5c: {  	_ =	shalt  }
0x5d: {  	_ =	shalt  }
0x5e: {  	_ =	shalt  }
0x5f: {  	_ =	shalt  }
0x60: {  	_ =	shalt  }
0x61: {  	_ =	shalt  }
0x62: {  	_ =	shalt  }
0x63: {  	_ =	shalt  }
0x64: {  	_ =	shalt  }
0x65: {  	_ =	shalt  }
0x66: {  	_ =	shalt  }
0x67: {  	_ =	shalt  }
0x68: {  	_ =	shalt  }
0x69: {  	_ =	shalt  }
0x6a: {  	_ =	shalt  }
0x6b: {  	_ =	shalt  }
0x6c: {  	_ =	shalt  }
0x6d: {  	_ =	shalt  }
0x6e: {  	_ =	shalt  }
0x6f: {  	_ =	shalt  }
0x70: {  	_ =	shalt  }
0x71: {  	_ =	shalt  }
0x72: {  	_ =	shalt  }
0x73: {  	_ =	shalt  }
0x74: {  	_ =	shalt  }
0x75: {  	_ =	shalt  }
0x76: {  	_ =	shalt  }
0x77: {  	_ =	shalt  }
0x78: {  	_ =	shalt  }
0x79: {  	_ =	shalt  }
0x7a: {  	_ =	shalt  }
0x7b: {  	_ =	shalt  }
0x7c: {  	_ =	shalt  }
0x7d: {  	_ =	shalt  }
0x7e: {  	_ =	shalt  }
0x7f: {  	_ =	shalt  }
0x80: {  	_ =	shalt  }
0x81: {  	_ =	shalt  }
0x82: {  	_ =	shalt  }
0x83: {  	_ =	shalt  }
0x84: {  	_ =	shalt  }
0x85: {  	_ =	shalt  }
0x86: {  	_ =	shalt  }
0x87: {  	_ =	shalt  }
.Lfunc_end0:
.L_simem_size_0:
called_computation.4_lowered:
.L_overlay_start_0:
0x88: {  	s2 =	sld [smem:$0x3FD9]  }
0x89: {  	s3 =	sld [smem:$0x3FFE];
	_ =	sdelay $0x1  }
0x8a: {  	s1 =	srdreg.scid  }
0x8b: {  	s0 =	sand.u32 $0x1, s1  }
0x8c: {  	s16 =	sshll.u32 s0, $0xA;
	s2 =	sadd.s32 s3, s2  }
0x8d: {  	s2 =	sadd.s32 s2, s16  }
0x8e: {  	[smem:$0x3FB7] =	sst s2  }
0x8f: {  	_ = 	snop  }
0x90: {  	(tm) =	ssettm $0x1  }
0x91: {  	s17 =	sld [smem:$0x3FFB];
	_ =	sdelay $0x3  }
0x92: {  	_ =	strace s17  }
0x93: {  	s2 =	sld [smem:$0x3FFC];
	_ =	sdelay $0x3  }
0x94: {  	_ =	strace s2  }
0x95: {  	s2 =	sld [smem:$0x3FFD];
	_ =	sdelay $0x3  }
0x96: {  	_ =	strace s2  }
0x97: {  	_ =	strace $0x8FFFFFFF  }
0x98: {  	s18 =	sld [smem:$0x3FDB];
	_ =	sdelay $0x1  }
0x99: {  	s19 =	simm.s32 $_scs_section_size  }
0x9a: {  	s4 =	simm.s32 $_size__tile_overlayer_lowered;
	s5 =	simm.s32 $_tile_overlayer_lowered  }
0x9b: {  	s22 =	simm.s32 $0x1BFF;
	s21 =	sshll.u32 s5, $0x1;
	s2 =	sadd.s32 s19, s18  }
0x9c: {  	s6 =	simm.s32 $0x0;
	s20 =	sshll.u32 s4, $0x1;
	s4 =	sadd.s32 s21, s2  }
0x9d: {  	[timem:s6], [sflag:s22] =	dma.local [hbm:s4], s20  }
0x9e: {  	_ =	swait.ge [sflag:s22], s20  }
0x9f: {  	s3 =	ssub.s32 $0x0, s20;
	[sflag:s22] =	ssyncset.done $0x0  }
0xa0: {  	[sflag:s22] =	ssyncadd.s32 s3;
	_ =	sdelay $0x1  }
0xa1: {  	s23 =	simm.s32 $0x1B8B  }
0xa2: {  	_ =	swait.ge [sflag:s23], $0x1  }
0xa3: {  	[sflag:s23] =	ssyncset.done $0x0  }
0xa4: {  	s25 =	simm.s32 $0x1B8E;
	s24 =	sld [smem:$0x3FFE];
	[sflag:s23] =	ssyncadd.s32 $0xFFFFFFFF  }
0xa5: {  	s26 =	simm.s32 $execute0_lowered;
	[smem:$0x3FD2] =	sst s25  }
0xa6: {  	s4 =	sshll.u32 s26, $0x1;
	_ =	strace $0x80000052;
	[dreg:$0x1] =	wrdreg $0xFFFFFFFF  }
0xa7: {  	s28 =	simm.s32 $_size_execute0_lowered;
	s2 =	sadd.s32 s2, s4;
	[dreg:$0x0] =	wrdreg $0x0  }
0xa8: {  	s4 =	sshll.u32 s28, $0x1;
	[dreg:$0x2] =	wrdreg s2  }
0xa9: {  	[dreg:$0x3] =	wrdreg s4  }
0xaa: {  	[dreg:$0x4] =	wrdreg $0xC0  }
0xab: {  	_ =	task [dreg:s6], $0x5FFFF  }
0xac: {  	[dreg:$0x1] =	wrdreg $0xFFFFFFFF  }
0xad: {  	[dreg:$0x0] =	wrdreg $0x60  }
0xae: {  	[dreg:$0x2] =	wrdreg s24  }
0xaf: {  	[dreg:$0x3] =	wrdreg $0x9  }
0xb0: {  	_ =	task.clear_ibuf [dreg:s6], $0x4FFFF;
	_ =	strace $0x90000052  }
0xb1: {  	s29 =	simm.s32 $0x9;
	_ =	strace $0x80000054  }
0xb2: {  	_ =	swait.ge [sflag:s29], $0x1  }
0xb3: {  	[sflag:s29] =	ssyncadd.s32 $0xFFFFFFFF  }
0xb4: {  	_ =	strace $0x90000054  }
0xb5: {  	_ =	sfence  }
0xb6: {  	s30 =	sld [smem:$0x0];
	_ =	sdelay $0x2  }
0xb7: {  	s31 =	sshll.u32 s1, $0xD;
	s1 =	sshrl.u32 s1, $0x2  }
0xb8: {  	s3 =	sand.u32 $0x4000, s31;
	s1 =	sadd.s32 s1, s30  }
0xb9: {  	s0 =	sor.u32 s3, s0;
	s1 =	sshll.u32 s1, $0x11  }
0xba: {  	s0 =	sor.u32 s1, s0  }
0xbb: {  	s0 =	sadd.s32 $0x8F2B, s0  }
0xbc: {  	[sflag:s0] =	ssyncadd.remote.s32 $0x1  }
0xbd: {  	_ =	sfence.sel $0xFFFF  }
0xbe: {  	[dreg:$0x0] =	wrdreg $0xFFFFFFFF;
	(pc) =	sbr.abs _section_cstart, $3  }
0xbf: {  	[dreg:$0x1] =	wrdreg $0xFFFFFFFF  }
0xc0: {  	_ =	task.clear_ibuf [dreg:s6], $0x2FFFF;
	_ =	strace $0x9FFFFFFF  }
0xc1: {  	(tm) =	ssettm $0x7FFFFFFF  }
tec
execute0_lowered:
.L_overlay_start_1:
0x0: {  	(tag) =	ssettag $0x1  }
0x1: {  	s1 =	srdreg.scid  }
0x2: {  	s0 =	stileid.u32;
	s16 =	sand.u32 $0x1, s1  }
0x3: {  	s8 =	rddreg [dreg:$0x0];
	s3 =	sshll.u32 s0, $0xF;
	s4 =	sshll.u32 s16, $0xE  }
0x4: {  	s2 =	simm.s32 $0x0;
	s1 =	rddreg [dreg:$0x1];
	s14 =	sor.u32 s4, s3  }
0x5: {  	[smem:$0x7FF] =	sst s2;
	s15 =	sadd.s32 $0x4C00, s8;
	s3 =	sshrl.u32 s14, $0x3  }
0x6: {  	_ =	strace $0x80000053;
	s4 =	simm.s32 $0x3;
	s3 =	sadd.s32 s15, s3  }
0x7: {  	[tilespmem:s2], [sflag:$0x3] =	stream.linear.gather [hbm4b:s3+s2], $0x1000, $0x38;
	[tilespmem:$0x11000] =	vst v63  }
0x8: {  	_ =	swait.ge [sflag:s4], $0x1000  }
0x9: {  	s6 =	simm.s32 $0x1000;
	[sflag:s4] =	ssyncset.done $0x0  }
0xa: {  	s7 =	simm.s32 $0x1;
	s5 =	sadd.s32 $0x14C00, s8;
	[sflag:s4] =	ssyncadd.s32 $0xFFFFF000  }
0xb: {  	[tilespmem:s6], [sflag:$0x1] =	stream.indirect.gather [hbm4b:s5+s6], $0x8, s2, s6, $0xb8;
	[tilespmem:$0x11000] =	vst v63  }
0xc: {  	_ =	swait.ge [sflag:s7], $0x8000  }
0xd: {  	s17 =	sadd.s32 $0x1CC00, s8;
	s11 =	sor.u32 $0x1000, s14;
	[sflag:s7] =	ssyncset.done $0x0  }
0xe: {  	s8 =	sadd.s32 s17, s14;
	s9 =	sshrl.u32 s11, $0x3;
	[sflag:s7] =	ssyncadd.s32 $0xFFFF8000  }
0xf: {  	[hbm4b:s8+s2] =	stream.linear.scatter [tilespmem:s6], [sflag:$0x2], $0x8000, $0x38;
	[tilespmem:$0x11000] =	vst v63  }
0x10: {  	s9 =	sadd.s32 s15, s9  }
0x11: {  	[tilespmem:s2], [sflag:$0x3] =	stream.linear.gather [hbm4b:s9+s2], $0x1000, $0x38;
	[tilespmem:$0x11000] =	vst v63  }
0x12: {  	_ =	swait.ge [sflag:s4], $0x1000  }
0x13: {  	[sflag:s4] =	ssyncset.done $0x0  }
0x14: {  	s10 =	simm.s32 $0x9000;
	[sflag:s4] =	ssyncadd.s32 $0xFFFFF000  }
0x15: {  	[tilespmem:s10], [sflag:$0x1] =	stream.indirect.gather [hbm4b:s5+s6], $0x8, s2, s6, $0xb8;
	[tilespmem:$0x11000] =	vst v63  }
0x16: {  	_ =	swait.ge [sflag:s7], $0x8000  }
0x17: {  	s18 =	sor.u32 $0x2000, s14;
	[sflag:s7] =	ssyncset.done $0x0  }
0x18: {  	s11 =	sadd.s32 s17, s11;
	s12 =	sshrl.u32 s18, $0x3;
	[sflag:s7] =	ssyncadd.s32 $0xFFFF8000  }
0x19: {  	[hbm4b:s11+s2] =	stream.linear.scatter [tilespmem:s10], [sflag:$0x2], $0x8000, $0x38;
	[tilespmem:$0x11000] =	vst v63  }
0x1a: {  	s12 =	sadd.s32 s15, s12  }
0x1b: {  	[tilespmem:s2], [sflag:$0x3] =	stream.linear.gather [hbm4b:s12+s2], $0x1000, $0x38;
	[tilespmem:$0x11000] =	vst v63  }
0x1c: {  	_ =	swait.ge [sflag:s4], $0x1000  }
0x1d: {  	[sflag:s4] =	ssyncset.done $0x0  }
0x1e: {  	s13 =	simm.s32 $0x2;
	[sflag:s4] =	ssyncadd.s32 $0xFFFFF000  }
0x1f: {  	_ =	swait.ge [sflag:s13], $0x8000  }
0x20: {  	[sflag:s13] =	ssyncset.done $0x0  }
0x21: {  	[sflag:s13] =	ssyncadd.s32 $0xFFFF8000  }
0x22: {  	[tilespmem:s6], [sflag:$0x1] =	stream.indirect.gather [hbm4b:s5+s6], $0x8, s2, s6, $0xb8;
	[tilespmem:$0x11000] =	vst v63  }
0x23: {  	_ =	swait.ge [sflag:s7], $0x8000  }
0x24: {  	s19 =	sor.u32 $0x3000, s14;
	[sflag:s7] =	ssyncset.done $0x0  }
0x25: {  	s14 =	sadd.s32 s17, s18;
	s29 =	sshrl.u32 s19, $0x3;
	[sflag:s7] =	ssyncadd.s32 $0xFFFF8000  }
0x26: {  	[hbm4b:s14+s2] =	stream.linear.scatter [tilespmem:s6], [sflag:$0x2], $0x8000, $0x38;
	[tilespmem:$0x11000] =	vst v63  }
0x27: {  	s15 =	sadd.s32 s15, s29  }
0x28: {  	[tilespmem:s2], [sflag:$0x3] =	stream.linear.gather [hbm4b:s15+s2], $0x1000, $0x38;
	[tilespmem:$0x11000] =	vst v63  }
0x29: {  	_ =	swait.ge [sflag:s4], $0x1000  }
0x2a: {  	[sflag:s4] =	ssyncset.done $0x0  }
0x2b: {  	[sflag:s4] =	ssyncadd.s32 $0xFFFFF000  }
0x2c: {  	_ =	swait.ge [sflag:s13], $0x8000  }
0x2d: {  	s30 =	ssub.s32 $0x2, s16;
	[sflag:s13] =	ssyncset.done $0x0  }
0x2e: {  	s31 =	sshrl.u32 s30, $0x1;
	[sflag:s13] =	ssyncadd.s32 $0xFFFF8000  }
0x2f: {  	[tilespmem:s10], [sflag:$0x1] =	stream.indirect.gather [hbm4b:s5+s6], $0x8, s2, s6, $0xb8;
	[tilespmem:$0x11000] =	vst v63  }
0x30: {  	s16 =	sadd.s32 s17, s19;
	s17 =	ssub.s32 s30, s31;
	_ =	swait.ge [sflag:s7], $0x8000  }
0x31: {  	s17 =	smax.u32 s17, $0x1;
	[sflag:s7] =	ssyncset.done $0x0  }
0x32: {  	p0 =	sne.s32 s17, $0x1;
	[sflag:s7] =	ssyncadd.s32 $0xFFFF8000  }
0x33: {  	[hbm4b:s16+s2] =	stream.linear.scatter [tilespmem:s10], [sflag:$0x2], $0x8000, $0x38;
	[tilespmem:$0x11000] =	vst v63  }
.Ltmp0:
0x34: {  	_ =	swait.ge [sflag:s13], $0x8000;
	(pc) =	sbr.rel @!p0 .LBB2_2-.Ltmp0, $4  }
0x35: {  	[sflag:s13] =	ssyncset.done $0x0  }
0x36: {  	[sflag:s13] =	ssyncadd.s32 $0xFFFF8000  }
0x37: {  	_ =	swait.ge [sflag:s13], $0x8000  }
0x38: {  	s17 =	sadd.s32 $0xFFFFFFFF, s17;
	[sflag:s13] =	ssyncset.done $0x0  }
.LBB2_1:
0x39: {  	p0 =	sne.s32 s17, $0x1;
	s17 =	sadd.s32 $0xFFFFFFFF, s17;
	[sflag:s13] =	ssyncadd.s32 $0xFFFF8000  }
0x3a: {  	[tilespmem:s2], [sflag:$0x3] =	stream.linear.gather [hbm4b:s3+s2], $0x1000, $0x38;
	[tilespmem:$0x11000] =	vst v63  }
0x3b: {  	_ =	swait.ge [sflag:s4], $0x1000  }
0x3c: {  	[sflag:s4] =	ssyncset.done $0x0  }
0x3d: {  	[sflag:s4] =	ssyncadd.s32 $0xFFFFF000  }
0x3e: {  	[tilespmem:s6], [sflag:$0x1] =	stream.indirect.gather [hbm4b:s5+s6], $0x8, s2, s6, $0xb8;
	[tilespmem:$0x11000] =	vst v63  }
0x3f: {  	_ =	swait.ge [sflag:s7], $0x8000  }
0x40: {  	[sflag:s7] =	ssyncset.done $0x0  }
0x41: {  	[sflag:s7] =	ssyncadd.s32 $0xFFFF8000  }
0x42: {  	[hbm4b:s8+s2] =	stream.linear.scatter [tilespmem:s6], [sflag:$0x2], $0x8000, $0x38;
	[tilespmem:$0x11000] =	vst v63  }
0x43: {  	_ = 	snop  }
0x44: {  	[tilespmem:s2], [sflag:$0x3] =	stream.linear.gather [hbm4b:s9+s2], $0x1000, $0x38;
	[tilespmem:$0x11000] =	vst v63  }
0x45: {  	_ =	swait.ge [sflag:s4], $0x1000  }
0x46: {  	[sflag:s4] =	ssyncset.done $0x0  }
0x47: {  	[sflag:s4] =	ssyncadd.s32 $0xFFFFF000  }
0x48: {  	[tilespmem:s10], [sflag:$0x1] =	stream.indirect.gather [hbm4b:s5+s6], $0x8, s2, s6, $0xb8;
	[tilespmem:$0x11000] =	vst v63  }
0x49: {  	_ =	swait.ge [sflag:s7], $0x8000  }
0x4a: {  	[sflag:s7] =	ssyncset.done $0x0  }
0x4b: {  	[sflag:s7] =	ssyncadd.s32 $0xFFFF8000  }
0x4c: {  	[hbm4b:s11+s2] =	stream.linear.scatter [tilespmem:s10], [sflag:$0x2], $0x8000, $0x38;
	[tilespmem:$0x11000] =	vst v63  }
0x4d: {  	_ = 	snop  }
0x4e: {  	[tilespmem:s2], [sflag:$0x3] =	stream.linear.gather [hbm4b:s12+s2], $0x1000, $0x38;
	[tilespmem:$0x11000] =	vst v63  }
0x4f: {  	_ =	swait.ge [sflag:s4], $0x1000  }
0x50: {  	[sflag:s4] =	ssyncset.done $0x0  }
0x51: {  	[sflag:s4] =	ssyncadd.s32 $0xFFFFF000  }
0x52: {  	_ =	swait.ge [sflag:s13], $0x8000  }
0x53: {  	[sflag:s13] =	ssyncset.done $0x0  }
0x54: {  	[sflag:s13] =	ssyncadd.s32 $0xFFFF8000  }
0x55: {  	[tilespmem:s6], [sflag:$0x1] =	stream.indirect.gather [hbm4b:s5+s6], $0x8, s2, s6, $0xb8;
	[tilespmem:$0x11000] =	vst v63  }
0x56: {  	_ =	swait.ge [sflag:s7], $0x8000  }
0x57: {  	[sflag:s7] =	ssyncset.done $0x0  }
0x58: {  	[sflag:s7] =	ssyncadd.s32 $0xFFFF8000  }
0x59: {  	[hbm4b:s14+s2] =	stream.linear.scatter [tilespmem:s6], [sflag:$0x2], $0x8000, $0x38;
	[tilespmem:$0x11000] =	vst v63  }
0x5a: {  	_ = 	snop  }
0x5b: {  	[tilespmem:s2], [sflag:$0x3] =	stream.linear.gather [hbm4b:s15+s2], $0x1000, $0x38;
	[tilespmem:$0x11000] =	vst v63  }
0x5c: {  	_ =	swait.ge [sflag:s4], $0x1000  }
0x5d: {  	[sflag:s4] =	ssyncset.done $0x0  }
0x5e: {  	[sflag:s4] =	ssyncadd.s32 $0xFFFFF000  }
0x5f: {  	_ =	swait.ge [sflag:s13], $0x8000  }
0x60: {  	[sflag:s13] =	ssyncset.done $0x0  }
0x61: {  	[sflag:s13] =	ssyncadd.s32 $0xFFFF8000  }
0x62: {  	[tilespmem:s10], [sflag:$0x1] =	stream.indirect.gather [hbm4b:s5+s6], $0x8, s2, s6, $0xb8;
	[tilespmem:$0x11000] =	vst v63  }
0x63: {  	_ =	swait.ge [sflag:s7], $0x8000  }
0x64: {  	[sflag:s7] =	ssyncset.done $0x0  }
0x65: {  	[sflag:s7] =	ssyncadd.s32 $0xFFFF8000  }
0x66: {  	[hbm4b:s16+s2] =	stream.linear.scatter [tilespmem:s10], [sflag:$0x2], $0x8000, $0x38;
	[tilespmem:$0x11000] =	vst v63  }
.Ltmp1:
0x67: {  	_ =	swait.ge [sflag:s13], $0x8000;
	(pc) =	sbr.rel @p0 .LBB2_1-.Ltmp1, $4  }
0x68: {  	[sflag:s13] =	ssyncset.done $0x0  }
0x69: {  	[sflag:s13] =	ssyncadd.s32 $0xFFFF8000  }
0x6a: {  	_ =	swait.ge [sflag:s13], $0x8000  }
0x6b: {  	[sflag:s13] =	ssyncset.done $0x0  }
.LBB2_2:
0x6c: {  	[sflag:s13] =	ssyncadd.s32 $0xFFFF8000  }
0x6d: {  	_ =	sfence.sel $0x180000  }
0x6e: {  	[bflag:$0x0] =	sbarrier.arrive $0xFFFF  }
0x6f: {  	p0 =	sne.s32 s0, $0x0;
	_ =	strace $0x90000053  }
0x70: {  	s0 =	sadd.s32 @!p0 $0x100000, s1;
	[bflag:$0x2] =	sbarrier.arrive $0xFFFF  }
0x71: {  	[sflag:s0] =	ssyncadd.tile.s32 @!p0 $0x1;
	_ =	shalt  }
.Lfunc_end2:
_tile_overlayer_lowered:
.L_overlay_start_2:
0x72: {  	(tag) =	ssettag $0x2  }
0x73: {  	s0 =	rddreg [dreg:$0x0];
	s2 =	stileid.u32  }
0x74: {  	s1 =	rddreg [dreg:$0x1];
	p0 =	sne.s32 s2, $0x0  }
0x75: {  	s3 =	rddreg [dreg:$0x2];
	[bflag:$0x3] =	sbarrier.arrive $0xFFFF;
	s2 =	simm.s32 @!p0 $0x1C03  }
0x76: {  	[timem:s3], [sflag:s2] =	dma.local @!p0 [hbm:s0], s1  }
0x77: {  	s0 =	simm.s32 @!p0 $0x3  }
0x78: {  	_ =	swait.ge @!p0 [sflag:s0], s1  }
0x79: {  	s1 =	ssub.s32 @!p0 $0x0, s1;
	[sflag:s0] =	ssyncset.done @!p0 $0x0  }
0x7a: {  	[sflag:s0] =	ssyncadd.s32 @!p0 s1  }
0x7b: {  	[bflag:$0x3] =	sbarrier.arrive $0xFFFF  }
0x7c: {  	_ =	shalt  }

// kernel: kernel.29.cloned.1.call-start
scs
__scs_entry_jumppad:
0x0: {  	(pc) =	sbr.rel $0x88, $3  }
0x1: {  	(tag) =	ssettag $0x0;
	lr =	simm.s32 $0x1  }
0x2: {  	[smem:$0x3F90] =	sst lr;
	_ =	strace $0xD0000000  }
0x3: {  	_ = 	snop  }
0x4: {  	_ = 	snop  }
0x5: {  	_ = 	snop  }
0x6: {  	_ = 	snop  }
0x7: {  	_ = 	snop  }
__scs_overlays_trampoline_lowered:
0x8: {  	[smem:$0x3F9F] =	sst s0  }
0x9: {  	[smem:$0x3FA0] =	sst s1  }
0xa: {  	[smem:$0x3FA1] =	sst s2  }
0xb: {  	[smem:$0x3FA2] =	sst s3  }
0xc: {  	[smem:$0x3FA3] =	sst s4  }
0xd: {  	[smem:$0x3FA4] =	sst s5  }
0xe: {  	[smem:$0x3FA5] =	sst s6  }
0xf: {  	[smem:$0x3FA6] =	sst s7  }
0x10: {  	[smem:$0x3FA7] =	sst s8  }
0x11: {  	[smem:$0x3FA8] =	sst s9;
	s0 =	simm.s32 @!p0 $0x0  }
0x12: {  	s1 =	sld [smem:$0x3F8E];
	s0 =	simm.s32 @p0 $0x1  }
0x13: {  	[smem:$0x3FA9] =	sst s0;
	s0 =	simm.s32 @!p1 $0x0  }
0x14: {  	s2 =	sld [smem:$0x3F8D];
	s0 =	simm.s32 @p1 $0x1  }
0x15: {  	[smem:$0x3FAA] =	sst s0;
	s0 =	simm.s32 @!p2 $0x0  }
0x16: {  	s3 =	sld [smem:$0x3FDB];
	s0 =	simm.s32 @p2 $0x1  }
0x17: {  	s4 =	simm.s32 $0x1BF5;
	[smem:$0x3FAC] =	sst s0  }
0x18: {  	s0 =	sld [smem:$0x3F8F];
	_ =	swait.ge [sflag:s4], $0x0  }
0x19: {  	s7 =	sld [smem:$0x3F90]  }
0x1a: {  	s8 =	sadd.s32 $0xFFFFE003, lr  }
0x1b: {  	s9 =	sadd.s32 $0xFFFFFEF7, lr;
	s5 =	simm.s32 $0xFFFFFFFF;
	p2 =	slt.u32 s8, $0xFFFFF086  }
0x1c: {  	p1 =	slt.u32 s9, $0xF7A;
	s5 =	simm.s32 @!p2 $0x0  }
0x1d: {  	s5 =	simm.s32 @p1 $0x1;
	p0 =	seq.s32 s7, s2  }
0x1e: {  	s7 =	smul.u32 @!p0 $0xF7A, s2;
	p2 =	seq.s32 @!p0 s5, $0x0  }
0x1f: {  	s9 =	smul.u32 $0xF7A, s1;
	s8 =	simm.s32 @!p0 $0x1BF5;
	p2 =	por !p2, p0  }
0x20: {  	[sflag:s8] =	ssyncset.s32 @!p0 $0xFFFFF086;
	s6 =	sadd.s32 @!p0 s3, s7;
	s7 =	simm.s32 @!p0 $0x108  }
0x21: {  	s3 =	sadd.s32 s3, s9;
	s6 =	sadd.s32 @!p0 $0x88, s6;
	s7 =	simm.s32 @p2 $0x1082  }
0x22: {  	[simem:s7], [sflag:s8] =	dma.local @!p0 [hbm:s6], $0xF7A  }
0x23: {  	s9 =	sor.u32 $0xD0000000, s2;
	s6 =	simm.s32 $0x108;
	_ =	swait.ge @!p0 [sflag:s8], $0x0  }
0x24: {  	s3 =	sadd.s32 $0x88, s3;
	s6 =	simm.s32 @!p1 $0x1082;
	[sflag:s4] =	ssyncset.s32 $0xFFFFF086  }
0x25: {  	[simem:s6], [sflag:s4] =	dma.local [hbm:s3], $0xF7A  }
0x26: {  	[smem:$0x3F90] =	sst s1;
	(tag) =	ssettag s2;
	_ =	strace s9  }
0x27: {  	s1 =	sld [smem:$0x3FA0]  }
0x28: {  	s2 =	sld [smem:$0x3FA1]  }
0x29: {  	s4 =	sld [smem:$0x3FA3]  }
0x2a: {  	p0 =	seq.s32 s5, $0x0;
	s5 =	sld [smem:$0x3FA4]  }
0x2b: {  	s6 =	sld [smem:$0x3FA5]  }
0x2c: {  	s7 =	sld [smem:$0x3FA6]  }
0x2d: {  	s3 =	simm.s32 $0x108;
	s8 =	sld [smem:$0x3FA7]  }
0x2e: {  	s3 =	simm.s32 @!p0 $0x1082;
	s9 =	sld [smem:$0x3FA8]  }
0x2f: {  	lr =	sadd.s32 s0, s3;
	s0 =	sld [smem:$0x3F9F]  }
0x30: {  	s3 =	sld [smem:$0x3FA2]  }
0x31: {  	[smem:$0x3FAB] =	sst s10  }
0x32: {  	s10 =	sld [smem:$0x3FA9];
	_ =	sdelay $0x3  }
0x33: {  	p0 =	seq.s32 s10, $0x1;
	s10 =	sld [smem:$0x3FAB];
	_ =	sdelay $0x3  }
0x34: {  	[smem:$0x3FAB] =	sst s10  }
0x35: {  	s10 =	sld [smem:$0x3FAA];
	_ =	sdelay $0x3  }
0x36: {  	p1 =	seq.s32 s10, $0x1;
	s10 =	sld [smem:$0x3FAB];
	_ =	sdelay $0x3  }
0x37: {  	[smem:$0x3FAB] =	sst s10  }
0x38: {  	s10 =	sld [smem:$0x3FAC]  }
0x39: {  	_ = 	snop;
	(pc) =	sbr.ind lr, $3  }
0x3a: {  	_ = 	snop  }
0x3b: {  	_ = 	snop  }
0x3c: {  	p2 =	seq.s32 s10, $0x1;
	s10 =	sld [smem:$0x3FAB]  }
0x3d: {  	_ =	shalt  }
0x3e: {  	_ =	shalt  }
0x3f: {  	_ =	shalt  }
0x40: {  	_ =	shalt  }
0x41: {  	_ =	shalt  }
0x42: {  	_ =	shalt  }
0x43: {  	_ =	shalt  }
0x44: {  	_ =	shalt  }
0x45: {  	_ =	shalt  }
0x46: {  	_ =	shalt  }
0x47: {  	_ =	shalt  }
0x48: {  	_ =	shalt  }
0x49: {  	_ =	shalt  }
0x4a: {  	_ =	shalt  }
0x4b: {  	_ =	shalt  }
0x4c: {  	_ =	shalt  }
0x4d: {  	_ =	shalt  }
0x4e: {  	_ =	shalt  }
0x4f: {  	_ =	shalt  }
0x50: {  	_ =	shalt  }
0x51: {  	_ =	shalt  }
0x52: {  	_ =	shalt  }
0x53: {  	_ =	shalt  }
0x54: {  	_ =	shalt  }
0x55: {  	_ =	shalt  }
0x56: {  	_ =	shalt  }
0x57: {  	_ =	shalt  }
0x58: {  	_ =	shalt  }
0x59: {  	_ =	shalt  }
0x5a: {  	_ =	shalt  }
0x5b: {  	_ =	shalt  }
0x5c: {  	_ =	shalt  }
0x5d: {  	_ =	shalt  }
0x5e: {  	_ =	shalt  }
0x5f: {  	_ =	shalt  }
0x60: {  	_ =	shalt  }
0x61: {  	_ =	shalt  }
0x62: {  	_ =	shalt  }
0x63: {  	_ =	shalt  }
0x64: {  	_ =	shalt  }
0x65: {  	_ =	shalt  }
0x66: {  	_ =	shalt  }
0x67: {  	_ =	shalt  }
0x68: {  	_ =	shalt  }
0x69: {  	_ =	shalt  }
0x6a: {  	_ =	shalt  }
0x6b: {  	_ =	shalt  }
0x6c: {  	_ =	shalt  }
0x6d: {  	_ =	shalt  }
0x6e: {  	_ =	shalt  }
0x6f: {  	_ =	shalt  }
0x70: {  	_ =	shalt  }
0x71: {  	_ =	shalt  }
0x72: {  	_ =	shalt  }
0x73: {  	_ =	shalt  }
0x74: {  	_ =	shalt  }
0x75: {  	_ =	shalt  }
0x76: {  	_ =	shalt  }
0x77: {  	_ =	shalt  }
0x78: {  	_ =	shalt  }
0x79: {  	_ =	shalt  }
0x7a: {  	_ =	shalt  }
0x7b: {  	_ =	shalt  }
0x7c: {  	_ =	shalt  }
0x7d: {  	_ =	shalt  }
0x7e: {  	_ =	shalt  }
0x7f: {  	_ =	shalt  }
0x80: {  	_ =	shalt  }
0x81: {  	_ =	shalt  }
0x82: {  	_ =	shalt  }
0x83: {  	_ =	shalt  }
0x84: {  	_ =	shalt  }
0x85: {  	_ =	shalt  }
0x86: {  	_ =	shalt  }
0x87: {  	_ =	shalt  }
.Lfunc_end0:
.L_simem_size_0:
called_computation.5_lowered:
.L_overlay_start_0:
0x88: {  	s2 =	sld [smem:$0x3FD9]  }
0x89: {  	s3 =	sld [smem:$0x3FFE];
	_ =	sdelay $0x1  }
0x8a: {  	s1 =	srdreg.scid  }
0x8b: {  	s0 =	sand.u32 $0x1, s1  }
0x8c: {  	s16 =	sshll.u32 s0, $0xA;
	s2 =	sadd.s32 s3, s2  }
0x8d: {  	s2 =	sadd.s32 s2, s16  }
0x8e: {  	[smem:$0x3FB7] =	sst s2  }
0x8f: {  	_ = 	snop  }
0x90: {  	(tm) =	ssettm $0x1  }
0x91: {  	s17 =	sld [smem:$0x3FFB];
	_ =	sdelay $0x3  }
0x92: {  	_ =	strace s17  }
0x93: {  	s2 =	sld [smem:$0x3FFC];
	_ =	sdelay $0x3  }
0x94: {  	_ =	strace s2  }
0x95: {  	s2 =	sld [smem:$0x3FFD];
	_ =	sdelay $0x3  }
0x96: {  	_ =	strace s2  }
0x97: {  	_ =	strace $0x8FFFFFFF  }
0x98: {  	s18 =	sld [smem:$0x3FDB];
	_ =	sdelay $0x1  }
0x99: {  	s19 =	simm.s32 $_scs_section_size  }
0x9a: {  	s4 =	simm.s32 $_size__tile_overlayer_lowered;
	s5 =	simm.s32 $_tile_overlayer_lowered  }
0x9b: {  	s22 =	simm.s32 $0x1BFF;
	s21 =	sshll.u32 s5, $0x1;
	s2 =	sadd.s32 s19, s18  }
0x9c: {  	s6 =	simm.s32 $0x0;
	s20 =	sshll.u32 s4, $0x1;
	s4 =	sadd.s32 s21, s2  }
0x9d: {  	[timem:s6], [sflag:s22] =	dma.local [hbm:s4], s20  }
0x9e: {  	_ =	swait.ge [sflag:s22], s20  }
0x9f: {  	s3 =	ssub.s32 $0x0, s20;
	[sflag:s22] =	ssyncset.done $0x0  }
0xa0: {  	[sflag:s22] =	ssyncadd.s32 s3;
	_ =	sdelay $0x1  }
0xa1: {  	s23 =	simm.s32 $0x1B8B  }
0xa2: {  	_ =	swait.ge [sflag:s23], $0x1  }
0xa3: {  	[sflag:s23] =	ssyncset.done $0x0  }
0xa4: {  	s25 =	simm.s32 $0x1B8E;
	s24 =	sld [smem:$0x3FFE];
	[sflag:s23] =	ssyncadd.s32 $0xFFFFFFFF  }
0xa5: {  	s26 =	simm.s32 $execute0_lowered;
	[smem:$0x3FD2] =	sst s25  }
0xa6: {  	s4 =	sshll.u32 s26, $0x1;
	_ =	strace $0x80000055;
	[dreg:$0x1] =	wrdreg $0xFFFFFFFF  }
0xa7: {  	s28 =	simm.s32 $_size_execute0_lowered;
	s2 =	sadd.s32 s2, s4;
	[dreg:$0x0] =	wrdreg $0x0  }
0xa8: {  	s4 =	sshll.u32 s28, $0x1;
	[dreg:$0x2] =	wrdreg s2  }
0xa9: {  	[dreg:$0x3] =	wrdreg s4  }
0xaa: {  	[dreg:$0x4] =	wrdreg $0xC0  }
0xab: {  	_ =	task [dreg:s6], $0x5FFFF  }
0xac: {  	[dreg:$0x1] =	wrdreg $0xFFFFFFFF  }
0xad: {  	[dreg:$0x0] =	wrdreg $0x60  }
0xae: {  	[dreg:$0x2] =	wrdreg s24  }
0xaf: {  	[dreg:$0x3] =	wrdreg $0x9  }
0xb0: {  	_ =	task.clear_ibuf [dreg:s6], $0x4FFFF;
	_ =	strace $0x90000055  }
0xb1: {  	s29 =	simm.s32 $0x9;
	_ =	strace $0x80000057  }
0xb2: {  	_ =	swait.ge [sflag:s29], $0x1  }
0xb3: {  	[sflag:s29] =	ssyncadd.s32 $0xFFFFFFFF  }
0xb4: {  	_ =	strace $0x90000057  }
0xb5: {  	_ =	sfence  }
0xb6: {  	s30 =	sld [smem:$0x0];
	_ =	sdelay $0x2  }
0xb7: {  	s31 =	sshll.u32 s1, $0xD;
	s1 =	sshrl.u32 s1, $0x2  }
0xb8: {  	s3 =	sand.u32 $0x4000, s31;
	s1 =	sadd.s32 s1, s30  }
0xb9: {  	s0 =	sor.u32 s3, s0;
	s1 =	sshll.u32 s1, $0x11  }
0xba: {  	s0 =	sor.u32 s1, s0  }
0xbb: {  	s0 =	sadd.s32 $0x8F2B, s0  }
0xbc: {  	[sflag:s0] =	ssyncadd.remote.s32 $0x1  }
0xbd: {  	_ =	sfence.sel $0xFFFF  }
0xbe: {  	[dreg:$0x0] =	wrdreg $0xFFFFFFFF;
	(pc) =	sbr.abs _section_cstart, $3  }
0xbf: {  	[dreg:$0x1] =	wrdreg $0xFFFFFFFF  }
0xc0: {  	_ =	task.clear_ibuf [dreg:s6], $0x2FFFF;
	_ =	strace $0x9FFFFFFF  }
0xc1: {  	(tm) =	ssettm $0x7FFFFFFF  }
tec
execute0_lowered:
.L_overlay_start_1:
0x0: {  	(tag) =	ssettag $0x1  }
0x1: {  	s1 =	srdreg.scid  }
0x2: {  	s0 =	stileid.u32;
	s16 =	sand.u32 $0x1, s1  }
0x3: {  	s8 =	rddreg [dreg:$0x0];
	s3 =	sshll.u32 s0, $0xF;
	s4 =	sshll.u32 s16, $0xE  }
0x4: {  	s2 =	simm.s32 $0x0;
	s1 =	rddreg [dreg:$0x1];
	s14 =	sor.u32 s4, s3  }
0x5: {  	[smem:$0x7FF] =	sst s2;
	s15 =	sadd.s32 $0x4C00, s8;
	s3 =	sshrl.u32 s14, $0x3  }
0x6: {  	_ =	strace $0x80000056;
	s4 =	simm.s32 $0x3;
	s3 =	sadd.s32 s15, s3  }
0x7: {  	[tilespmem:s2], [sflag:$0x3] =	stream.linear.gather [hbm4b:s3+s2], $0x1000, $0x38;
	[tilespmem:$0x11000] =	vst v63  }
0x8: {  	_ =	swait.ge [sflag:s4], $0x1000  }
0x9: {  	s6 =	simm.s32 $0x1000;
	[sflag:s4] =	ssyncset.done $0x0  }
0xa: {  	s7 =	simm.s32 $0x1;
	s5 =	sadd.s32 $0x14C00, s8;
	[sflag:s4] =	ssyncadd.s32 $0xFFFFF000  }
0xb: {  	[tilespmem:s6], [sflag:$0x1] =	stream.indirect.gather [hbm4b:s5+s6], $0x8, s2, s6, $0xb8;
	[tilespmem:$0x11000] =	vst v63  }
0xc: {  	_ =	swait.ge [sflag:s7], $0x8000  }
0xd: {  	s17 =	sadd.s32 $0x1CC00, s8;
	s11 =	sor.u32 $0x1000, s14;
	[sflag:s7] =	ssyncset.done $0x0  }
0xe: {  	s8 =	sadd.s32 s17, s14;
	s9 =	sshrl.u32 s11, $0x3;
	[sflag:s7] =	ssyncadd.s32 $0xFFFF8000  }
0xf: {  	[hbm4b:s8+s2] =	stream.linear.scatter [tilespmem:s6], [sflag:$0x2], $0x8000, $0x38;
	[tilespmem:$0x11000] =	vst v63  }
0x10: {  	s9 =	sadd.s32 s15, s9  }
0x11: {  	[tilespmem:s2], [sflag:$0x3] =	stream.linear.gather [hbm4b:s9+s2], $0x1000, $0x38;
	[tilespmem:$0x11000] =	vst v63  }
0x12: {  	_ =	swait.ge [sflag:s4], $0x1000  }
0x13: {  	[sflag:s4] =	ssyncset.done $0x0  }
0x14: {  	s10 =	simm.s32 $0x9000;
	[sflag:s4] =	ssyncadd.s32 $0xFFFFF000  }
0x15: {  	[tilespmem:s10], [sflag:$0x1] =	stream.indirect.gather [hbm4b:s5+s6], $0x8, s2, s6, $0xb8;
	[tilespmem:$0x11000] =	vst v63  }
0x16: {  	_ =	swait.ge [sflag:s7], $0x8000  }
0x17: {  	s18 =	sor.u32 $0x2000, s14;
	[sflag:s7] =	ssyncset.done $0x0  }
0x18: {  	s11 =	sadd.s32 s17, s11;
	s12 =	sshrl.u32 s18, $0x3;
	[sflag:s7] =	ssyncadd.s32 $0xFFFF8000  }
0x19: {  	[hbm4b:s11+s2] =	stream.linear.scatter [tilespmem:s10], [sflag:$0x2], $0x8000, $0x38;
	[tilespmem:$0x11000] =	vst v63  }
0x1a: {  	s12 =	sadd.s32 s15, s12  }
0x1b: {  	[tilespmem:s2], [sflag:$0x3] =	stream.linear.gather [hbm4b:s12+s2], $0x1000, $0x38;
	[tilespmem:$0x11000] =	vst v63  }
0x1c: {  	_ =	swait.ge [sflag:s4], $0x1000  }
0x1d: {  	[sflag:s4] =	ssyncset.done $0x0  }
0x1e: {  	s13 =	simm.s32 $0x2;
	[sflag:s4] =	ssyncadd.s32 $0xFFFFF000  }
0x1f: {  	_ =	swait.ge [sflag:s13], $0x8000  }
0x20: {  	[sflag:s13] =	ssyncset.done $0x0  }
0x21: {  	[sflag:s13] =	ssyncadd.s32 $0xFFFF8000  }
0x22: {  	[tilespmem:s6], [sflag:$0x1] =	stream.indirect.gather [hbm4b:s5+s6], $0x8, s2, s6, $0xb8;
	[tilespmem:$0x11000] =	vst v63  }
0x23: {  	_ =	swait.ge [sflag:s7], $0x8000  }
0x24: {  	s19 =	sor.u32 $0x3000, s14;
	[sflag:s7] =	ssyncset.done $0x0  }
0x25: {  	s14 =	sadd.s32 s17, s18;
	s29 =	sshrl.u32 s19, $0x3;
	[sflag:s7] =	ssyncadd.s32 $0xFFFF8000  }
0x26: {  	[hbm4b:s14+s2] =	stream.linear.scatter [tilespmem:s6], [sflag:$0x2], $0x8000, $0x38;
	[tilespmem:$0x11000] =	vst v63  }
0x27: {  	s15 =	sadd.s32 s15, s29  }
0x28: {  	[tilespmem:s2], [sflag:$0x3] =	stream.linear.gather [hbm4b:s15+s2], $0x1000, $0x38;
	[tilespmem:$0x11000] =	vst v63  }
0x29: {  	_ =	swait.ge [sflag:s4], $0x1000  }
0x2a: {  	[sflag:s4] =	ssyncset.done $0x0  }
0x2b: {  	[sflag:s4] =	ssyncadd.s32 $0xFFFFF000  }
0x2c: {  	_ =	swait.ge [sflag:s13], $0x8000  }
0x2d: {  	s30 =	ssub.s32 $0x2, s16;
	[sflag:s13] =	ssyncset.done $0x0  }
0x2e: {  	s31 =	sshrl.u32 s30, $0x1;
	[sflag:s13] =	ssyncadd.s32 $0xFFFF8000  }
0x2f: {  	[tilespmem:s10], [sflag:$0x1] =	stream.indirect.gather [hbm4b:s5+s6], $0x8, s2, s6, $0xb8;
	[tilespmem:$0x11000] =	vst v63  }
0x30: {  	s16 =	sadd.s32 s17, s19;
	s17 =	ssub.s32 s30, s31;
	_ =	swait.ge [sflag:s7], $0x8000  }
0x31: {  	s17 =	smax.u32 s17, $0x1;
	[sflag:s7] =	ssyncset.done $0x0  }
0x32: {  	p0 =	sne.s32 s17, $0x1;
	[sflag:s7] =	ssyncadd.s32 $0xFFFF8000  }
0x33: {  	[hbm4b:s16+s2] =	stream.linear.scatter [tilespmem:s10], [sflag:$0x2], $0x8000, $0x38;
	[tilespmem:$0x11000] =	vst v63  }
.Ltmp0:
0x34: {  	_ =	swait.ge [sflag:s13], $0x8000;
	(pc) =	sbr.rel @!p0 .LBB2_2-.Ltmp0, $4  }
0x35: {  	[sflag:s13] =	ssyncset.done $0x0  }
0x36: {  	[sflag:s13] =	ssyncadd.s32 $0xFFFF8000  }
0x37: {  	_ =	swait.ge [sflag:s13], $0x8000  }
0x38: {  	s17 =	sadd.s32 $0xFFFFFFFF, s17;
	[sflag:s13] =	ssyncset.done $0x0  }
.LBB2_1:
0x39: {  	p0 =	sne.s32 s17, $0x1;
	s17 =	sadd.s32 $0xFFFFFFFF, s17;
	[sflag:s13] =	ssyncadd.s32 $0xFFFF8000  }
0x3a: {  	[tilespmem:s2], [sflag:$0x3] =	stream.linear.gather [hbm4b:s3+s2], $0x1000, $0x38;
	[tilespmem:$0x11000] =	vst v63  }
0x3b: {  	_ =	swait.ge [sflag:s4], $0x1000  }
0x3c: {  	[sflag:s4] =	ssyncset.done $0x0  }
0x3d: {  	[sflag:s4] =	ssyncadd.s32 $0xFFFFF000  }
0x3e: {  	[tilespmem:s6], [sflag:$0x1] =	stream.indirect.gather [hbm4b:s5+s6], $0x8, s2, s6, $0xb8;
	[tilespmem:$0x11000] =	vst v63  }
0x3f: {  	_ =	swait.ge [sflag:s7], $0x8000  }
0x40: {  	[sflag:s7] =	ssyncset.done $0x0  }
0x41: {  	[sflag:s7] =	ssyncadd.s32 $0xFFFF8000  }
0x42: {  	[hbm4b:s8+s2] =	stream.linear.scatter [tilespmem:s6], [sflag:$0x2], $0x8000, $0x38;
	[tilespmem:$0x11000] =	vst v63  }
0x43: {  	_ = 	snop  }
0x44: {  	[tilespmem:s2], [sflag:$0x3] =	stream.linear.gather [hbm4b:s9+s2], $0x1000, $0x38;
	[tilespmem:$0x11000] =	vst v63  }
0x45: {  	_ =	swait.ge [sflag:s4], $0x1000  }
0x46: {  	[sflag:s4] =	ssyncset.done $0x0  }
0x47: {  	[sflag:s4] =	ssyncadd.s32 $0xFFFFF000  }
0x48: {  	[tilespmem:s10], [sflag:$0x1] =	stream.indirect.gather [hbm4b:s5+s6], $0x8, s2, s6, $0xb8;
	[tilespmem:$0x11000] =	vst v63  }
0x49: {  	_ =	swait.ge [sflag:s7], $0x8000  }
0x4a: {  	[sflag:s7] =	ssyncset.done $0x0  }
0x4b: {  	[sflag:s7] =	ssyncadd.s32 $0xFFFF8000  }
0x4c: {  	[hbm4b:s11+s2] =	stream.linear.scatter [tilespmem:s10], [sflag:$0x2], $0x8000, $0x38;
	[tilespmem:$0x11000] =	vst v63  }
0x4d: {  	_ = 	snop  }
0x4e: {  	[tilespmem:s2], [sflag:$0x3] =	stream.linear.gather [hbm4b:s12+s2], $0x1000, $0x38;
	[tilespmem:$0x11000] =	vst v63  }
0x4f: {  	_ =	swait.ge [sflag:s4], $0x1000  }
0x50: {  	[sflag:s4] =	ssyncset.done $0x0  }
0x51: {  	[sflag:s4] =	ssyncadd.s32 $0xFFFFF000  }
0x52: {  	_ =	swait.ge [sflag:s13], $0x8000  }
0x53: {  	[sflag:s13] =	ssyncset.done $0x0  }
0x54: {  	[sflag:s13] =	ssyncadd.s32 $0xFFFF8000  }
0x55: {  	[tilespmem:s6], [sflag:$0x1] =	stream.indirect.gather [hbm4b:s5+s6], $0x8, s2, s6, $0xb8;
	[tilespmem:$0x11000] =	vst v63  }
0x56: {  	_ =	swait.ge [sflag:s7], $0x8000  }
0x57: {  	[sflag:s7] =	ssyncset.done $0x0  }
0x58: {  	[sflag:s7] =	ssyncadd.s32 $0xFFFF8000  }
0x59: {  	[hbm4b:s14+s2] =	stream.linear.scatter [tilespmem:s6], [sflag:$0x2], $0x8000, $0x38;
	[tilespmem:$0x11000] =	vst v63  }
0x5a: {  	_ = 	snop  }
0x5b: {  	[tilespmem:s2], [sflag:$0x3] =	stream.linear.gather [hbm4b:s15+s2], $0x1000, $0x38;
	[tilespmem:$0x11000] =	vst v63  }
0x5c: {  	_ =	swait.ge [sflag:s4], $0x1000  }
0x5d: {  	[sflag:s4] =	ssyncset.done $0x0  }
0x5e: {  	[sflag:s4] =	ssyncadd.s32 $0xFFFFF000  }
0x5f: {  	_ =	swait.ge [sflag:s13], $0x8000  }
0x60: {  	[sflag:s13] =	ssyncset.done $0x0  }
0x61: {  	[sflag:s13] =	ssyncadd.s32 $0xFFFF8000  }
0x62: {  	[tilespmem:s10], [sflag:$0x1] =	stream.indirect.gather [hbm4b:s5+s6], $0x8, s2, s6, $0xb8;
	[tilespmem:$0x11000] =	vst v63  }
0x63: {  	_ =	swait.ge [sflag:s7], $0x8000  }
0x64: {  	[sflag:s7] =	ssyncset.done $0x0  }
0x65: {  	[sflag:s7] =	ssyncadd.s32 $0xFFFF8000  }
0x66: {  	[hbm4b:s16+s2] =	stream.linear.scatter [tilespmem:s10], [sflag:$0x2], $0x8000, $0x38;
	[tilespmem:$0x11000] =	vst v63  }
.Ltmp1:
0x67: {  	_ =	swait.ge [sflag:s13], $0x8000;
	(pc) =	sbr.rel @p0 .LBB2_1-.Ltmp1, $4  }
0x68: {  	[sflag:s13] =	ssyncset.done $0x0  }
0x69: {  	[sflag:s13] =	ssyncadd.s32 $0xFFFF8000  }
0x6a: {  	_ =	swait.ge [sflag:s13], $0x8000  }
0x6b: {  	[sflag:s13] =	ssyncset.done $0x0  }
.LBB2_2:
0x6c: {  	[sflag:s13] =	ssyncadd.s32 $0xFFFF8000  }
0x6d: {  	_ =	sfence.sel $0x180000  }
0x6e: {  	[bflag:$0x0] =	sbarrier.arrive $0xFFFF  }
0x6f: {  	p0 =	sne.s32 s0, $0x0;
	_ =	strace $0x90000056  }
0x70: {  	s0 =	sadd.s32 @!p0 $0x100000, s1;
	[bflag:$0x2] =	sbarrier.arrive $0xFFFF  }
0x71: {  	[sflag:s0] =	ssyncadd.tile.s32 @!p0 $0x1;
	_ =	shalt  }
.Lfunc_end2:
_tile_overlayer_lowered:
.L_overlay_start_2:
0x72: {  	(tag) =	ssettag $0x2  }
0x73: {  	s0 =	rddreg [dreg:$0x0];
	s2 =	stileid.u32  }
0x74: {  	s1 =	rddreg [dreg:$0x1];
	p0 =	sne.s32 s2, $0x0  }
0x75: {  	s3 =	rddreg [dreg:$0x2];
	[bflag:$0x3] =	sbarrier.arrive $0xFFFF;
	s2 =	simm.s32 @!p0 $0x1C03  }
0x76: {  	[timem:s3], [sflag:s2] =	dma.local @!p0 [hbm:s0], s1  }
0x77: {  	s0 =	simm.s32 @!p0 $0x3  }
0x78: {  	_ =	swait.ge @!p0 [sflag:s0], s1  }
0x79: {  	s1 =	ssub.s32 @!p0 $0x0, s1;
	[sflag:s0] =	ssyncset.done @!p0 $0x0  }
0x7a: {  	[sflag:s0] =	ssyncadd.s32 @!p0 s1  }
0x7b: {  	[bflag:$0x3] =	sbarrier.arrive $0xFFFF  }
0x7c: {  	_ =	shalt  }

</sc_bundles>
